<compile_context>
chip_gen: v7x
topology: tpu7x:2x2x1
jax: 0.10.2.dev20260603
libtpu: 0.0.44.dev20260713+nightly
codegen_flags: <defaults>
</compile_context>

<pallas_src>
import functools

import jax
import jax.numpy as jnp
from jax import lax
from jax.experimental import pallas as pl
from jax.experimental.pallas import tpu as pltpu
from jax.experimental.pallas import tpu_sc as plsc

_VOCAB = 1000000
_H = 64
_N_CMDS = 1024
_CMD_LEN = 20
_OBS_LEN = 200

_NC, _NS = 2, 16
_NW = _NC * _NS
_CMDS_PER_W = _N_CMDS // _NW
_ROWS_PER_W = _CMDS_PER_W * _CMD_LEN
_IDX_CHUNK = 128
_N_CHUNKS = _ROWS_PER_W // _IDX_CHUNK
_OBS_PAD = 256
_P_ROWS = _VOCAB // 16
_VB = 8192
_GRID_A = -(-_VOCAB // _VB)


def _gumbel_const():
  return jax.random.gumbel(
      jax.random.key(123), (_N_CMDS,), jnp.float32
  ).reshape(_NW, _CMDS_PER_W)


def _matvec_kernel(embT_ref, w_ref, pc_ref, ps_ref, pv_ref):
  p = lax.dot_general(
      w_ref[...], embT_ref[...], (((1,), (0,)), ((), ())),
      preferred_element_type=jnp.float32,
      precision=lax.Precision.HIGHEST,
  )
  pc_ref[...] = p[0]
  ps_ref[...] = p[1]
  pv_ref[...] = p[2]


def _projections(embT, w8):
  return pl.pallas_call(
      _matvec_kernel,
      grid=(_GRID_A,),
      in_specs=[
          pl.BlockSpec((_H, _VB), lambda i: (0, i)),
          pl.BlockSpec((8, _H), lambda i: (0, 0)),
      ],
      out_specs=[
          pl.BlockSpec((_VB,), lambda i: (i,)),
          pl.BlockSpec((_VB,), lambda i: (i,)),
          pl.BlockSpec((_VB,), lambda i: (i,)),
      ],
      out_shape=[jax.ShapeDtypeStruct((_VOCAB,), jnp.float32)] * 3,
  )(embT, w8)


@functools.lru_cache(maxsize=1)
def _sc_pool_kernel():
  mesh = plsc.VectorSubcoreMesh(
      core_axis_name="c", subcore_axis_name="s",
      num_cores=_NC, num_subcores=_NS,
  )

  @functools.partial(
      pl.kernel,
      out_type=[
          jax.ShapeDtypeStruct((_NW, 1, _CMDS_PER_W), jnp.float32),
          jax.ShapeDtypeStruct((2, 1, 16), jnp.float32),
      ],
      mesh=mesh,
      compiler_params=pltpu.CompilerParams(
          use_tc_tiling_on_sc=False, needs_layout_passes=False
      ),
      scratch_types=[
          pltpu.VMEM((_N_CHUNKS, _IDX_CHUNK), jnp.int32),
          pltpu.VMEM((_N_CHUNKS, _IDX_CHUNK), jnp.int32),
          pltpu.VMEM((_ROWS_PER_W, 16), jnp.float32),
          pltpu.VMEM((1, 2 * 16), jnp.float32),
          pltpu.VMEM((2, _IDX_CHUNK), jnp.int32),
          pltpu.VMEM((_OBS_PAD, 16), jnp.float32),
          pltpu.VMEM((1, 16), jnp.float32),
          pltpu.SemaphoreType.DMA,
      ],
  )
  def sc_kernel(pc_hbm, ps_hbm, pv_hbm, cmd_idx_hbm, obs_idx_hbm,
                cmd_out_hbm, obs_out_hbm,
                idx_v, row_v, rows_v, out_v, oidx_v, orows_v, oacc_v, sem):
    wid = lax.axis_index("s") * _NC + lax.axis_index("c")
    lanes = lax.iota(jnp.int32, 16)

    pltpu.sync_copy(cmd_idx_hbm.at[wid], idx_v)
    for j in range(_N_CHUNKS):
      for g in range(8):
        row_v[j, pl.ds(g * 16, 16)] = lax.shift_right_logical(
            idx_v[j, pl.ds(g * 16, 16)], 4
        )
    cps = [
        pltpu.async_copy(
            pc_hbm.at[row_v.at[j]],
            rows_v.at[pl.ds(j * _IDX_CHUNK, _IDX_CHUNK)],
            sem,
        )
        for j in range(_N_CHUNKS)
    ]
    for cp in cps:
      cp.wait()

    accs = [jnp.zeros((16,), jnp.float32) for _ in range(2)]
    for g in range(_ROWS_PER_W // 16):
      j, o = g // 8, (g % 8) * 16
      sel = idx_v[j, pl.ds(o, 16)] & 15
      val = plsc.load_gather(rows_v, [lanes + 16 * g, sel])
      accs[g % 2] = accs[g % 2] + val
    out_v[0, pl.ds(0, 16)] = accs[0]
    out_v[0, pl.ds(16, 16)] = accs[1]
    pltpu.sync_copy(out_v, cmd_out_hbm.at[wid])

    def obs_pool(tbl_hbm, out_row):
      pltpu.sync_copy(obs_idx_hbm, oidx_v)
      for j in range(2):
        for g in range(8):
          row_v[j, pl.ds(g * 16, 16)] = lax.shift_right_logical(
              oidx_v[j, pl.ds(g * 16, 16)], 4
          )
      ocps = [
          pltpu.async_copy(
              tbl_hbm.at[row_v.at[j]],
              orows_v.at[pl.ds(j * _IDX_CHUNK, _IDX_CHUNK)],
              sem,
          )
          for j in range(2)
      ]
      for cp in ocps:
        cp.wait()
      oacc = jnp.zeros((16,), jnp.float32)
      for g in range(13):
        j, o = g // 8, (g % 8) * 16
        sel = oidx_v[j, pl.ds(o, 16)] & 15
        val = plsc.load_gather(orows_v, [lanes + 16 * g, sel])
        if g == 12:
          val = jnp.where(lanes < _OBS_LEN - 12 * 16, val, 0.0)
        oacc = oacc + val
      oacc_v[0, pl.ds(0, 16)] = oacc
      pltpu.sync_copy(oacc_v, obs_out_hbm.at[out_row])

    @pl.when(wid == 31)
    def _():
      obs_pool(ps_hbm, 0)

    @pl.when(wid == 30)
    def _():
      obs_pool(pv_hbm, 1)

  return sc_kernel


def _tc_epilogue(cmd_ref, obs_ref, cb_ref, ab_ref, g_ref,
                 scores_ref, idx_ref, value_ref):
  obs = obs_ref[...]
  state_mean = jnp.sum(obs[0:1, :]) * (1.0 / _OBS_LEN)
  value_ref[...] = (
      jnp.sum(obs[1:2, :], keepdims=True) * (1.0 / _OBS_LEN) + cb_ref[...]
  )
  scores = cmd_ref[...] * (1.0 / _CMD_LEN) + state_mean + ab_ref[0, 0]
  scores_ref[...] = scores
  z = scores + g_ref[...]
  m = jnp.max(z)
  iw = lax.broadcasted_iota(jnp.int32, (_NW, _CMDS_PER_W), 0)
  ic = lax.broadcasted_iota(jnp.int32, (_NW, _CMDS_PER_W), 1)
  idx_ref[...] = jnp.min(
      jnp.where(z == m, iw * _CMDS_PER_W + ic, jnp.int32(2**30)),
      keepdims=True,
  )


def kernel(obs, commands, emb_table, critic_w, critic_b, att_w, att_b):
  embT = emb_table.T
  w8 = jnp.zeros((8, _H), jnp.float32)
  w8 = w8.at[0].set(att_w[_H:, 0]).at[1].set(att_w[:_H, 0])
  w8 = w8.at[2].set(critic_w[:, 0])
  p_cmd, p_state, p_crit = _projections(embT, w8)

  cmd_idx = (
      commands.reshape(_NW, _CMDS_PER_W, _CMD_LEN)
      .transpose(0, 2, 1)
      .reshape(_NW, _N_CHUNKS, _IDX_CHUNK)
  )
  obs_idx = jnp.concatenate(
      [obs, jnp.zeros((_OBS_PAD - _OBS_LEN,), jnp.int32)]
  ).reshape(2, _IDX_CHUNK)

  cmd_sums, obs_accs = _sc_pool_kernel()(
      p_cmd.reshape(_P_ROWS, 16),
      p_state.reshape(_P_ROWS, 16),
      p_crit.reshape(_P_ROWS, 16),
      cmd_idx,
      obs_idx,
  )

  scores2d, idx2d, value = pl.pallas_call(
      _tc_epilogue,
      out_shape=[
          jax.ShapeDtypeStruct((_NW, _CMDS_PER_W), jnp.float32),
          jax.ShapeDtypeStruct((1, 1), jnp.int32),
          jax.ShapeDtypeStruct((1, 1), jnp.float32),
      ],
  )(
      cmd_sums.reshape(_NW, _CMDS_PER_W),
      obs_accs.reshape(2, 16),
      critic_b.reshape(1, 1),
      att_b.reshape(1, 1),
      _gumbel_const(),
  )
  return scores2d.reshape(_N_CMDS), idx2d[0, 0], value

# --- scband reference (transcript-rebuilt; emitter-appended) ---
"""Pipeline reference for scband-command-scorer-bow-44375602103069 (READ-ONLY COPY).

The authoritative reference and input builder live on the scoring server;
editing this copy changes nothing except your own understanding.
"""

import jax, jax.numpy as jnp
import numpy as np

VOCAB = 1000000
HIDDEN = 64
N_CMDS = 1024
CMD_LEN = 20
OBS_LEN = 200


def setup_inputs(seed: int = 0) -> dict:
    key = jax.random.key(seed)
    k1, k2, k3, k4, k5, k6, k7 = jax.random.split(key, 7)
    obs = jax.random.randint(k1, (OBS_LEN,), 0, VOCAB, dtype=jnp.int32)
    commands = jax.random.randint(k2, (N_CMDS, CMD_LEN), 0, VOCAB, dtype=jnp.int32)
    emb_table = jax.random.normal(k3, (VOCAB, HIDDEN), dtype=jnp.float32)
    critic_w = jax.random.normal(k4, (HIDDEN, 1), dtype=jnp.float32) / np.sqrt(HIDDEN)
    critic_b = jnp.zeros((1,), dtype=jnp.float32)
    att_w = jax.random.normal(k5, (2 * HIDDEN, 1), dtype=jnp.float32) / np.sqrt(2 * HIDDEN)
    att_b = jnp.zeros((1,), dtype=jnp.float32)
    return {"obs": obs, "commands": commands, "emb_table": emb_table,
            "critic_w": critic_w, "critic_b": critic_b,
            "att_w": att_w, "att_b": att_b}


def reference(obs, commands, emb_table, critic_w, critic_b, att_w, att_b):
    # embedding lookups (gathers) + mean pooling (bag-of-words)
    embedded_obs = jnp.take(emb_table, obs, axis=0).mean(axis=0)            # [H]
    embedded_cmds = jnp.take(emb_table, commands, axis=0).mean(axis=1)      # [N_CMDS, H]
    value = embedded_obs[None, :] @ critic_w + critic_b                     # [1, 1]
    state_expanded = jnp.broadcast_to(embedded_obs[None, :], (embedded_cmds.shape[0], embedded_obs.shape[0]))
    cmd_selector_input = jnp.concatenate([state_expanded, embedded_cmds], axis=1)  # [N_CMDS, 2H]
    scores = (cmd_selector_input @ att_w + att_b).squeeze(-1)               # [N_CMDS]
    # probs.multinomial(1) == categorical sampling from softmax(scores)
    index = jax.random.categorical(jax.random.key(123), scores)
    return scores, index, value

if __name__ == "__main__":
    import jax
    _d = setup_inputs()
    print(jax.jit(kernel)(*tuple(_d.values())))

</pallas_src>

<mosaic_0001>
#map = affine_map<(d0, d1) -> (0, 0)>
#map1 = affine_map<(d0, d1) -> (0, 0, 0)>
module attributes {stable_mosaic.version = 14 : i64} {
  func.func @sc_kernel(%arg0: i32, %arg1: i32, %arg2: memref<62500x16xf32, #tpu.memory_space<hbm>>, %arg3: memref<62500x16xf32, #tpu.memory_space<hbm>>, %arg4: memref<62500x16xf32, #tpu.memory_space<hbm>>, %arg5: memref<32x5x128xi32, #tpu.memory_space<hbm>>, %arg6: memref<2x128xi32, #tpu.memory_space<hbm>>, %arg7: memref<32x1x32xf32, #tpu.memory_space<hbm>>, %arg8: memref<2x1x16xf32, #tpu.memory_space<hbm>>, %arg9: memref<5x128xi32, #tpu.memory_space<vmem>>, %arg10: memref<5x128xi32, #tpu.memory_space<vmem>>, %arg11: memref<640x16xf32, #tpu.memory_space<vmem>>, %arg12: memref<1x32xf32, #tpu.memory_space<vmem>>, %arg13: memref<2x128xi32, #tpu.memory_space<vmem>>, %arg14: memref<256x16xf32, #tpu.memory_space<vmem>>, %arg15: memref<1x16xf32, #tpu.memory_space<vmem>>, %arg16: memref<!tpu.dma_semaphore, #tpu.memory_space<semaphore_mem>>) attributes {dimension_semantics = [#tpu.dimension_semantics<core_parallel>, #tpu.dimension_semantics<subcore_parallel>], iteration_bounds = array<i64: 2, 16>, scalar_prefetch = 0 : i64, scratch_operands = 8 : i64, tpu.core_type = #tpu.core_type<sc_vector_subcore>, window_params = [{transform_indices = #map}, {transform_indices = #map}, {transform_indices = #map}, {transform_indices = #map1}, {transform_indices = #map}, {transform_indices = #map1}, {transform_indices = #map1}]} {
    %mul3A = arith.constant 2 : i32
    %mul3A_0 = arith.muli %arg1, %mul3A : i32
    %add3A = arith.addi %mul3A_0, %arg0 : i32
    %iota3A = tpu.iota {dimensions = array<i32: 0>} : vector<16xi32>
    "tpu.region"() ({
      %run_scoped3A = tpu.sem_alloc : memref<!tpu.dma_semaphore, #tpu.memory_space<semaphore_mem>>
      %dma_start3A_1032 = arith.constant 0 : i32
      %dma_start3A_1033 = arith.constant 0 : i32
      %dma_start3A_1034 = tpu.memref_slice %arg5[%add3A, %dma_start3A_1032, %dma_start3A_1033] : memref<32x5x128xi32, #tpu.memory_space<hbm>> -> memref<1x5x128xi32, #tpu.memory_space<hbm>>
      %dma_start3A_1035 = tpu.memref_squeeze %dma_start3A_1034 : memref<1x5x128xi32, #tpu.memory_space<hbm>> -> memref<5x128xi32, #tpu.memory_space<hbm>>
      %dma_start3A_1036 = arith.constant 0 : i32
      %dma_start3A_1037 = arith.constant 0 : i32
      %dma_start3A_1038 = tpu.memref_slice %arg5[%add3A, %dma_start3A_1036, %dma_start3A_1037] : memref<32x5x128xi32, #tpu.memory_space<hbm>> -> memref<1x5x128xi32, #tpu.memory_space<hbm>>
      %dma_start3A_1039 = tpu.memref_squeeze %dma_start3A_1038 : memref<1x5x128xi32, #tpu.memory_space<hbm>> -> memref<5x128xi32, #tpu.memory_space<hbm>>
      tpu.enqueue_dma source(%dma_start3A_1039 : memref<5x128xi32, #tpu.memory_space<hbm>>) target(%arg9 : memref<5x128xi32, #tpu.memory_space<vmem>>) target_semaphore(%run_scoped3A : memref<!tpu.dma_semaphore, #tpu.memory_space<semaphore_mem>>)
      %dma_wait3A_1040 = arith.constant 0 : i32
      %dma_wait3A_1041 = arith.constant 0 : i32
      %dma_wait3A_1042 = tpu.memref_slice %arg5[%add3A, %dma_wait3A_1040, %dma_wait3A_1041] : memref<32x5x128xi32, #tpu.memory_space<hbm>> -> memref<1x5x128xi32, #tpu.memory_space<hbm>>
      %dma_wait3A_1043 = tpu.memref_squeeze %dma_wait3A_1042 : memref<1x5x128xi32, #tpu.memory_space<hbm>> -> memref<5x128xi32, #tpu.memory_space<hbm>>
      %dma_wait3A_1044 = arith.constant 0 : i32
      %dma_wait3A_1045 = arith.constant 0 : i32
      %dma_wait3A_1046 = tpu.memref_slice %arg5[%add3A, %dma_wait3A_1044, %dma_wait3A_1045] : memref<32x5x128xi32, #tpu.memory_space<hbm>> -> memref<1x5x128xi32, #tpu.memory_space<hbm>>
      %dma_wait3A_1047 = tpu.memref_squeeze %dma_wait3A_1046 : memref<1x5x128xi32, #tpu.memory_space<hbm>> -> memref<5x128xi32, #tpu.memory_space<hbm>>
      tpu.wait_dma2 semaphore(%run_scoped3A : memref<!tpu.dma_semaphore, #tpu.memory_space<semaphore_mem>>) src(%dma_wait3A_1047 : memref<5x128xi32, #tpu.memory_space<hbm>>) dst(%arg9 : memref<5x128xi32, #tpu.memory_space<vmem>>)
      tpu.yield
    }) : () -> ()
    %get3A = arith.constant 0 : i32
    %get3A_1 = arith.index_cast %get3A : i32 to index
    %get3A_2 = arith.constant 0 : index
    %get3A_3 = tpu.vector_load %arg9[%get3A_1, %get3A_2] {strides = array<i32>} : memref<5x128xi32, #tpu.memory_space<vmem>>, vector<16xi32>,
    %shift_right_logical3A = arith.constant 4 : i32
    %shift_right_logical3A_4 = vector.broadcast %shift_right_logical3A : i32 to vector<16xi32>
    %shift_right_logical3A_5 = arith.shrui %get3A_3, %shift_right_logical3A_4 : vector<16xi32>
    %swap3A = arith.constant 0 : i32
    %swap3A_6 = arith.index_cast %swap3A : i32 to index
    %swap3A_7 = arith.constant 0 : index
    %swap3A_8 = tpu.vector_load %arg10[%swap3A_6, %swap3A_7] {strides = array<i32>} : memref<5x128xi32, #tpu.memory_space<vmem>>, vector<16xi32>,
    tpu.vector_store %arg10[%swap3A_6, %swap3A_7], %shift_right_logical3A_5 {strides = array<i32>} : memref<5x128xi32, #tpu.memory_space<vmem>>, vector<16xi32>,
    %get3A_9 = arith.constant 0 : i32
    %get3A_10 = arith.index_cast %get3A_9 : i32 to index
    %get3A_11 = arith.constant 16 : index
    %get3A_12 = tpu.vector_load %arg9[%get3A_10, %get3A_11] {strides = array<i32>} : memref<5x128xi32, #tpu.memory_space<vmem>>, vector<16xi32>,
    %shift_right_logical3A_13 = arith.constant 4 : i32
    %shift_right_logical3A_14 = vector.broadcast %shift_right_logical3A_13 : i32 to vector<16xi32>
    %shift_right_logical3A_15 = arith.shrui %get3A_12, %shift_right_logical3A_14 : vector<16xi32>
    %swap3A_16 = arith.constant 0 : i32
    %swap3A_17 = arith.index_cast %swap3A_16 : i32 to index
    %swap3A_18 = arith.constant 16 : index
    %swap3A_19 = tpu.vector_load %arg10[%swap3A_17, %swap3A_18] {strides = array<i32>} : memref<5x128xi32, #tpu.memory_space<vmem>>, vector<16xi32>,
    tpu.vector_store %arg10[%swap3A_17, %swap3A_18], %shift_right_logical3A_15 {strides = array<i32>} : memref<5x128xi32, #tpu.memory_space<vmem>>, vector<16xi32>,
    %get3A_20 = arith.constant 0 : i32
    %get3A_21 = arith.index_cast %get3A_20 : i32 to index
    %get3A_22 = arith.constant 32 : index
    %get3A_23 = tpu.vector_load %arg9[%get3A_21, %get3A_22] {strides = array<i32>} : memref<5x128xi32, #tpu.memory_space<vmem>>, vector<16xi32>,
    %shift_right_logical3A_24 = arith.constant 4 : i32
    %shift_right_logical3A_25 = vector.broadcast %shift_right_logical3A_24 : i32 to vector<16xi32>
    %shift_right_logical3A_26 = arith.shrui %get3A_23, %shift_right_logical3A_25 : vector<16xi32>
    %swap3A_27 = arith.constant 0 : i32
    %swap3A_28 = arith.index_cast %swap3A_27 : i32 to index
    %swap3A_29 = arith.constant 32 : index
    %swap3A_30 = tpu.vector_load %arg10[%swap3A_28, %swap3A_29] {strides = array<i32>} : memref<5x128xi32, #tpu.memory_space<vmem>>, vector<16xi32>,
    tpu.vector_store %arg10[%swap3A_28, %swap3A_29], %shift_right_logical3A_26 {strides = array<i32>} : memref<5x128xi32, #tpu.memory_space<vmem>>, vector<16xi32>,
    %get3A_31 = arith.constant 0 : i32
    %get3A_32 = arith.index_cast %get3A_31 : i32 to index
    %get3A_33 = arith.constant 48 : index
    %get3A_34 = tpu.vector_load %arg9[%get3A_32, %get3A_33] {strides = array<i32>} : memref<5x128xi32, #tpu.memory_space<vmem>>, vector<16xi32>,
    %shift_right_logical3A_35 = arith.constant 4 : i32
    %shift_right_logical3A_36 = vector.broadcast %shift_right_logical3A_35 : i32 to vector<16xi32>
    %shift_right_logical3A_37 = arith.shrui %get3A_34, %shift_right_logical3A_36 : vector<16xi32>
    %swap3A_38 = arith.constant 0 : i32
    %swap3A_39 = arith.index_cast %swap3A_38 : i32 to index
    %swap3A_40 = arith.constant 48 : index
    %swap3A_41 = tpu.vector_load %arg10[%swap3A_39, %swap3A_40] {strides = array<i32>} : memref<5x128xi32, #tpu.memory_space<vmem>>, vector<16xi32>,
    tpu.vector_store %arg10[%swap3A_39, %swap3A_40], %shift_right_logical3A_37 {strides = array<i32>} : memref<5x128xi32, #tpu.memory_space<vmem>>, vector<16xi32>,
    %get3A_42 = arith.constant 0 : i32
    %get3A_43 = arith.index_cast %get3A_42 : i32 to index
    %get3A_44 = arith.constant 64 : index
    %get3A_45 = tpu.vector_load %arg9[%get3A_43, %get3A_44] {strides = array<i32>} : memref<5x128xi32, #tpu.memory_space<vmem>>, vector<16xi32>,
    %shift_right_logical3A_46 = arith.constant 4 : i32
    %shift_right_logical3A_47 = vector.broadcast %shift_right_logical3A_46 : i32 to vector<16xi32>
    %shift_right_logical3A_48 = arith.shrui %get3A_45, %shift_right_logical3A_47 : vector<16xi32>
    %swap3A_49 = arith.constant 0 : i32
    %swap3A_50 = arith.index_cast %swap3A_49 : i32 to index
    %swap3A_51 = arith.constant 64 : index
    %swap3A_52 = tpu.vector_load %arg10[%swap3A_50, %swap3A_51] {strides = array<i32>} : memref<5x128xi32, #tpu.memory_space<vmem>>, vector<16xi32>,
    tpu.vector_store %arg10[%swap3A_50, %swap3A_51], %shift_right_logical3A_48 {strides = array<i32>} : memref<5x128xi32, #tpu.memory_space<vmem>>, vector<16xi32>,
    %get3A_53 = arith.constant 0 : i32
    %get3A_54 = arith.index_cast %get3A_53 : i32 to index
    %get3A_55 = arith.constant 80 : index
    %get3A_56 = tpu.vector_load %arg9[%get3A_54, %get3A_55] {strides = array<i32>} : memref<5x128xi32, #tpu.memory_space<vmem>>, vector<16xi32>,
    %shift_right_logical3A_57 = arith.constant 4 : i32
    %shift_right_logical3A_58 = vector.broadcast %shift_right_logical3A_57 : i32 to vector<16xi32>
    %shift_right_logical3A_59 = arith.shrui %get3A_56, %shift_right_logical3A_58 : vector<16xi32>
    %swap3A_60 = arith.constant 0 : i32
    %swap3A_61 = arith.index_cast %swap3A_60 : i32 to index
    %swap3A_62 = arith.constant 80 : index
    %swap3A_63 = tpu.vector_load %arg10[%swap3A_61, %swap3A_62] {strides = array<i32>} : memref<5x128xi32, #tpu.memory_space<vmem>>, vector<16xi32>,
    tpu.vector_store %arg10[%swap3A_61, %swap3A_62], %shift_right_logical3A_59 {strides = array<i32>} : memref<5x128xi32, #tpu.memory_space<vmem>>, vector<16xi32>,
    %get3A_64 = arith.constant 0 : i32
    %get3A_65 = arith.index_cast %get3A_64 : i32 to index
    %get3A_66 = arith.constant 96 : index
    %get3A_67 = tpu.vector_load %arg9[%get3A_65, %get3A_66] {strides = array<i32>} : memref<5x128xi32, #tpu.memory_space<vmem>>, vector<16xi32>,
    %shift_right_logical3A_68 = arith.constant 4 : i32
    %shift_right_logical3A_69 = vector.broadcast %shift_right_logical3A_68 : i32 to vector<16xi32>
    %shift_right_logical3A_70 = arith.shrui %get3A_67, %shift_right_logical3A_69 : vector<16xi32>
    %swap3A_71 = arith.constant 0 : i32
    %swap3A_72 = arith.index_cast %swap3A_71 : i32 to index
    %swap3A_73 = arith.constant 96 : index
    %swap3A_74 = tpu.vector_load %arg10[%swap3A_72, %swap3A_73] {strides = array<i32>} : memref<5x128xi32, #tpu.memory_space<vmem>>, vector<16xi32>,
    tpu.vector_store %arg10[%swap3A_72, %swap3A_73], %shift_right_logical3A_70 {strides = array<i32>} : memref<5x128xi32, #tpu.memory_space<vmem>>, vector<16xi32>,
    %get3A_75 = arith.constant 0 : i32
    %get3A_76 = arith.index_cast %get3A_75 : i32 to index
    %get3A_77 = arith.constant 112 : index
    %get3A_78 = tpu.vector_load %arg9[%get3A_76, %get3A_77] {strides = array<i32>} : memref<5x128xi32, #tpu.memory_space<vmem>>, vector<16xi32>,
    %shift_right_logical3A_79 = arith.constant 4 : i32
    %shift_right_logical3A_80 = vector.broadcast %shift_right_logical3A_79 : i32 to vector<16xi32>
    %shift_right_logical3A_81 = arith.shrui %get3A_78, %shift_right_logical3A_80 : vector<16xi32>
    %swap3A_82 = arith.constant 0 : i32
    %swap3A_83 = arith.index_cast %swap3A_82 : i32 to index
    %swap3A_84 = arith.constant 112 : index
    %swap3A_85 = tpu.vector_load %arg10[%swap3A_83, %swap3A_84] {strides = array<i32>} : memref<5x128xi32, #tpu.memory_space<vmem>>, vector<16xi32>,
    tpu.vector_store %arg10[%swap3A_83, %swap3A_84], %shift_right_logical3A_81 {strides = array<i32>} : memref<5x128xi32, #tpu.memory_space<vmem>>, vector<16xi32>,
    %get3A_86 = arith.constant 1 : i32
    %get3A_87 = arith.index_cast %get3A_86 : i32 to index
    %get3A_88 = arith.constant 0 : index
    %get3A_89 = tpu.vector_load %arg9[%get3A_87, %get3A_88] {strides = array<i32>} : memref<5x128xi32, #tpu.memory_space<vmem>>, vector<16xi32>,
    %shift_right_logical3A_90 = arith.constant 4 : i32
    %shift_right_logical3A_91 = vector.broadcast %shift_right_logical3A_90 : i32 to vector<16xi32>
    %shift_right_logical3A_92 = arith.shrui %get3A_89, %shift_right_logical3A_91 : vector<16xi32>
    %swap3A_93 = arith.constant 1 : i32
    %swap3A_94 = arith.index_cast %swap3A_93 : i32 to index
    %swap3A_95 = arith.constant 0 : index
    %swap3A_96 = tpu.vector_load %arg10[%swap3A_94, %swap3A_95] {strides = array<i32>} : memref<5x128xi32, #tpu.memory_space<vmem>>, vector<16xi32>,
    tpu.vector_store %arg10[%swap3A_94, %swap3A_95], %shift_right_logical3A_92 {strides = array<i32>} : memref<5x128xi32, #tpu.memory_space<vmem>>, vector<16xi32>,
    %get3A_97 = arith.constant 1 : i32
    %get3A_98 = arith.index_cast %get3A_97 : i32 to index
    %get3A_99 = arith.constant 16 : index
    %get3A_100 = tpu.vector_load %arg9[%get3A_98, %get3A_99] {strides = array<i32>} : memref<5x128xi32, #tpu.memory_space<vmem>>, vector<16xi32>,
    %shift_right_logical3A_101 = arith.constant 4 : i32
    %shift_right_logical3A_102 = vector.broadcast %shift_right_logical3A_101 : i32 to vector<16xi32>
    %shift_right_logical3A_103 = arith.shrui %get3A_100, %shift_right_logical3A_102 : vector<16xi32>
    %swap3A_104 = arith.constant 1 : i32
    %swap3A_105 = arith.index_cast %swap3A_104 : i32 to index
    %swap3A_106 = arith.constant 16 : index
    %swap3A_107 = tpu.vector_load %arg10[%swap3A_105, %swap3A_106] {strides = array<i32>} : memref<5x128xi32, #tpu.memory_space<vmem>>, vector<16xi32>,
    tpu.vector_store %arg10[%swap3A_105, %swap3A_106], %shift_right_logical3A_103 {strides = array<i32>} : memref<5x128xi32, #tpu.memory_space<vmem>>, vector<16xi32>,
    %get3A_108 = arith.constant 1 : i32
    %get3A_109 = arith.index_cast %get3A_108 : i32 to index
    %get3A_110 = arith.constant 32 : index
    %get3A_111 = tpu.vector_load %arg9[%get3A_109, %get3A_110] {strides = array<i32>} : memref<5x128xi32, #tpu.memory_space<vmem>>, vector<16xi32>,
    %shift_right_logical3A_112 = arith.constant 4 : i32
    %shift_right_logical3A_113 = vector.broadcast %shift_right_logical3A_112 : i32 to vector<16xi32>
    %shift_right_logical3A_114 = arith.shrui %get3A_111, %shift_right_logical3A_113 : vector<16xi32>
    %swap3A_115 = arith.constant 1 : i32
    %swap3A_116 = arith.index_cast %swap3A_115 : i32 to index
    %swap3A_117 = arith.constant 32 : index
    %swap3A_118 = tpu.vector_load %arg10[%swap3A_116, %swap3A_117] {strides = array<i32>} : memref<5x128xi32, #tpu.memory_space<vmem>>, vector<16xi32>,
    tpu.vector_store %arg10[%swap3A_116, %swap3A_117], %shift_right_logical3A_114 {strides = array<i32>} : memref<5x128xi32, #tpu.memory_space<vmem>>, vector<16xi32>,
    %get3A_119 = arith.constant 1 : i32
    %get3A_120 = arith.index_cast %get3A_119 : i32 to index
    %get3A_121 = arith.constant 48 : index
    %get3A_122 = tpu.vector_load %arg9[%get3A_120, %get3A_121] {strides = array<i32>} : memref<5x128xi32, #tpu.memory_space<vmem>>, vector<16xi32>,
    %shift_right_logical3A_123 = arith.constant 4 : i32
    %shift_right_logical3A_124 = vector.broadcast %shift_right_logical3A_123 : i32 to vector<16xi32>
    %shift_right_logical3A_125 = arith.shrui %get3A_122, %shift_right_logical3A_124 : vector<16xi32>
    %swap3A_126 = arith.constant 1 : i32
    %swap3A_127 = arith.index_cast %swap3A_126 : i32 to index
    %swap3A_128 = arith.constant 48 : index
    %swap3A_129 = tpu.vector_load %arg10[%swap3A_127, %swap3A_128] {strides = array<i32>} : memref<5x128xi32, #tpu.memory_space<vmem>>, vector<16xi32>,
    tpu.vector_store %arg10[%swap3A_127, %swap3A_128], %shift_right_logical3A_125 {strides = array<i32>} : memref<5x128xi32, #tpu.memory_space<vmem>>, vector<16xi32>,
    %get3A_130 = arith.constant 1 : i32
    %get3A_131 = arith.index_cast %get3A_130 : i32 to index
    %get3A_132 = arith.constant 64 : index
    %get3A_133 = tpu.vector_load %arg9[%get3A_131, %get3A_132] {strides = array<i32>} : memref<5x128xi32, #tpu.memory_space<vmem>>, vector<16xi32>,
    %shift_right_logical3A_134 = arith.constant 4 : i32
    %shift_right_logical3A_135 = vector.broadcast %shift_right_logical3A_134 : i32 to vector<16xi32>
    %shift_right_logical3A_136 = arith.shrui %get3A_133, %shift_right_logical3A_135 : vector<16xi32>
    %swap3A_137 = arith.constant 1 : i32
    %swap3A_138 = arith.index_cast %swap3A_137 : i32 to index
    %swap3A_139 = arith.constant 64 : index
    %swap3A_140 = tpu.vector_load %arg10[%swap3A_138, %swap3A_139] {strides = array<i32>} : memref<5x128xi32, #tpu.memory_space<vmem>>, vector<16xi32>,
    tpu.vector_store %arg10[%swap3A_138, %swap3A_139], %shift_right_logical3A_136 {strides = array<i32>} : memref<5x128xi32, #tpu.memory_space<vmem>>, vector<16xi32>,
    %get3A_141 = arith.constant 1 : i32
    %get3A_142 = arith.index_cast %get3A_141 : i32 to index
    %get3A_143 = arith.constant 80 : index
    %get3A_144 = tpu.vector_load %arg9[%get3A_142, %get3A_143] {strides = array<i32>} : memref<5x128xi32, #tpu.memory_space<vmem>>, vector<16xi32>,
    %shift_right_logical3A_145 = arith.constant 4 : i32
    %shift_right_logical3A_146 = vector.broadcast %shift_right_logical3A_145 : i32 to vector<16xi32>
    %shift_right_logical3A_147 = arith.shrui %get3A_144, %shift_right_logical3A_146 : vector<16xi32>
    %swap3A_148 = arith.constant 1 : i32
    %swap3A_149 = arith.index_cast %swap3A_148 : i32 to index
    %swap3A_150 = arith.constant 80 : index
    %swap3A_151 = tpu.vector_load %arg10[%swap3A_149, %swap3A_150] {strides = array<i32>} : memref<5x128xi32, #tpu.memory_space<vmem>>, vector<16xi32>,
    tpu.vector_store %arg10[%swap3A_149, %swap3A_150], %shift_right_logical3A_147 {strides = array<i32>} : memref<5x128xi32, #tpu.memory_space<vmem>>, vector<16xi32>,
    %get3A_152 = arith.constant 1 : i32
    %get3A_153 = arith.index_cast %get3A_152 : i32 to index
    %get3A_154 = arith.constant 96 : index
    %get3A_155 = tpu.vector_load %arg9[%get3A_153, %get3A_154] {strides = array<i32>} : memref<5x128xi32, #tpu.memory_space<vmem>>, vector<16xi32>,
    %shift_right_logical3A_156 = arith.constant 4 : i32
    %shift_right_logical3A_157 = vector.broadcast %shift_right_logical3A_156 : i32 to vector<16xi32>
    %shift_right_logical3A_158 = arith.shrui %get3A_155, %shift_right_logical3A_157 : vector<16xi32>
    %swap3A_159 = arith.constant 1 : i32
    %swap3A_160 = arith.index_cast %swap3A_159 : i32 to index
    %swap3A_161 = arith.constant 96 : index
    %swap3A_162 = tpu.vector_load %arg10[%swap3A_160, %swap3A_161] {strides = array<i32>} : memref<5x128xi32, #tpu.memory_space<vmem>>, vector<16xi32>,
    tpu.vector_store %arg10[%swap3A_160, %swap3A_161], %shift_right_logical3A_158 {strides = array<i32>} : memref<5x128xi32, #tpu.memory_space<vmem>>, vector<16xi32>,
    %get3A_163 = arith.constant 1 : i32
    %get3A_164 = arith.index_cast %get3A_163 : i32 to index
    %get3A_165 = arith.constant 112 : index
    %get3A_166 = tpu.vector_load %arg9[%get3A_164, %get3A_165] {strides = array<i32>} : memref<5x128xi32, #tpu.memory_space<vmem>>, vector<16xi32>,
    %shift_right_logical3A_167 = arith.constant 4 : i32
    %shift_right_logical3A_168 = vector.broadcast %shift_right_logical3A_167 : i32 to vector<16xi32>
    %shift_right_logical3A_169 = arith.shrui %get3A_166, %shift_right_logical3A_168 : vector<16xi32>
    %swap3A_170 = arith.constant 1 : i32
    %swap3A_171 = arith.index_cast %swap3A_170 : i32 to index
    %swap3A_172 = arith.constant 112 : index
    %swap3A_173 = tpu.vector_load %arg10[%swap3A_171, %swap3A_172] {strides = array<i32>} : memref<5x128xi32, #tpu.memory_space<vmem>>, vector<16xi32>,
    tpu.vector_store %arg10[%swap3A_171, %swap3A_172], %shift_right_logical3A_169 {strides = array<i32>} : memref<5x128xi32, #tpu.memory_space<vmem>>, vector<16xi32>,
    %get3A_174 = arith.constant 2 : i32
    %get3A_175 = arith.index_cast %get3A_174 : i32 to index
    %get3A_176 = arith.constant 0 : index
    %get3A_177 = tpu.vector_load %arg9[%get3A_175, %get3A_176] {strides = array<i32>} : memref<5x128xi32, #tpu.memory_space<vmem>>, vector<16xi32>,
    %shift_right_logical3A_178 = arith.constant 4 : i32
    %shift_right_logical3A_179 = vector.broadcast %shift_right_logical3A_178 : i32 to vector<16xi32>
    %shift_right_logical3A_180 = arith.shrui %get3A_177, %shift_right_logical3A_179 : vector<16xi32>
    %swap3A_181 = arith.constant 2 : i32
    %swap3A_182 = arith.index_cast %swap3A_181 : i32 to index
    %swap3A_183 = arith.constant 0 : index
    %swap3A_184 = tpu.vector_load %arg10[%swap3A_182, %swap3A_183] {strides = array<i32>} : memref<5x128xi32, #tpu.memory_space<vmem>>, vector<16xi32>,
    tpu.vector_store %arg10[%swap3A_182, %swap3A_183], %shift_right_logical3A_180 {strides = array<i32>} : memref<5x128xi32, #tpu.memory_space<vmem>>, vector<16xi32>,
    %get3A_185 = arith.constant 2 : i32
    %get3A_186 = arith.index_cast %get3A_185 : i32 to index
    %get3A_187 = arith.constant 16 : index
    %get3A_188 = tpu.vector_load %arg9[%get3A_186, %get3A_187] {strides = array<i32>} : memref<5x128xi32, #tpu.memory_space<vmem>>, vector<16xi32>,
    %shift_right_logical3A_189 = arith.constant 4 : i32
    %shift_right_logical3A_190 = vector.broadcast %shift_right_logical3A_189 : i32 to vector<16xi32>
    %shift_right_logical3A_191 = arith.shrui %get3A_188, %shift_right_logical3A_190 : vector<16xi32>
    %swap3A_192 = arith.constant 2 : i32
    %swap3A_193 = arith.index_cast %swap3A_192 : i32 to index
    %swap3A_194 = arith.constant 16 : index
    %swap3A_195 = tpu.vector_load %arg10[%swap3A_193, %swap3A_194] {strides = array<i32>} : memref<5x128xi32, #tpu.memory_space<vmem>>, vector<16xi32>,
    tpu.vector_store %arg10[%swap3A_193, %swap3A_194], %shift_right_logical3A_191 {strides = array<i32>} : memref<5x128xi32, #tpu.memory_space<vmem>>, vector<16xi32>,
    %get3A_196 = arith.constant 2 : i32
    %get3A_197 = arith.index_cast %get3A_196 : i32 to index
    %get3A_198 = arith.constant 32 : index
    %get3A_199 = tpu.vector_load %arg9[%get3A_197, %get3A_198] {strides = array<i32>} : memref<5x128xi32, #tpu.memory_space<vmem>>, vector<16xi32>,
    %shift_right_logical3A_200 = arith.constant 4 : i32
    %shift_right_logical3A_201 = vector.broadcast %shift_right_logical3A_200 : i32 to vector<16xi32>
    %shift_right_logical3A_202 = arith.shrui %get3A_199, %shift_right_logical3A_201 : vector<16xi32>
    %swap3A_203 = arith.constant 2 : i32
    %swap3A_204 = arith.index_cast %swap3A_203 : i32 to index
    %swap3A_205 = arith.constant 32 : index
    %swap3A_206 = tpu.vector_load %arg10[%swap3A_204, %swap3A_205] {strides = array<i32>} : memref<5x128xi32, #tpu.memory_space<vmem>>, vector<16xi32>,
    tpu.vector_store %arg10[%swap3A_204, %swap3A_205], %shift_right_logical3A_202 {strides = array<i32>} : memref<5x128xi32, #tpu.memory_space<vmem>>, vector<16xi32>,
    %get3A_207 = arith.constant 2 : i32
    %get3A_208 = arith.index_cast %get3A_207 : i32 to index
    %get3A_209 = arith.constant 48 : index
    %get3A_210 = tpu.vector_load %arg9[%get3A_208, %get3A_209] {strides = array<i32>} : memref<5x128xi32, #tpu.memory_space<vmem>>, vector<16xi32>,
    %shift_right_logical3A_211 = arith.constant 4 : i32
    %shift_right_logical3A_212 = vector.broadcast %shift_right_logical3A_211 : i32 to vector<16xi32>
    %shift_right_logical3A_213 = arith.shrui %get3A_210, %shift_right_logical3A_212 : vector<16xi32>
    %swap3A_214 = arith.constant 2 : i32
    %swap3A_215 = arith.index_cast %swap3A_214 : i32 to index
    %swap3A_216 = arith.constant 48 : index
    %swap3A_217 = tpu.vector_load %arg10[%swap3A_215, %swap3A_216] {strides = array<i32>} : memref<5x128xi32, #tpu.memory_space<vmem>>, vector<16xi32>,
    tpu.vector_store %arg10[%swap3A_215, %swap3A_216], %shift_right_logical3A_213 {strides = array<i32>} : memref<5x128xi32, #tpu.memory_space<vmem>>, vector<16xi32>,
    %get3A_218 = arith.constant 2 : i32
    %get3A_219 = arith.index_cast %get3A_218 : i32 to index
    %get3A_220 = arith.constant 64 : index
    %get3A_221 = tpu.vector_load %arg9[%get3A_219, %get3A_220] {strides = array<i32>} : memref<5x128xi32, #tpu.memory_space<vmem>>, vector<16xi32>,
    %shift_right_logical3A_222 = arith.constant 4 : i32
    %shift_right_logical3A_223 = vector.broadcast %shift_right_logical3A_222 : i32 to vector<16xi32>
    %shift_right_logical3A_224 = arith.shrui %get3A_221, %shift_right_logical3A_223 : vector<16xi32>
    %swap3A_225 = arith.constant 2 : i32
    %swap3A_226 = arith.index_cast %swap3A_225 : i32 to index
    %swap3A_227 = arith.constant 64 : index
    %swap3A_228 = tpu.vector_load %arg10[%swap3A_226, %swap3A_227] {strides = array<i32>} : memref<5x128xi32, #tpu.memory_space<vmem>>, vector<16xi32>,
    tpu.vector_store %arg10[%swap3A_226, %swap3A_227], %shift_right_logical3A_224 {strides = array<i32>} : memref<5x128xi32, #tpu.memory_space<vmem>>, vector<16xi32>,
    %get3A_229 = arith.constant 2 : i32
    %get3A_230 = arith.index_cast %get3A_229 : i32 to index
    %get3A_231 = arith.constant 80 : index
    %get3A_232 = tpu.vector_load %arg9[%get3A_230, %get3A_231] {strides = array<i32>} : memref<5x128xi32, #tpu.memory_space<vmem>>, vector<16xi32>,
    %shift_right_logical3A_233 = arith.constant 4 : i32
    %shift_right_logical3A_234 = vector.broadcast %shift_right_logical3A_233 : i32 to vector<16xi32>
    %shift_right_logical3A_235 = arith.shrui %get3A_232, %shift_right_logical3A_234 : vector<16xi32>
    %swap3A_236 = arith.constant 2 : i32
    %swap3A_237 = arith.index_cast %swap3A_236 : i32 to index
    %swap3A_238 = arith.constant 80 : index
    %swap3A_239 = tpu.vector_load %arg10[%swap3A_237, %swap3A_238] {strides = array<i32>} : memref<5x128xi32, #tpu.memory_space<vmem>>, vector<16xi32>,
    tpu.vector_store %arg10[%swap3A_237, %swap3A_238], %shift_right_logical3A_235 {strides = array<i32>} : memref<5x128xi32, #tpu.memory_space<vmem>>, vector<16xi32>,
    %get3A_240 = arith.constant 2 : i32
    %get3A_241 = arith.index_cast %get3A_240 : i32 to index
    %get3A_242 = arith.constant 96 : index
    %get3A_243 = tpu.vector_load %arg9[%get3A_241, %get3A_242] {strides = array<i32>} : memref<5x128xi32, #tpu.memory_space<vmem>>, vector<16xi32>,
    %shift_right_logical3A_244 = arith.constant 4 : i32
    %shift_right_logical3A_245 = vector.broadcast %shift_right_logical3A_244 : i32 to vector<16xi32>
    %shift_right_logical3A_246 = arith.shrui %get3A_243, %shift_right_logical3A_245 : vector<16xi32>
    %swap3A_247 = arith.constant 2 : i32
    %swap3A_248 = arith.index_cast %swap3A_247 : i32 to index
    %swap3A_249 = arith.constant 96 : index
    %swap3A_250 = tpu.vector_load %arg10[%swap3A_248, %swap3A_249] {strides = array<i32>} : memref<5x128xi32, #tpu.memory_space<vmem>>, vector<16xi32>,
    tpu.vector_store %arg10[%swap3A_248, %swap3A_249], %shift_right_logical3A_246 {strides = array<i32>} : memref<5x128xi32, #tpu.memory_space<vmem>>, vector<16xi32>,
    %get3A_251 = arith.constant 2 : i32
    %get3A_252 = arith.index_cast %get3A_251 : i32 to index
    %get3A_253 = arith.constant 112 : index
    %get3A_254 = tpu.vector_load %arg9[%get3A_252, %get3A_253] {strides = array<i32>} : memref<5x128xi32, #tpu.memory_space<vmem>>, vector<16xi32>,
    %shift_right_logical3A_255 = arith.constant 4 : i32
    %shift_right_logical3A_256 = vector.broadcast %shift_right_logical3A_255 : i32 to vector<16xi32>
    %shift_right_logical3A_257 = arith.shrui %get3A_254, %shift_right_logical3A_256 : vector<16xi32>
    %swap3A_258 = arith.constant 2 : i32
    %swap3A_259 = arith.index_cast %swap3A_258 : i32 to index
    %swap3A_260 = arith.constant 112 : index
    %swap3A_261 = tpu.vector_load %arg10[%swap3A_259, %swap3A_260] {strides = array<i32>} : memref<5x128xi32, #tpu.memory_space<vmem>>, vector<16xi32>,
    tpu.vector_store %arg10[%swap3A_259, %swap3A_260], %shift_right_logical3A_257 {strides = array<i32>} : memref<5x128xi32, #tpu.memory_space<vmem>>, vector<16xi32>,
    %get3A_262 = arith.constant 3 : i32
    %get3A_263 = arith.index_cast %get3A_262 : i32 to index
    %get3A_264 = arith.constant 0 : index
    %get3A_265 = tpu.vector_load %arg9[%get3A_263, %get3A_264] {strides = array<i32>} : memref<5x128xi32, #tpu.memory_space<vmem>>, vector<16xi32>,
    %shift_right_logical3A_266 = arith.constant 4 : i32
    %shift_right_logical3A_267 = vector.broadcast %shift_right_logical3A_266 : i32 to vector<16xi32>
    %shift_right_logical3A_268 = arith.shrui %get3A_265, %shift_right_logical3A_267 : vector<16xi32>
    %swap3A_269 = arith.constant 3 : i32
    %swap3A_270 = arith.index_cast %swap3A_269 : i32 to index
    %swap3A_271 = arith.constant 0 : index
    %swap3A_272 = tpu.vector_load %arg10[%swap3A_270, %swap3A_271] {strides = array<i32>} : memref<5x128xi32, #tpu.memory_space<vmem>>, vector<16xi32>,
    tpu.vector_store %arg10[%swap3A_270, %swap3A_271], %shift_right_logical3A_268 {strides = array<i32>} : memref<5x128xi32, #tpu.memory_space<vmem>>, vector<16xi32>,
    %get3A_273 = arith.constant 3 : i32
    %get3A_274 = arith.index_cast %get3A_273 : i32 to index
    %get3A_275 = arith.constant 16 : index
    %get3A_276 = tpu.vector_load %arg9[%get3A_274, %get3A_275] {strides = array<i32>} : memref<5x128xi32, #tpu.memory_space<vmem>>, vector<16xi32>,
    %shift_right_logical3A_277 = arith.constant 4 : i32
    %shift_right_logical3A_278 = vector.broadcast %shift_right_logical3A_277 : i32 to vector<16xi32>
    %shift_right_logical3A_279 = arith.shrui %get3A_276, %shift_right_logical3A_278 : vector<16xi32>
    %swap3A_280 = arith.constant 3 : i32
    %swap3A_281 = arith.index_cast %swap3A_280 : i32 to index
    %swap3A_282 = arith.constant 16 : index
    %swap3A_283 = tpu.vector_load %arg10[%swap3A_281, %swap3A_282] {strides = array<i32>} : memref<5x128xi32, #tpu.memory_space<vmem>>, vector<16xi32>,
    tpu.vector_store %arg10[%swap3A_281, %swap3A_282], %shift_right_logical3A_279 {strides = array<i32>} : memref<5x128xi32, #tpu.memory_space<vmem>>, vector<16xi32>,
    %get3A_284 = arith.constant 3 : i32
    %get3A_285 = arith.index_cast %get3A_284 : i32 to index
    %get3A_286 = arith.constant 32 : index
    %get3A_287 = tpu.vector_load %arg9[%get3A_285, %get3A_286] {strides = array<i32>} : memref<5x128xi32, #tpu.memory_space<vmem>>, vector<16xi32>,
    %shift_right_logical3A_288 = arith.constant 4 : i32
    %shift_right_logical3A_289 = vector.broadcast %shift_right_logical3A_288 : i32 to vector<16xi32>
    %shift_right_logical3A_290 = arith.shrui %get3A_287, %shift_right_logical3A_289 : vector<16xi32>
    %swap3A_291 = arith.constant 3 : i32
    %swap3A_292 = arith.index_cast %swap3A_291 : i32 to index
    %swap3A_293 = arith.constant 32 : index
    %swap3A_294 = tpu.vector_load %arg10[%swap3A_292, %swap3A_293] {strides = array<i32>} : memref<5x128xi32, #tpu.memory_space<vmem>>, vector<16xi32>,
    tpu.vector_store %arg10[%swap3A_292, %swap3A_293], %shift_right_logical3A_290 {strides = array<i32>} : memref<5x128xi32, #tpu.memory_space<vmem>>, vector<16xi32>,
    %get3A_295 = arith.constant 3 : i32
    %get3A_296 = arith.index_cast %get3A_295 : i32 to index
    %get3A_297 = arith.constant 48 : index
    %get3A_298 = tpu.vector_load %arg9[%get3A_296, %get3A_297] {strides = array<i32>} : memref<5x128xi32, #tpu.memory_space<vmem>>, vector<16xi32>,
    %shift_right_logical3A_299 = arith.constant 4 : i32
    %shift_right_logical3A_300 = vector.broadcast %shift_right_logical3A_299 : i32 to vector<16xi32>
    %shift_right_logical3A_301 = arith.shrui %get3A_298, %shift_right_logical3A_300 : vector<16xi32>
    %swap3A_302 = arith.constant 3 : i32
    %swap3A_303 = arith.index_cast %swap3A_302 : i32 to index
    %swap3A_304 = arith.constant 48 : index
    %swap3A_305 = tpu.vector_load %arg10[%swap3A_303, %swap3A_304] {strides = array<i32>} : memref<5x128xi32, #tpu.memory_space<vmem>>, vector<16xi32>,
    tpu.vector_store %arg10[%swap3A_303, %swap3A_304], %shift_right_logical3A_301 {strides = array<i32>} : memref<5x128xi32, #tpu.memory_space<vmem>>, vector<16xi32>,
    %get3A_306 = arith.constant 3 : i32
    %get3A_307 = arith.index_cast %get3A_306 : i32 to index
    %get3A_308 = arith.constant 64 : index
    %get3A_309 = tpu.vector_load %arg9[%get3A_307, %get3A_308] {strides = array<i32>} : memref<5x128xi32, #tpu.memory_space<vmem>>, vector<16xi32>,
    %shift_right_logical3A_310 = arith.constant 4 : i32
    %shift_right_logical3A_311 = vector.broadcast %shift_right_logical3A_310 : i32 to vector<16xi32>
    %shift_right_logical3A_312 = arith.shrui %get3A_309, %shift_right_logical3A_311 : vector<16xi32>
    %swap3A_313 = arith.constant 3 : i32
    %swap3A_314 = arith.index_cast %swap3A_313 : i32 to index
    %swap3A_315 = arith.constant 64 : index
    %swap3A_316 = tpu.vector_load %arg10[%swap3A_314, %swap3A_315] {strides = array<i32>} : memref<5x128xi32, #tpu.memory_space<vmem>>, vector<16xi32>,
    tpu.vector_store %arg10[%swap3A_314, %swap3A_315], %shift_right_logical3A_312 {strides = array<i32>} : memref<5x128xi32, #tpu.memory_space<vmem>>, vector<16xi32>,
    %get3A_317 = arith.constant 3 : i32
    %get3A_318 = arith.index_cast %get3A_317 : i32 to index
    %get3A_319 = arith.constant 80 : index
    %get3A_320 = tpu.vector_load %arg9[%get3A_318, %get3A_319] {strides = array<i32>} : memref<5x128xi32, #tpu.memory_space<vmem>>, vector<16xi32>,
    %shift_right_logical3A_321 = arith.constant 4 : i32
    %shift_right_logical3A_322 = vector.broadcast %shift_right_logical3A_321 : i32 to vector<16xi32>
    %shift_right_logical3A_323 = arith.shrui %get3A_320, %shift_right_logical3A_322 : vector<16xi32>
    %swap3A_324 = arith.constant 3 : i32
    %swap3A_325 = arith.index_cast %swap3A_324 : i32 to index
    %swap3A_326 = arith.constant 80 : index
    %swap3A_327 = tpu.vector_load %arg10[%swap3A_325, %swap3A_326] {strides = array<i32>} : memref<5x128xi32, #tpu.memory_space<vmem>>, vector<16xi32>,
    tpu.vector_store %arg10[%swap3A_325, %swap3A_326], %shift_right_logical3A_323 {strides = array<i32>} : memref<5x128xi32, #tpu.memory_space<vmem>>, vector<16xi32>,
    %get3A_328 = arith.constant 3 : i32
    %get3A_329 = arith.index_cast %get3A_328 : i32 to index
    %get3A_330 = arith.constant 96 : index
    %get3A_331 = tpu.vector_load %arg9[%get3A_329, %get3A_330] {strides = array<i32>} : memref<5x128xi32, #tpu.memory_space<vmem>>, vector<16xi32>,
    %shift_right_logical3A_332 = arith.constant 4 : i32
    %shift_right_logical3A_333 = vector.broadcast %shift_right_logical3A_332 : i32 to vector<16xi32>
    %shift_right_logical3A_334 = arith.shrui %get3A_331, %shift_right_logical3A_333 : vector<16xi32>
    %swap3A_335 = arith.constant 3 : i32
    %swap3A_336 = arith.index_cast %swap3A_335 : i32 to index
    %swap3A_337 = arith.constant 96 : index
    %swap3A_338 = tpu.vector_load %arg10[%swap3A_336, %swap3A_337] {strides = array<i32>} : memref<5x128xi32, #tpu.memory_space<vmem>>, vector<16xi32>,
    tpu.vector_store %arg10[%swap3A_336, %swap3A_337], %shift_right_logical3A_334 {strides = array<i32>} : memref<5x128xi32, #tpu.memory_space<vmem>>, vector<16xi32>,
    %get3A_339 = arith.constant 3 : i32
    %get3A_340 = arith.index_cast %get3A_339 : i32 to index
    %get3A_341 = arith.constant 112 : index
    %get3A_342 = tpu.vector_load %arg9[%get3A_340, %get3A_341] {strides = array<i32>} : memref<5x128xi32, #tpu.memory_space<vmem>>, vector<16xi32>,
    %shift_right_logical3A_343 = arith.constant 4 : i32
    %shift_right_logical3A_344 = vector.broadcast %shift_right_logical3A_343 : i32 to vector<16xi32>
    %shift_right_logical3A_345 = arith.shrui %get3A_342, %shift_right_logical3A_344 : vector<16xi32>
    %swap3A_346 = arith.constant 3 : i32
    %swap3A_347 = arith.index_cast %swap3A_346 : i32 to index
    %swap3A_348 = arith.constant 112 : index
    %swap3A_349 = tpu.vector_load %arg10[%swap3A_347, %swap3A_348] {strides = array<i32>} : memref<5x128xi32, #tpu.memory_space<vmem>>, vector<16xi32>,
    tpu.vector_store %arg10[%swap3A_347, %swap3A_348], %shift_right_logical3A_345 {strides = array<i32>} : memref<5x128xi32, #tpu.memory_space<vmem>>, vector<16xi32>,
    %get3A_350 = arith.constant 4 : i32
    %get3A_351 = arith.index_cast %get3A_350 : i32 to index
    %get3A_352 = arith.constant 0 : index
    %get3A_353 = tpu.vector_load %arg9[%get3A_351, %get3A_352] {strides = array<i32>} : memref<5x128xi32, #tpu.memory_space<vmem>>, vector<16xi32>,
    %shift_right_logical3A_354 = arith.constant 4 : i32
    %shift_right_logical3A_355 = vector.broadcast %shift_right_logical3A_354 : i32 to vector<16xi32>
    %shift_right_logical3A_356 = arith.shrui %get3A_353, %shift_right_logical3A_355 : vector<16xi32>
    %swap3A_357 = arith.constant 4 : i32
    %swap3A_358 = arith.index_cast %swap3A_357 : i32 to index
    %swap3A_359 = arith.constant 0 : index
    %swap3A_360 = tpu.vector_load %arg10[%swap3A_358, %swap3A_359] {strides = array<i32>} : memref<5x128xi32, #tpu.memory_space<vmem>>, vector<16xi32>,
    tpu.vector_store %arg10[%swap3A_358, %swap3A_359], %shift_right_logical3A_356 {strides = array<i32>} : memref<5x128xi32, #tpu.memory_space<vmem>>, vector<16xi32>,
    %get3A_361 = arith.constant 4 : i32
    %get3A_362 = arith.index_cast %get3A_361 : i32 to index
    %get3A_363 = arith.constant 16 : index
    %get3A_364 = tpu.vector_load %arg9[%get3A_362, %get3A_363] {strides = array<i32>} : memref<5x128xi32, #tpu.memory_space<vmem>>, vector<16xi32>,
    %shift_right_logical3A_365 = arith.constant 4 : i32
    %shift_right_logical3A_366 = vector.broadcast %shift_right_logical3A_365 : i32 to vector<16xi32>
    %shift_right_logical3A_367 = arith.shrui %get3A_364, %shift_right_logical3A_366 : vector<16xi32>
    %swap3A_368 = arith.constant 4 : i32
    %swap3A_369 = arith.index_cast %swap3A_368 : i32 to index
    %swap3A_370 = arith.constant 16 : index
    %swap3A_371 = tpu.vector_load %arg10[%swap3A_369, %swap3A_370] {strides = array<i32>} : memref<5x128xi32, #tpu.memory_space<vmem>>, vector<16xi32>,
    tpu.vector_store %arg10[%swap3A_369, %swap3A_370], %shift_right_logical3A_367 {strides = array<i32>} : memref<5x128xi32, #tpu.memory_space<vmem>>, vector<16xi32>,
    %get3A_372 = arith.constant 4 : i32
    %get3A_373 = arith.index_cast %get3A_372 : i32 to index
    %get3A_374 = arith.constant 32 : index
    %get3A_375 = tpu.vector_load %arg9[%get3A_373, %get3A_374] {strides = array<i32>} : memref<5x128xi32, #tpu.memory_space<vmem>>, vector<16xi32>,
    %shift_right_logical3A_376 = arith.constant 4 : i32
    %shift_right_logical3A_377 = vector.broadcast %shift_right_logical3A_376 : i32 to vector<16xi32>
    %shift_right_logical3A_378 = arith.shrui %get3A_375, %shift_right_logical3A_377 : vector<16xi32>
    %swap3A_379 = arith.constant 4 : i32
    %swap3A_380 = arith.index_cast %swap3A_379 : i32 to index
    %swap3A_381 = arith.constant 32 : index
    %swap3A_382 = tpu.vector_load %arg10[%swap3A_380, %swap3A_381] {strides = array<i32>} : memref<5x128xi32, #tpu.memory_space<vmem>>, vector<16xi32>,
    tpu.vector_store %arg10[%swap3A_380, %swap3A_381], %shift_right_logical3A_378 {strides = array<i32>} : memref<5x128xi32, #tpu.memory_space<vmem>>, vector<16xi32>,
    %get3A_383 = arith.constant 4 : i32
    %get3A_384 = arith.index_cast %get3A_383 : i32 to index
    %get3A_385 = arith.constant 48 : index
    %get3A_386 = tpu.vector_load %arg9[%get3A_384, %get3A_385] {strides = array<i32>} : memref<5x128xi32, #tpu.memory_space<vmem>>, vector<16xi32>,
    %shift_right_logical3A_387 = arith.constant 4 : i32
    %shift_right_logical3A_388 = vector.broadcast %shift_right_logical3A_387 : i32 to vector<16xi32>
    %shift_right_logical3A_389 = arith.shrui %get3A_386, %shift_right_logical3A_388 : vector<16xi32>
    %swap3A_390 = arith.constant 4 : i32
    %swap3A_391 = arith.index_cast %swap3A_390 : i32 to index
    %swap3A_392 = arith.constant 48 : index
    %swap3A_393 = tpu.vector_load %arg10[%swap3A_391, %swap3A_392] {strides = array<i32>} : memref<5x128xi32, #tpu.memory_space<vmem>>, vector<16xi32>,
    tpu.vector_store %arg10[%swap3A_391, %swap3A_392], %shift_right_logical3A_389 {strides = array<i32>} : memref<5x128xi32, #tpu.memory_space<vmem>>, vector<16xi32>,
    %get3A_394 = arith.constant 4 : i32
    %get3A_395 = arith.index_cast %get3A_394 : i32 to index
    %get3A_396 = arith.constant 64 : index
    %get3A_397 = tpu.vector_load %arg9[%get3A_395, %get3A_396] {strides = array<i32>} : memref<5x128xi32, #tpu.memory_space<vmem>>, vector<16xi32>,
    %shift_right_logical3A_398 = arith.constant 4 : i32
    %shift_right_logical3A_399 = vector.broadcast %shift_right_logical3A_398 : i32 to vector<16xi32>
    %shift_right_logical3A_400 = arith.shrui %get3A_397, %shift_right_logical3A_399 : vector<16xi32>
    %swap3A_401 = arith.constant 4 : i32
    %swap3A_402 = arith.index_cast %swap3A_401 : i32 to index
    %swap3A_403 = arith.constant 64 : index
    %swap3A_404 = tpu.vector_load %arg10[%swap3A_402, %swap3A_403] {strides = array<i32>} : memref<5x128xi32, #tpu.memory_space<vmem>>, vector<16xi32>,
    tpu.vector_store %arg10[%swap3A_402, %swap3A_403], %shift_right_logical3A_400 {strides = array<i32>} : memref<5x128xi32, #tpu.memory_space<vmem>>, vector<16xi32>,
    %get3A_405 = arith.constant 4 : i32
    %get3A_406 = arith.index_cast %get3A_405 : i32 to index
    %get3A_407 = arith.constant 80 : index
    %get3A_408 = tpu.vector_load %arg9[%get3A_406, %get3A_407] {strides = array<i32>} : memref<5x128xi32, #tpu.memory_space<vmem>>, vector<16xi32>,
    %shift_right_logical3A_409 = arith.constant 4 : i32
    %shift_right_logical3A_410 = vector.broadcast %shift_right_logical3A_409 : i32 to vector<16xi32>
    %shift_right_logical3A_411 = arith.shrui %get3A_408, %shift_right_logical3A_410 : vector<16xi32>
    %swap3A_412 = arith.constant 4 : i32
    %swap3A_413 = arith.index_cast %swap3A_412 : i32 to index
    %swap3A_414 = arith.constant 80 : index
    %swap3A_415 = tpu.vector_load %arg10[%swap3A_413, %swap3A_414] {strides = array<i32>} : memref<5x128xi32, #tpu.memory_space<vmem>>, vector<16xi32>,
    tpu.vector_store %arg10[%swap3A_413, %swap3A_414], %shift_right_logical3A_411 {strides = array<i32>} : memref<5x128xi32, #tpu.memory_space<vmem>>, vector<16xi32>,
    %get3A_416 = arith.constant 4 : i32
    %get3A_417 = arith.index_cast %get3A_416 : i32 to index
    %get3A_418 = arith.constant 96 : index
    %get3A_419 = tpu.vector_load %arg9[%get3A_417, %get3A_418] {strides = array<i32>} : memref<5x128xi32, #tpu.memory_space<vmem>>, vector<16xi32>,
    %shift_right_logical3A_420 = arith.constant 4 : i32
    %shift_right_logical3A_421 = vector.broadcast %shift_right_logical3A_420 : i32 to vector<16xi32>
    %shift_right_logical3A_422 = arith.shrui %get3A_419, %shift_right_logical3A_421 : vector<16xi32>
    %swap3A_423 = arith.constant 4 : i32
    %swap3A_424 = arith.index_cast %swap3A_423 : i32 to index
    %swap3A_425 = arith.constant 96 : index
    %swap3A_426 = tpu.vector_load %arg10[%swap3A_424, %swap3A_425] {strides = array<i32>} : memref<5x128xi32, #tpu.memory_space<vmem>>, vector<16xi32>,
    tpu.vector_store %arg10[%swap3A_424, %swap3A_425], %shift_right_logical3A_422 {strides = array<i32>} : memref<5x128xi32, #tpu.memory_space<vmem>>, vector<16xi32>,
    %get3A_427 = arith.constant 4 : i32
    %get3A_428 = arith.index_cast %get3A_427 : i32 to index
    %get3A_429 = arith.constant 112 : index
    %get3A_430 = tpu.vector_load %arg9[%get3A_428, %get3A_429] {strides = array<i32>} : memref<5x128xi32, #tpu.memory_space<vmem>>, vector<16xi32>,
    %shift_right_logical3A_431 = arith.constant 4 : i32
    %shift_right_logical3A_432 = vector.broadcast %shift_right_logical3A_431 : i32 to vector<16xi32>
    %shift_right_logical3A_433 = arith.shrui %get3A_430, %shift_right_logical3A_432 : vector<16xi32>
    %swap3A_434 = arith.constant 4 : i32
    %swap3A_435 = arith.index_cast %swap3A_434 : i32 to index
    %swap3A_436 = arith.constant 112 : index
    %swap3A_437 = tpu.vector_load %arg10[%swap3A_435, %swap3A_436] {strides = array<i32>} : memref<5x128xi32, #tpu.memory_space<vmem>>, vector<16xi32>,
    tpu.vector_store %arg10[%swap3A_435, %swap3A_436], %shift_right_logical3A_433 {strides = array<i32>} : memref<5x128xi32, #tpu.memory_space<vmem>>, vector<16xi32>,
    %dma_start3A = arith.constant 0 : i32
    %dma_start3A_438 = arith.constant 0 : i32
    %dma_start3A_439 = arith.constant 0 : i32
    %dma_start3A_440 = tpu.memref_slice %arg11[%dma_start3A_438, %dma_start3A_439] : memref<640x16xf32, #tpu.memory_space<vmem>> -> memref<128x16xf32, #tpu.memory_space<vmem>>
    %dma_start3A_441 = arith.constant 0 : i32
    %dma_start3A_442 = tpu.memref_slice %arg10[%dma_start3A, %dma_start3A_441] : memref<5x128xi32, #tpu.memory_space<vmem>> -> memref<1x128xi32, #tpu.memory_space<vmem>>
    %dma_start3A_443 = tpu.memref_squeeze %dma_start3A_442 : memref<1x128xi32, #tpu.memory_space<vmem>> -> memref<128xi32, #tpu.memory_space<vmem>>
    %dma_start3A_444 = arith.constant 0 : i32
    %dma_start3A_445 = arith.constant 0 : i32
    %dma_start3A_446 = tpu.memref_slice %arg2[%dma_start3A_444, %dma_start3A_445] : memref<62500x16xf32, #tpu.memory_space<hbm>> -> memref<62500x16xf32, #tpu.memory_space<hbm>>
    tpu.enqueue_indirect_dma source(%dma_start3A_446 : memref<62500x16xf32, #tpu.memory_space<hbm>>) target(%dma_start3A_440 : memref<128x16xf32, #tpu.memory_space<vmem>>) offsets(%dma_start3A_443 : memref<128xi32, #tpu.memory_space<vmem>>) semaphore(%arg16 : memref<!tpu.dma_semaphore, #tpu.memory_space<semaphore_mem>>)
    %dma_start3A_447 = arith.constant 1 : i32
    %dma_start3A_448 = arith.constant 128 : i32
    %dma_start3A_449 = arith.constant 0 : i32
    %dma_start3A_450 = tpu.memref_slice %arg11[%dma_start3A_448, %dma_start3A_449] : memref<640x16xf32, #tpu.memory_space<vmem>> -> memref<128x16xf32, #tpu.memory_space<vmem>>
    %dma_start3A_451 = arith.constant 0 : i32
    %dma_start3A_452 = tpu.memref_slice %arg10[%dma_start3A_447, %dma_start3A_451] : memref<5x128xi32, #tpu.memory_space<vmem>> -> memref<1x128xi32, #tpu.memory_space<vmem>>
    %dma_start3A_453 = tpu.memref_squeeze %dma_start3A_452 : memref<1x128xi32, #tpu.memory_space<vmem>> -> memref<128xi32, #tpu.memory_space<vmem>>
    %dma_start3A_454 = arith.constant 0 : i32
    %dma_start3A_455 = arith.constant 0 : i32
    %dma_start3A_456 = tpu.memref_slice %arg2[%dma_start3A_454, %dma_start3A_455] : memref<62500x16xf32, #tpu.memory_space<hbm>> -> memref<62500x16xf32, #tpu.memory_space<hbm>>
    tpu.enqueue_indirect_dma source(%dma_start3A_456 : memref<62500x16xf32, #tpu.memory_space<hbm>>) target(%dma_start3A_450 : memref<128x16xf32, #tpu.memory_space<vmem>>) offsets(%dma_start3A_453 : memref<128xi32, #tpu.memory_space<vmem>>) semaphore(%arg16 : memref<!tpu.dma_semaphore, #tpu.memory_space<semaphore_mem>>)
    %dma_start3A_457 = arith.constant 2 : i32
    %dma_start3A_458 = arith.constant 256 : i32
    %dma_start3A_459 = arith.constant 0 : i32
    %dma_start3A_460 = tpu.memref_slice %arg11[%dma_start3A_458, %dma_start3A_459] : memref<640x16xf32, #tpu.memory_space<vmem>> -> memref<128x16xf32, #tpu.memory_space<vmem>>
    %dma_start3A_461 = arith.constant 0 : i32
    %dma_start3A_462 = tpu.memref_slice %arg10[%dma_start3A_457, %dma_start3A_461] : memref<5x128xi32, #tpu.memory_space<vmem>> -> memref<1x128xi32, #tpu.memory_space<vmem>>
    %dma_start3A_463 = tpu.memref_squeeze %dma_start3A_462 : memref<1x128xi32, #tpu.memory_space<vmem>> -> memref<128xi32, #tpu.memory_space<vmem>>
    %dma_start3A_464 = arith.constant 0 : i32
    %dma_start3A_465 = arith.constant 0 : i32
    %dma_start3A_466 = tpu.memref_slice %arg2[%dma_start3A_464, %dma_start3A_465] : memref<62500x16xf32, #tpu.memory_space<hbm>> -> memref<62500x16xf32, #tpu.memory_space<hbm>>
    tpu.enqueue_indirect_dma source(%dma_start3A_466 : memref<62500x16xf32, #tpu.memory_space<hbm>>) target(%dma_start3A_460 : memref<128x16xf32, #tpu.memory_space<vmem>>) offsets(%dma_start3A_463 : memref<128xi32, #tpu.memory_space<vmem>>) semaphore(%arg16 : memref<!tpu.dma_semaphore, #tpu.memory_space<semaphore_mem>>)
    %dma_start3A_467 = arith.constant 3 : i32
    %dma_start3A_468 = arith.constant 384 : i32
    %dma_start3A_469 = arith.constant 0 : i32
    %dma_start3A_470 = tpu.memref_slice %arg11[%dma_start3A_468, %dma_start3A_469] : memref<640x16xf32, #tpu.memory_space<vmem>> -> memref<128x16xf32, #tpu.memory_space<vmem>>
    %dma_start3A_471 = arith.constant 0 : i32
    %dma_start3A_472 = tpu.memref_slice %arg10[%dma_start3A_467, %dma_start3A_471] : memref<5x128xi32, #tpu.memory_space<vmem>> -> memref<1x128xi32, #tpu.memory_space<vmem>>
    %dma_start3A_473 = tpu.memref_squeeze %dma_start3A_472 : memref<1x128xi32, #tpu.memory_space<vmem>> -> memref<128xi32, #tpu.memory_space<vmem>>
    %dma_start3A_474 = arith.constant 0 : i32
    %dma_start3A_475 = arith.constant 0 : i32
    %dma_start3A_476 = tpu.memref_slice %arg2[%dma_start3A_474, %dma_start3A_475] : memref<62500x16xf32, #tpu.memory_space<hbm>> -> memref<62500x16xf32, #tpu.memory_space<hbm>>
    tpu.enqueue_indirect_dma source(%dma_start3A_476 : memref<62500x16xf32, #tpu.memory_space<hbm>>) target(%dma_start3A_470 : memref<128x16xf32, #tpu.memory_space<vmem>>) offsets(%dma_start3A_473 : memref<128xi32, #tpu.memory_space<vmem>>) semaphore(%arg16 : memref<!tpu.dma_semaphore, #tpu.memory_space<semaphore_mem>>)
    %dma_start3A_477 = arith.constant 4 : i32
    %dma_start3A_478 = arith.constant 512 : i32
    %dma_start3A_479 = arith.constant 0 : i32
    %dma_start3A_480 = tpu.memref_slice %arg11[%dma_start3A_478, %dma_start3A_479] : memref<640x16xf32, #tpu.memory_space<vmem>> -> memref<128x16xf32, #tpu.memory_space<vmem>>
    %dma_start3A_481 = arith.constant 0 : i32
    %dma_start3A_482 = tpu.memref_slice %arg10[%dma_start3A_477, %dma_start3A_481] : memref<5x128xi32, #tpu.memory_space<vmem>> -> memref<1x128xi32, #tpu.memory_space<vmem>>
    %dma_start3A_483 = tpu.memref_squeeze %dma_start3A_482 : memref<1x128xi32, #tpu.memory_space<vmem>> -> memref<128xi32, #tpu.memory_space<vmem>>
    %dma_start3A_484 = arith.constant 0 : i32
    %dma_start3A_485 = arith.constant 0 : i32
    %dma_start3A_486 = tpu.memref_slice %arg2[%dma_start3A_484, %dma_start3A_485] : memref<62500x16xf32, #tpu.memory_space<hbm>> -> memref<62500x16xf32, #tpu.memory_space<hbm>>
    tpu.enqueue_indirect_dma source(%dma_start3A_486 : memref<62500x16xf32, #tpu.memory_space<hbm>>) target(%dma_start3A_480 : memref<128x16xf32, #tpu.memory_space<vmem>>) offsets(%dma_start3A_483 : memref<128xi32, #tpu.memory_space<vmem>>) semaphore(%arg16 : memref<!tpu.dma_semaphore, #tpu.memory_space<semaphore_mem>>)
    %dma_wait3A = arith.constant 0 : i32
    %dma_wait3A_487 = arith.constant 0 : i32
    %dma_wait3A_488 = arith.constant 0 : i32
    %dma_wait3A_489 = tpu.memref_slice %arg11[%dma_wait3A_487, %dma_wait3A_488] : memref<640x16xf32, #tpu.memory_space<vmem>> -> memref<128x16xf32, #tpu.memory_space<vmem>>
    %dma_wait3A_490 = arith.constant 0 : i32
    %dma_wait3A_491 = tpu.memref_slice %arg10[%dma_wait3A, %dma_wait3A_490] : memref<5x128xi32, #tpu.memory_space<vmem>> -> memref<1x128xi32, #tpu.memory_space<vmem>>
    %dma_wait3A_492 = tpu.memref_squeeze %dma_wait3A_491 : memref<1x128xi32, #tpu.memory_space<vmem>> -> memref<128xi32, #tpu.memory_space<vmem>>
    %dma_wait3A_493 = arith.constant 0 : i32
    %dma_wait3A_494 = arith.constant 0 : i32
    %dma_wait3A_495 = tpu.memref_slice %arg2[%dma_wait3A_493, %dma_wait3A_494] : memref<62500x16xf32, #tpu.memory_space<hbm>> -> memref<62500x16xf32, #tpu.memory_space<hbm>>
    tpu.wait_indirect_dma semaphore(%arg16 : memref<!tpu.dma_semaphore, #tpu.memory_space<semaphore_mem>>) src(%dma_wait3A_495 : memref<62500x16xf32, #tpu.memory_space<hbm>>) dst(%dma_wait3A_489 : memref<128x16xf32, #tpu.memory_space<vmem>>)
    %dma_wait3A_496 = arith.constant 1 : i32
    %dma_wait3A_497 = arith.constant 128 : i32
    %dma_wait3A_498 = arith.constant 0 : i32
    %dma_wait3A_499 = tpu.memref_slice %arg11[%dma_wait3A_497, %dma_wait3A_498] : memref<640x16xf32, #tpu.memory_space<vmem>> -> memref<128x16xf32, #tpu.memory_space<vmem>>
    %dma_wait3A_500 = arith.constant 0 : i32
    %dma_wait3A_501 = tpu.memref_slice %arg10[%dma_wait3A_496, %dma_wait3A_500] : memref<5x128xi32, #tpu.memory_space<vmem>> -> memref<1x128xi32, #tpu.memory_space<vmem>>
    %dma_wait3A_502 = tpu.memref_squeeze %dma_wait3A_501 : memref<1x128xi32, #tpu.memory_space<vmem>> -> memref<128xi32, #tpu.memory_space<vmem>>
    %dma_wait3A_503 = arith.constant 0 : i32
    %dma_wait3A_504 = arith.constant 0 : i32
    %dma_wait3A_505 = tpu.memref_slice %arg2[%dma_wait3A_503, %dma_wait3A_504] : memref<62500x16xf32, #tpu.memory_space<hbm>> -> memref<62500x16xf32, #tpu.memory_space<hbm>>
    tpu.wait_indirect_dma semaphore(%arg16 : memref<!tpu.dma_semaphore, #tpu.memory_space<semaphore_mem>>) src(%dma_wait3A_505 : memref<62500x16xf32, #tpu.memory_space<hbm>>) dst(%dma_wait3A_499 : memref<128x16xf32, #tpu.memory_space<vmem>>)
    %dma_wait3A_506 = arith.constant 2 : i32
    %dma_wait3A_507 = arith.constant 256 : i32
    %dma_wait3A_508 = arith.constant 0 : i32
    %dma_wait3A_509 = tpu.memref_slice %arg11[%dma_wait3A_507, %dma_wait3A_508] : memref<640x16xf32, #tpu.memory_space<vmem>> -> memref<128x16xf32, #tpu.memory_space<vmem>>
    %dma_wait3A_510 = arith.constant 0 : i32
    %dma_wait3A_511 = tpu.memref_slice %arg10[%dma_wait3A_506, %dma_wait3A_510] : memref<5x128xi32, #tpu.memory_space<vmem>> -> memref<1x128xi32, #tpu.memory_space<vmem>>
    %dma_wait3A_512 = tpu.memref_squeeze %dma_wait3A_511 : memref<1x128xi32, #tpu.memory_space<vmem>> -> memref<128xi32, #tpu.memory_space<vmem>>
    %dma_wait3A_513 = arith.constant 0 : i32
    %dma_wait3A_514 = arith.constant 0 : i32
    %dma_wait3A_515 = tpu.memref_slice %arg2[%dma_wait3A_513, %dma_wait3A_514] : memref<62500x16xf32, #tpu.memory_space<hbm>> -> memref<62500x16xf32, #tpu.memory_space<hbm>>
    tpu.wait_indirect_dma semaphore(%arg16 : memref<!tpu.dma_semaphore, #tpu.memory_space<semaphore_mem>>) src(%dma_wait3A_515 : memref<62500x16xf32, #tpu.memory_space<hbm>>) dst(%dma_wait3A_509 : memref<128x16xf32, #tpu.memory_space<vmem>>)
    %dma_wait3A_516 = arith.constant 3 : i32
    %dma_wait3A_517 = arith.constant 384 : i32
    %dma_wait3A_518 = arith.constant 0 : i32
    %dma_wait3A_519 = tpu.memref_slice %arg11[%dma_wait3A_517, %dma_wait3A_518] : memref<640x16xf32, #tpu.memory_space<vmem>> -> memref<128x16xf32, #tpu.memory_space<vmem>>
    %dma_wait3A_520 = arith.constant 0 : i32
    %dma_wait3A_521 = tpu.memref_slice %arg10[%dma_wait3A_516, %dma_wait3A_520] : memref<5x128xi32, #tpu.memory_space<vmem>> -> memref<1x128xi32, #tpu.memory_space<vmem>>
    %dma_wait3A_522 = tpu.memref_squeeze %dma_wait3A_521 : memref<1x128xi32, #tpu.memory_space<vmem>> -> memref<128xi32, #tpu.memory_space<vmem>>
    %dma_wait3A_523 = arith.constant 0 : i32
    %dma_wait3A_524 = arith.constant 0 : i32
    %dma_wait3A_525 = tpu.memref_slice %arg2[%dma_wait3A_523, %dma_wait3A_524] : memref<62500x16xf32, #tpu.memory_space<hbm>> -> memref<62500x16xf32, #tpu.memory_space<hbm>>
    tpu.wait_indirect_dma semaphore(%arg16 : memref<!tpu.dma_semaphore, #tpu.memory_space<semaphore_mem>>) src(%dma_wait3A_525 : memref<62500x16xf32, #tpu.memory_space<hbm>>) dst(%dma_wait3A_519 : memref<128x16xf32, #tpu.memory_space<vmem>>)
    %dma_wait3A_526 = arith.constant 4 : i32
    %dma_wait3A_527 = arith.constant 512 : i32
    %dma_wait3A_528 = arith.constant 0 : i32
    %dma_wait3A_529 = tpu.memref_slice %arg11[%dma_wait3A_527, %dma_wait3A_528] : memref<640x16xf32, #tpu.memory_space<vmem>> -> memref<128x16xf32, #tpu.memory_space<vmem>>
    %dma_wait3A_530 = arith.constant 0 : i32
    %dma_wait3A_531 = tpu.memref_slice %arg10[%dma_wait3A_526, %dma_wait3A_530] : memref<5x128xi32, #tpu.memory_space<vmem>> -> memref<1x128xi32, #tpu.memory_space<vmem>>
    %dma_wait3A_532 = tpu.memref_squeeze %dma_wait3A_531 : memref<1x128xi32, #tpu.memory_space<vmem>> -> memref<128xi32, #tpu.memory_space<vmem>>
    %dma_wait3A_533 = arith.constant 0 : i32
    %dma_wait3A_534 = arith.constant 0 : i32
    %dma_wait3A_535 = tpu.memref_slice %arg2[%dma_wait3A_533, %dma_wait3A_534] : memref<62500x16xf32, #tpu.memory_space<hbm>> -> memref<62500x16xf32, #tpu.memory_space<hbm>>
    tpu.wait_indirect_dma semaphore(%arg16 : memref<!tpu.dma_semaphore, #tpu.memory_space<semaphore_mem>>) src(%dma_wait3A_535 : memref<62500x16xf32, #tpu.memory_space<hbm>>) dst(%dma_wait3A_529 : memref<128x16xf32, #tpu.memory_space<vmem>>)
    %broadcast_in_dim3A = arith.constant 0.000000e+00 : f32
    %broadcast_in_dim3A_536 = vector.broadcast %broadcast_in_dim3A : f32 to vector<16xf32>
    %broadcast_in_dim3A_537 = arith.constant 0.000000e+00 : f32
    %broadcast_in_dim3A_538 = vector.broadcast %broadcast_in_dim3A_537 : f32 to vector<16xf32>
    %get3A_539 = arith.constant 0 : i32
    %get3A_540 = arith.index_cast %get3A_539 : i32 to index
    %get3A_541 = arith.constant 0 : index
    %get3A_542 = tpu.vector_load %arg9[%get3A_540, %get3A_541] {strides = array<i32>} : memref<5x128xi32, #tpu.memory_space<vmem>>, vector<16xi32>,
    %and3A = arith.constant 15 : i32
    %and3A_543 = vector.broadcast %and3A : i32 to vector<16xi32>
    %and3A_544 = arith.andi %get3A_542, %and3A_543 : vector<16xi32>
    %add3A_545 = arith.constant 0 : i32
    %add3A_546 = vector.broadcast %add3A_545 : i32 to vector<16xi32>
    %add3A_547 = arith.addi %iota3A, %add3A_546 : vector<16xi32>
    %gather3A = tpu.vector_load_idx %arg11[%add3A_547, %and3A_544] : memref<640x16xf32, #tpu.memory_space<vmem>>[vector<16xi32>, vector<16xi32>], vector<16xf32>,
    %add3A_548 = arith.addf %broadcast_in_dim3A_536, %gather3A : vector<16xf32>
    %get3A_549 = arith.constant 0 : i32
    %get3A_550 = arith.index_cast %get3A_549 : i32 to index
    %get3A_551 = arith.constant 16 : index
    %get3A_552 = tpu.vector_load %arg9[%get3A_550, %get3A_551] {strides = array<i32>} : memref<5x128xi32, #tpu.memory_space<vmem>>, vector<16xi32>,
    %and3A_553 = arith.constant 15 : i32
    %and3A_554 = vector.broadcast %and3A_553 : i32 to vector<16xi32>
    %and3A_555 = arith.andi %get3A_552, %and3A_554 : vector<16xi32>
    %add3A_556 = arith.constant 16 : i32
    %add3A_557 = vector.broadcast %add3A_556 : i32 to vector<16xi32>
    %add3A_558 = arith.addi %iota3A, %add3A_557 : vector<16xi32>
    %gather3A_559 = tpu.vector_load_idx %arg11[%add3A_558, %and3A_555] : memref<640x16xf32, #tpu.memory_space<vmem>>[vector<16xi32>, vector<16xi32>], vector<16xf32>,
    %add3A_560 = arith.addf %broadcast_in_dim3A_538, %gather3A_559 : vector<16xf32>
    %get3A_561 = arith.constant 0 : i32
    %get3A_562 = arith.index_cast %get3A_561 : i32 to index
    %get3A_563 = arith.constant 32 : index
    %get3A_564 = tpu.vector_load %arg9[%get3A_562, %get3A_563] {strides = array<i32>} : memref<5x128xi32, #tpu.memory_space<vmem>>, vector<16xi32>,
    %and3A_565 = arith.constant 15 : i32
    %and3A_566 = vector.broadcast %and3A_565 : i32 to vector<16xi32>
    %and3A_567 = arith.andi %get3A_564, %and3A_566 : vector<16xi32>
    %add3A_568 = arith.constant 32 : i32
    %add3A_569 = vector.broadcast %add3A_568 : i32 to vector<16xi32>
    %add3A_570 = arith.addi %iota3A, %add3A_569 : vector<16xi32>
    %gather3A_571 = tpu.vector_load_idx %arg11[%add3A_570, %and3A_567] : memref<640x16xf32, #tpu.memory_space<vmem>>[vector<16xi32>, vector<16xi32>], vector<16xf32>,
    %add3A_572 = arith.addf %add3A_548, %gather3A_571 : vector<16xf32>
    %get3A_573 = arith.constant 0 : i32
    %get3A_574 = arith.index_cast %get3A_573 : i32 to index
    %get3A_575 = arith.constant 48 : index
    %get3A_576 = tpu.vector_load %arg9[%get3A_574, %get3A_575] {strides = array<i32>} : memref<5x128xi32, #tpu.memory_space<vmem>>, vector<16xi32>,
    %and3A_577 = arith.constant 15 : i32
    %and3A_578 = vector.broadcast %and3A_577 : i32 to vector<16xi32>
    %and3A_579 = arith.andi %get3A_576, %and3A_578 : vector<16xi32>
    %add3A_580 = arith.constant 48 : i32
    %add3A_581 = vector.broadcast %add3A_580 : i32 to vector<16xi32>
    %add3A_582 = arith.addi %iota3A, %add3A_581 : vector<16xi32>
    %gather3A_583 = tpu.vector_load_idx %arg11[%add3A_582, %and3A_579] : memref<640x16xf32, #tpu.memory_space<vmem>>[vector<16xi32>, vector<16xi32>], vector<16xf32>,
    %add3A_584 = arith.addf %add3A_560, %gather3A_583 : vector<16xf32>
    %get3A_585 = arith.constant 0 : i32
    %get3A_586 = arith.index_cast %get3A_585 : i32 to index
    %get3A_587 = arith.constant 64 : index
    %get3A_588 = tpu.vector_load %arg9[%get3A_586, %get3A_587] {strides = array<i32>} : memref<5x128xi32, #tpu.memory_space<vmem>>, vector<16xi32>,
    %and3A_589 = arith.constant 15 : i32
    %and3A_590 = vector.broadcast %and3A_589 : i32 to vector<16xi32>
    %and3A_591 = arith.andi %get3A_588, %and3A_590 : vector<16xi32>
    %add3A_592 = arith.constant 64 : i32
    %add3A_593 = vector.broadcast %add3A_592 : i32 to vector<16xi32>
    %add3A_594 = arith.addi %iota3A, %add3A_593 : vector<16xi32>
    %gather3A_595 = tpu.vector_load_idx %arg11[%add3A_594, %and3A_591] : memref<640x16xf32, #tpu.memory_space<vmem>>[vector<16xi32>, vector<16xi32>], vector<16xf32>,
    %add3A_596 = arith.addf %add3A_572, %gather3A_595 : vector<16xf32>
    %get3A_597 = arith.constant 0 : i32
    %get3A_598 = arith.index_cast %get3A_597 : i32 to index
    %get3A_599 = arith.constant 80 : index
    %get3A_600 = tpu.vector_load %arg9[%get3A_598, %get3A_599] {strides = array<i32>} : memref<5x128xi32, #tpu.memory_space<vmem>>, vector<16xi32>,
    %and3A_601 = arith.constant 15 : i32
    %and3A_602 = vector.broadcast %and3A_601 : i32 to vector<16xi32>
    %and3A_603 = arith.andi %get3A_600, %and3A_602 : vector<16xi32>
    %add3A_604 = arith.constant 80 : i32
    %add3A_605 = vector.broadcast %add3A_604 : i32 to vector<16xi32>
    %add3A_606 = arith.addi %iota3A, %add3A_605 : vector<16xi32>
    %gather3A_607 = tpu.vector_load_idx %arg11[%add3A_606, %and3A_603] : memref<640x16xf32, #tpu.memory_space<vmem>>[vector<16xi32>, vector<16xi32>], vector<16xf32>,
    %add3A_608 = arith.addf %add3A_584, %gather3A_607 : vector<16xf32>
    %get3A_609 = arith.constant 0 : i32
    %get3A_610 = arith.index_cast %get3A_609 : i32 to index
    %get3A_611 = arith.constant 96 : index
    %get3A_612 = tpu.vector_load %arg9[%get3A_610, %get3A_611] {strides = array<i32>} : memref<5x128xi32, #tpu.memory_space<vmem>>, vector<16xi32>,
    %and3A_613 = arith.constant 15 : i32
    %and3A_614 = vector.broadcast %and3A_613 : i32 to vector<16xi32>
    %and3A_615 = arith.andi %get3A_612, %and3A_614 : vector<16xi32>
    %add3A_616 = arith.constant 96 : i32
    %add3A_617 = vector.broadcast %add3A_616 : i32 to vector<16xi32>
    %add3A_618 = arith.addi %iota3A, %add3A_617 : vector<16xi32>
    %gather3A_619 = tpu.vector_load_idx %arg11[%add3A_618, %and3A_615] : memref<640x16xf32, #tpu.memory_space<vmem>>[vector<16xi32>, vector<16xi32>], vector<16xf32>,
    %add3A_620 = arith.addf %add3A_596, %gather3A_619 : vector<16xf32>
    %get3A_621 = arith.constant 0 : i32
    %get3A_622 = arith.index_cast %get3A_621 : i32 to index
    %get3A_623 = arith.constant 112 : index
    %get3A_624 = tpu.vector_load %arg9[%get3A_622, %get3A_623] {strides = array<i32>} : memref<5x128xi32, #tpu.memory_space<vmem>>, vector<16xi32>,
    %and3A_625 = arith.constant 15 : i32
    %and3A_626 = vector.broadcast %and3A_625 : i32 to vector<16xi32>
    %and3A_627 = arith.andi %get3A_624, %and3A_626 : vector<16xi32>
    %add3A_628 = arith.constant 112 : i32
    %add3A_629 = vector.broadcast %add3A_628 : i32 to vector<16xi32>
    %add3A_630 = arith.addi %iota3A, %add3A_629 : vector<16xi32>
    %gather3A_631 = tpu.vector_load_idx %arg11[%add3A_630, %and3A_627] : memref<640x16xf32, #tpu.memory_space<vmem>>[vector<16xi32>, vector<16xi32>], vector<16xf32>,
    %add3A_632 = arith.addf %add3A_608, %gather3A_631 : vector<16xf32>
    %get3A_633 = arith.constant 1 : i32
    %get3A_634 = arith.index_cast %get3A_633 : i32 to index
    %get3A_635 = arith.constant 0 : index
    %get3A_636 = tpu.vector_load %arg9[%get3A_634, %get3A_635] {strides = array<i32>} : memref<5x128xi32, #tpu.memory_space<vmem>>, vector<16xi32>,
    %and3A_637 = arith.constant 15 : i32
    %and3A_638 = vector.broadcast %and3A_637 : i32 to vector<16xi32>
    %and3A_639 = arith.andi %get3A_636, %and3A_638 : vector<16xi32>
    %add3A_640 = arith.constant 128 : i32
    %add3A_641 = vector.broadcast %add3A_640 : i32 to vector<16xi32>
    %add3A_642 = arith.addi %iota3A, %add3A_641 : vector<16xi32>
    %gather3A_643 = tpu.vector_load_idx %arg11[%add3A_642, %and3A_639] : memref<640x16xf32, #tpu.memory_space<vmem>>[vector<16xi32>, vector<16xi32>], vector<16xf32>,
    %add3A_644 = arith.addf %add3A_620, %gather3A_643 : vector<16xf32>
    %get3A_645 = arith.constant 1 : i32
    %get3A_646 = arith.index_cast %get3A_645 : i32 to index
    %get3A_647 = arith.constant 16 : index
    %get3A_648 = tpu.vector_load %arg9[%get3A_646, %get3A_647] {strides = array<i32>} : memref<5x128xi32, #tpu.memory_space<vmem>>, vector<16xi32>,
    %and3A_649 = arith.constant 15 : i32
    %and3A_650 = vector.broadcast %and3A_649 : i32 to vector<16xi32>
    %and3A_651 = arith.andi %get3A_648, %and3A_650 : vector<16xi32>
    %add3A_652 = arith.constant 144 : i32
    %add3A_653 = vector.broadcast %add3A_652 : i32 to vector<16xi32>
    %add3A_654 = arith.addi %iota3A, %add3A_653 : vector<16xi32>
    %gather3A_655 = tpu.vector_load_idx %arg11[%add3A_654, %and3A_651] : memref<640x16xf32, #tpu.memory_space<vmem>>[vector<16xi32>, vector<16xi32>], vector<16xf32>,
    %add3A_656 = arith.addf %add3A_632, %gather3A_655 : vector<16xf32>
    %get3A_657 = arith.constant 1 : i32
    %get3A_658 = arith.index_cast %get3A_657 : i32 to index
    %get3A_659 = arith.constant 32 : index
    %get3A_660 = tpu.vector_load %arg9[%get3A_658, %get3A_659] {strides = array<i32>} : memref<5x128xi32, #tpu.memory_space<vmem>>, vector<16xi32>,
    %and3A_661 = arith.constant 15 : i32
    %and3A_662 = vector.broadcast %and3A_661 : i32 to vector<16xi32>
    %and3A_663 = arith.andi %get3A_660, %and3A_662 : vector<16xi32>
    %add3A_664 = arith.constant 160 : i32
    %add3A_665 = vector.broadcast %add3A_664 : i32 to vector<16xi32>
    %add3A_666 = arith.addi %iota3A, %add3A_665 : vector<16xi32>
    %gather3A_667 = tpu.vector_load_idx %arg11[%add3A_666, %and3A_663] : memref<640x16xf32, #tpu.memory_space<vmem>>[vector<16xi32>, vector<16xi32>], vector<16xf32>,
    %add3A_668 = arith.addf %add3A_644, %gather3A_667 : vector<16xf32>
    %get3A_669 = arith.constant 1 : i32
    %get3A_670 = arith.index_cast %get3A_669 : i32 to index
    %get3A_671 = arith.constant 48 : index
    %get3A_672 = tpu.vector_load %arg9[%get3A_670, %get3A_671] {strides = array<i32>} : memref<5x128xi32, #tpu.memory_space<vmem>>, vector<16xi32>,
    %and3A_673 = arith.constant 15 : i32
    %and3A_674 = vector.broadcast %and3A_673 : i32 to vector<16xi32>
    %and3A_675 = arith.andi %get3A_672, %and3A_674 : vector<16xi32>
    %add3A_676 = arith.constant 176 : i32
    %add3A_677 = vector.broadcast %add3A_676 : i32 to vector<16xi32>
    %add3A_678 = arith.addi %iota3A, %add3A_677 : vector<16xi32>
    %gather3A_679 = tpu.vector_load_idx %arg11[%add3A_678, %and3A_675] : memref<640x16xf32, #tpu.memory_space<vmem>>[vector<16xi32>, vector<16xi32>], vector<16xf32>,
    %add3A_680 = arith.addf %add3A_656, %gather3A_679 : vector<16xf32>
    %get3A_681 = arith.constant 1 : i32
    %get3A_682 = arith.index_cast %get3A_681 : i32 to index
    %get3A_683 = arith.constant 64 : index
    %get3A_684 = tpu.vector_load %arg9[%get3A_682, %get3A_683] {strides = array<i32>} : memref<5x128xi32, #tpu.memory_space<vmem>>, vector<16xi32>,
    %and3A_685 = arith.constant 15 : i32
    %and3A_686 = vector.broadcast %and3A_685 : i32 to vector<16xi32>
    %and3A_687 = arith.andi %get3A_684, %and3A_686 : vector<16xi32>
    %add3A_688 = arith.constant 192 : i32
    %add3A_689 = vector.broadcast %add3A_688 : i32 to vector<16xi32>
    %add3A_690 = arith.addi %iota3A, %add3A_689 : vector<16xi32>
    %gather3A_691 = tpu.vector_load_idx %arg11[%add3A_690, %and3A_687] : memref<640x16xf32, #tpu.memory_space<vmem>>[vector<16xi32>, vector<16xi32>], vector<16xf32>,
    %add3A_692 = arith.addf %add3A_668, %gather3A_691 : vector<16xf32>
    %get3A_693 = arith.constant 1 : i32
    %get3A_694 = arith.index_cast %get3A_693 : i32 to index
    %get3A_695 = arith.constant 80 : index
    %get3A_696 = tpu.vector_load %arg9[%get3A_694, %get3A_695] {strides = array<i32>} : memref<5x128xi32, #tpu.memory_space<vmem>>, vector<16xi32>,
    %and3A_697 = arith.constant 15 : i32
    %and3A_698 = vector.broadcast %and3A_697 : i32 to vector<16xi32>
    %and3A_699 = arith.andi %get3A_696, %and3A_698 : vector<16xi32>
    %add3A_700 = arith.constant 208 : i32
    %add3A_701 = vector.broadcast %add3A_700 : i32 to vector<16xi32>
    %add3A_702 = arith.addi %iota3A, %add3A_701 : vector<16xi32>
    %gather3A_703 = tpu.vector_load_idx %arg11[%add3A_702, %and3A_699] : memref<640x16xf32, #tpu.memory_space<vmem>>[vector<16xi32>, vector<16xi32>], vector<16xf32>,
    %add3A_704 = arith.addf %add3A_680, %gather3A_703 : vector<16xf32>
    %get3A_705 = arith.constant 1 : i32
    %get3A_706 = arith.index_cast %get3A_705 : i32 to index
    %get3A_707 = arith.constant 96 : index
    %get3A_708 = tpu.vector_load %arg9[%get3A_706, %get3A_707] {strides = array<i32>} : memref<5x128xi32, #tpu.memory_space<vmem>>, vector<16xi32>,
    %and3A_709 = arith.constant 15 : i32
    %and3A_710 = vector.broadcast %and3A_709 : i32 to vector<16xi32>
    %and3A_711 = arith.andi %get3A_708, %and3A_710 : vector<16xi32>
    %add3A_712 = arith.constant 224 : i32
    %add3A_713 = vector.broadcast %add3A_712 : i32 to vector<16xi32>
    %add3A_714 = arith.addi %iota3A, %add3A_713 : vector<16xi32>
    %gather3A_715 = tpu.vector_load_idx %arg11[%add3A_714, %and3A_711] : memref<640x16xf32, #tpu.memory_space<vmem>>[vector<16xi32>, vector<16xi32>], vector<16xf32>,
    %add3A_716 = arith.addf %add3A_692, %gather3A_715 : vector<16xf32>
    %get3A_717 = arith.constant 1 : i32
    %get3A_718 = arith.index_cast %get3A_717 : i32 to index
    %get3A_719 = arith.constant 112 : index
    %get3A_720 = tpu.vector_load %arg9[%get3A_718, %get3A_719] {strides = array<i32>} : memref<5x128xi32, #tpu.memory_space<vmem>>, vector<16xi32>,
    %and3A_721 = arith.constant 15 : i32
    %and3A_722 = vector.broadcast %and3A_721 : i32 to vector<16xi32>
    %and3A_723 = arith.andi %get3A_720, %and3A_722 : vector<16xi32>
    %add3A_724 = arith.constant 240 : i32
    %add3A_725 = vector.broadcast %add3A_724 : i32 to vector<16xi32>
    %add3A_726 = arith.addi %iota3A, %add3A_725 : vector<16xi32>
    %gather3A_727 = tpu.vector_load_idx %arg11[%add3A_726, %and3A_723] : memref<640x16xf32, #tpu.memory_space<vmem>>[vector<16xi32>, vector<16xi32>], vector<16xf32>,
    %add3A_728 = arith.addf %add3A_704, %gather3A_727 : vector<16xf32>
    %get3A_729 = arith.constant 2 : i32
    %get3A_730 = arith.index_cast %get3A_729 : i32 to index
    %get3A_731 = arith.constant 0 : index
    %get3A_732 = tpu.vector_load %arg9[%get3A_730, %get3A_731] {strides = array<i32>} : memref<5x128xi32, #tpu.memory_space<vmem>>, vector<16xi32>,
    %and3A_733 = arith.constant 15 : i32
    %and3A_734 = vector.broadcast %and3A_733 : i32 to vector<16xi32>
    %and3A_735 = arith.andi %get3A_732, %and3A_734 : vector<16xi32>
    %add3A_736 = arith.constant 256 : i32
    %add3A_737 = vector.broadcast %add3A_736 : i32 to vector<16xi32>
    %add3A_738 = arith.addi %iota3A, %add3A_737 : vector<16xi32>
    %gather3A_739 = tpu.vector_load_idx %arg11[%add3A_738, %and3A_735] : memref<640x16xf32, #tpu.memory_space<vmem>>[vector<16xi32>, vector<16xi32>], vector<16xf32>,
    %add3A_740 = arith.addf %add3A_716, %gather3A_739 : vector<16xf32>
    %get3A_741 = arith.constant 2 : i32
    %get3A_742 = arith.index_cast %get3A_741 : i32 to index
    %get3A_743 = arith.constant 16 : index
    %get3A_744 = tpu.vector_load %arg9[%get3A_742, %get3A_743] {strides = array<i32>} : memref<5x128xi32, #tpu.memory_space<vmem>>, vector<16xi32>,
    %and3A_745 = arith.constant 15 : i32
    %and3A_746 = vector.broadcast %and3A_745 : i32 to vector<16xi32>
    %and3A_747 = arith.andi %get3A_744, %and3A_746 : vector<16xi32>
    %add3A_748 = arith.constant 272 : i32
    %add3A_749 = vector.broadcast %add3A_748 : i32 to vector<16xi32>
    %add3A_750 = arith.addi %iota3A, %add3A_749 : vector<16xi32>
    %gather3A_751 = tpu.vector_load_idx %arg11[%add3A_750, %and3A_747] : memref<640x16xf32, #tpu.memory_space<vmem>>[vector<16xi32>, vector<16xi32>], vector<16xf32>,
    %add3A_752 = arith.addf %add3A_728, %gather3A_751 : vector<16xf32>
    %get3A_753 = arith.constant 2 : i32
    %get3A_754 = arith.index_cast %get3A_753 : i32 to index
    %get3A_755 = arith.constant 32 : index
    %get3A_756 = tpu.vector_load %arg9[%get3A_754, %get3A_755] {strides = array<i32>} : memref<5x128xi32, #tpu.memory_space<vmem>>, vector<16xi32>,
    %and3A_757 = arith.constant 15 : i32
    %and3A_758 = vector.broadcast %and3A_757 : i32 to vector<16xi32>
    %and3A_759 = arith.andi %get3A_756, %and3A_758 : vector<16xi32>
    %add3A_760 = arith.constant 288 : i32
    %add3A_761 = vector.broadcast %add3A_760 : i32 to vector<16xi32>
    %add3A_762 = arith.addi %iota3A, %add3A_761 : vector<16xi32>
    %gather3A_763 = tpu.vector_load_idx %arg11[%add3A_762, %and3A_759] : memref<640x16xf32, #tpu.memory_space<vmem>>[vector<16xi32>, vector<16xi32>], vector<16xf32>,
    %add3A_764 = arith.addf %add3A_740, %gather3A_763 : vector<16xf32>
    %get3A_765 = arith.constant 2 : i32
    %get3A_766 = arith.index_cast %get3A_765 : i32 to index
    %get3A_767 = arith.constant 48 : index
    %get3A_768 = tpu.vector_load %arg9[%get3A_766, %get3A_767] {strides = array<i32>} : memref<5x128xi32, #tpu.memory_space<vmem>>, vector<16xi32>,
    %and3A_769 = arith.constant 15 : i32
    %and3A_770 = vector.broadcast %and3A_769 : i32 to vector<16xi32>
    %and3A_771 = arith.andi %get3A_768, %and3A_770 : vector<16xi32>
    %add3A_772 = arith.constant 304 : i32
    %add3A_773 = vector.broadcast %add3A_772 : i32 to vector<16xi32>
    %add3A_774 = arith.addi %iota3A, %add3A_773 : vector<16xi32>
    %gather3A_775 = tpu.vector_load_idx %arg11[%add3A_774, %and3A_771] : memref<640x16xf32, #tpu.memory_space<vmem>>[vector<16xi32>, vector<16xi32>], vector<16xf32>,
    %add3A_776 = arith.addf %add3A_752, %gather3A_775 : vector<16xf32>
    %get3A_777 = arith.constant 2 : i32
    %get3A_778 = arith.index_cast %get3A_777 : i32 to index
    %get3A_779 = arith.constant 64 : index
    %get3A_780 = tpu.vector_load %arg9[%get3A_778, %get3A_779] {strides = array<i32>} : memref<5x128xi32, #tpu.memory_space<vmem>>, vector<16xi32>,
    %and3A_781 = arith.constant 15 : i32
    %and3A_782 = vector.broadcast %and3A_781 : i32 to vector<16xi32>
    %and3A_783 = arith.andi %get3A_780, %and3A_782 : vector<16xi32>
    %add3A_784 = arith.constant 320 : i32
    %add3A_785 = vector.broadcast %add3A_784 : i32 to vector<16xi32>
    %add3A_786 = arith.addi %iota3A, %add3A_785 : vector<16xi32>
    %gather3A_787 = tpu.vector_load_idx %arg11[%add3A_786, %and3A_783] : memref<640x16xf32, #tpu.memory_space<vmem>>[vector<16xi32>, vector<16xi32>], vector<16xf32>,
    %add3A_788 = arith.addf %add3A_764, %gather3A_787 : vector<16xf32>
    %get3A_789 = arith.constant 2 : i32
    %get3A_790 = arith.index_cast %get3A_789 : i32 to index
    %get3A_791 = arith.constant 80 : index
    %get3A_792 = tpu.vector_load %arg9[%get3A_790, %get3A_791] {strides = array<i32>} : memref<5x128xi32, #tpu.memory_space<vmem>>, vector<16xi32>,
    %and3A_793 = arith.constant 15 : i32
    %and3A_794 = vector.broadcast %and3A_793 : i32 to vector<16xi32>
    %and3A_795 = arith.andi %get3A_792, %and3A_794 : vector<16xi32>
    %add3A_796 = arith.constant 336 : i32
    %add3A_797 = vector.broadcast %add3A_796 : i32 to vector<16xi32>
    %add3A_798 = arith.addi %iota3A, %add3A_797 : vector<16xi32>
    %gather3A_799 = tpu.vector_load_idx %arg11[%add3A_798, %and3A_795] : memref<640x16xf32, #tpu.memory_space<vmem>>[vector<16xi32>, vector<16xi32>], vector<16xf32>,
    %add3A_800 = arith.addf %add3A_776, %gather3A_799 : vector<16xf32>
    %get3A_801 = arith.constant 2 : i32
    %get3A_802 = arith.index_cast %get3A_801 : i32 to index
    %get3A_803 = arith.constant 96 : index
    %get3A_804 = tpu.vector_load %arg9[%get3A_802, %get3A_803] {strides = array<i32>} : memref<5x128xi32, #tpu.memory_space<vmem>>, vector<16xi32>,
    %and3A_805 = arith.constant 15 : i32
    %and3A_806 = vector.broadcast %and3A_805 : i32 to vector<16xi32>
    %and3A_807 = arith.andi %get3A_804, %and3A_806 : vector<16xi32>
    %add3A_808 = arith.constant 352 : i32
    %add3A_809 = vector.broadcast %add3A_808 : i32 to vector<16xi32>
    %add3A_810 = arith.addi %iota3A, %add3A_809 : vector<16xi32>
    %gather3A_811 = tpu.vector_load_idx %arg11[%add3A_810, %and3A_807] : memref<640x16xf32, #tpu.memory_space<vmem>>[vector<16xi32>, vector<16xi32>], vector<16xf32>,
    %add3A_812 = arith.addf %add3A_788, %gather3A_811 : vector<16xf32>
    %get3A_813 = arith.constant 2 : i32
    %get3A_814 = arith.index_cast %get3A_813 : i32 to index
    %get3A_815 = arith.constant 112 : index
    %get3A_816 = tpu.vector_load %arg9[%get3A_814, %get3A_815] {strides = array<i32>} : memref<5x128xi32, #tpu.memory_space<vmem>>, vector<16xi32>,
    %and3A_817 = arith.constant 15 : i32
    %and3A_818 = vector.broadcast %and3A_817 : i32 to vector<16xi32>
    %and3A_819 = arith.andi %get3A_816, %and3A_818 : vector<16xi32>
    %add3A_820 = arith.constant 368 : i32
    %add3A_821 = vector.broadcast %add3A_820 : i32 to vector<16xi32>
    %add3A_822 = arith.addi %iota3A, %add3A_821 : vector<16xi32>
    %gather3A_823 = tpu.vector_load_idx %arg11[%add3A_822, %and3A_819] : memref<640x16xf32, #tpu.memory_space<vmem>>[vector<16xi32>, vector<16xi32>], vector<16xf32>,
    %add3A_824 = arith.addf %add3A_800, %gather3A_823 : vector<16xf32>
    %get3A_825 = arith.constant 3 : i32
    %get3A_826 = arith.index_cast %get3A_825 : i32 to index
    %get3A_827 = arith.constant 0 : index
    %get3A_828 = tpu.vector_load %arg9[%get3A_826, %get3A_827] {strides = array<i32>} : memref<5x128xi32, #tpu.memory_space<vmem>>, vector<16xi32>,
    %and3A_829 = arith.constant 15 : i32
    %and3A_830 = vector.broadcast %and3A_829 : i32 to vector<16xi32>
    %and3A_831 = arith.andi %get3A_828, %and3A_830 : vector<16xi32>
    %add3A_832 = arith.constant 384 : i32
    %add3A_833 = vector.broadcast %add3A_832 : i32 to vector<16xi32>
    %add3A_834 = arith.addi %iota3A, %add3A_833 : vector<16xi32>
    %gather3A_835 = tpu.vector_load_idx %arg11[%add3A_834, %and3A_831] : memref<640x16xf32, #tpu.memory_space<vmem>>[vector<16xi32>, vector<16xi32>], vector<16xf32>,
    %add3A_836 = arith.addf %add3A_812, %gather3A_835 : vector<16xf32>
    %get3A_837 = arith.constant 3 : i32
    %get3A_838 = arith.index_cast %get3A_837 : i32 to index
    %get3A_839 = arith.constant 16 : index
    %get3A_840 = tpu.vector_load %arg9[%get3A_838, %get3A_839] {strides = array<i32>} : memref<5x128xi32, #tpu.memory_space<vmem>>, vector<16xi32>,
    %and3A_841 = arith.constant 15 : i32
    %and3A_842 = vector.broadcast %and3A_841 : i32 to vector<16xi32>
    %and3A_843 = arith.andi %get3A_840, %and3A_842 : vector<16xi32>
    %add3A_844 = arith.constant 400 : i32
    %add3A_845 = vector.broadcast %add3A_844 : i32 to vector<16xi32>
    %add3A_846 = arith.addi %iota3A, %add3A_845 : vector<16xi32>
    %gather3A_847 = tpu.vector_load_idx %arg11[%add3A_846, %and3A_843] : memref<640x16xf32, #tpu.memory_space<vmem>>[vector<16xi32>, vector<16xi32>], vector<16xf32>,
    %add3A_848 = arith.addf %add3A_824, %gather3A_847 : vector<16xf32>
    %get3A_849 = arith.constant 3 : i32
    %get3A_850 = arith.index_cast %get3A_849 : i32 to index
    %get3A_851 = arith.constant 32 : index
    %get3A_852 = tpu.vector_load %arg9[%get3A_850, %get3A_851] {strides = array<i32>} : memref<5x128xi32, #tpu.memory_space<vmem>>, vector<16xi32>,
    %and3A_853 = arith.constant 15 : i32
    %and3A_854 = vector.broadcast %and3A_853 : i32 to vector<16xi32>
    %and3A_855 = arith.andi %get3A_852, %and3A_854 : vector<16xi32>
    %add3A_856 = arith.constant 416 : i32
    %add3A_857 = vector.broadcast %add3A_856 : i32 to vector<16xi32>
    %add3A_858 = arith.addi %iota3A, %add3A_857 : vector<16xi32>
    %gather3A_859 = tpu.vector_load_idx %arg11[%add3A_858, %and3A_855] : memref<640x16xf32, #tpu.memory_space<vmem>>[vector<16xi32>, vector<16xi32>], vector<16xf32>,
    %add3A_860 = arith.addf %add3A_836, %gather3A_859 : vector<16xf32>
    %get3A_861 = arith.constant 3 : i32
    %get3A_862 = arith.index_cast %get3A_861 : i32 to index
    %get3A_863 = arith.constant 48 : index
    %get3A_864 = tpu.vector_load %arg9[%get3A_862, %get3A_863] {strides = array<i32>} : memref<5x128xi32, #tpu.memory_space<vmem>>, vector<16xi32>,
    %and3A_865 = arith.constant 15 : i32
    %and3A_866 = vector.broadcast %and3A_865 : i32 to vector<16xi32>
    %and3A_867 = arith.andi %get3A_864, %and3A_866 : vector<16xi32>
    %add3A_868 = arith.constant 432 : i32
    %add3A_869 = vector.broadcast %add3A_868 : i32 to vector<16xi32>
    %add3A_870 = arith.addi %iota3A, %add3A_869 : vector<16xi32>
    %gather3A_871 = tpu.vector_load_idx %arg11[%add3A_870, %and3A_867] : memref<640x16xf32, #tpu.memory_space<vmem>>[vector<16xi32>, vector<16xi32>], vector<16xf32>,
    %add3A_872 = arith.addf %add3A_848, %gather3A_871 : vector<16xf32>
    %get3A_873 = arith.constant 3 : i32
    %get3A_874 = arith.index_cast %get3A_873 : i32 to index
    %get3A_875 = arith.constant 64 : index
    %get3A_876 = tpu.vector_load %arg9[%get3A_874, %get3A_875] {strides = array<i32>} : memref<5x128xi32, #tpu.memory_space<vmem>>, vector<16xi32>,
    %and3A_877 = arith.constant 15 : i32
    %and3A_878 = vector.broadcast %and3A_877 : i32 to vector<16xi32>
    %and3A_879 = arith.andi %get3A_876, %and3A_878 : vector<16xi32>
    %add3A_880 = arith.constant 448 : i32
    %add3A_881 = vector.broadcast %add3A_880 : i32 to vector<16xi32>
    %add3A_882 = arith.addi %iota3A, %add3A_881 : vector<16xi32>
    %gather3A_883 = tpu.vector_load_idx %arg11[%add3A_882, %and3A_879] : memref<640x16xf32, #tpu.memory_space<vmem>>[vector<16xi32>, vector<16xi32>], vector<16xf32>,
    %add3A_884 = arith.addf %add3A_860, %gather3A_883 : vector<16xf32>
    %get3A_885 = arith.constant 3 : i32
    %get3A_886 = arith.index_cast %get3A_885 : i32 to index
    %get3A_887 = arith.constant 80 : index
    %get3A_888 = tpu.vector_load %arg9[%get3A_886, %get3A_887] {strides = array<i32>} : memref<5x128xi32, #tpu.memory_space<vmem>>, vector<16xi32>,
    %and3A_889 = arith.constant 15 : i32
    %and3A_890 = vector.broadcast %and3A_889 : i32 to vector<16xi32>
    %and3A_891 = arith.andi %get3A_888, %and3A_890 : vector<16xi32>
    %add3A_892 = arith.constant 464 : i32
    %add3A_893 = vector.broadcast %add3A_892 : i32 to vector<16xi32>
    %add3A_894 = arith.addi %iota3A, %add3A_893 : vector<16xi32>
    %gather3A_895 = tpu.vector_load_idx %arg11[%add3A_894, %and3A_891] : memref<640x16xf32, #tpu.memory_space<vmem>>[vector<16xi32>, vector<16xi32>], vector<16xf32>,
    %add3A_896 = arith.addf %add3A_872, %gather3A_895 : vector<16xf32>
    %get3A_897 = arith.constant 3 : i32
    %get3A_898 = arith.index_cast %get3A_897 : i32 to index
    %get3A_899 = arith.constant 96 : index
    %get3A_900 = tpu.vector_load %arg9[%get3A_898, %get3A_899] {strides = array<i32>} : memref<5x128xi32, #tpu.memory_space<vmem>>, vector<16xi32>,
    %and3A_901 = arith.constant 15 : i32
    %and3A_902 = vector.broadcast %and3A_901 : i32 to vector<16xi32>
    %and3A_903 = arith.andi %get3A_900, %and3A_902 : vector<16xi32>
    %add3A_904 = arith.constant 480 : i32
    %add3A_905 = vector.broadcast %add3A_904 : i32 to vector<16xi32>
    %add3A_906 = arith.addi %iota3A, %add3A_905 : vector<16xi32>
    %gather3A_907 = tpu.vector_load_idx %arg11[%add3A_906, %and3A_903] : memref<640x16xf32, #tpu.memory_space<vmem>>[vector<16xi32>, vector<16xi32>], vector<16xf32>,
    %add3A_908 = arith.addf %add3A_884, %gather3A_907 : vector<16xf32>
    %get3A_909 = arith.constant 3 : i32
    %get3A_910 = arith.index_cast %get3A_909 : i32 to index
    %get3A_911 = arith.constant 112 : index
    %get3A_912 = tpu.vector_load %arg9[%get3A_910, %get3A_911] {strides = array<i32>} : memref<5x128xi32, #tpu.memory_space<vmem>>, vector<16xi32>,
    %and3A_913 = arith.constant 15 : i32
    %and3A_914 = vector.broadcast %and3A_913 : i32 to vector<16xi32>
    %and3A_915 = arith.andi %get3A_912, %and3A_914 : vector<16xi32>
    %add3A_916 = arith.constant 496 : i32
    %add3A_917 = vector.broadcast %add3A_916 : i32 to vector<16xi32>
    %add3A_918 = arith.addi %iota3A, %add3A_917 : vector<16xi32>
    %gather3A_919 = tpu.vector_load_idx %arg11[%add3A_918, %and3A_915] : memref<640x16xf32, #tpu.memory_space<vmem>>[vector<16xi32>, vector<16xi32>], vector<16xf32>,
    %add3A_920 = arith.addf %add3A_896, %gather3A_919 : vector<16xf32>
    %get3A_921 = arith.constant 4 : i32
    %get3A_922 = arith.index_cast %get3A_921 : i32 to index
    %get3A_923 = arith.constant 0 : index
    %get3A_924 = tpu.vector_load %arg9[%get3A_922, %get3A_923] {strides = array<i32>} : memref<5x128xi32, #tpu.memory_space<vmem>>, vector<16xi32>,
    %and3A_925 = arith.constant 15 : i32
    %and3A_926 = vector.broadcast %and3A_925 : i32 to vector<16xi32>
    %and3A_927 = arith.andi %get3A_924, %and3A_926 : vector<16xi32>
    %add3A_928 = arith.constant 512 : i32
    %add3A_929 = vector.broadcast %add3A_928 : i32 to vector<16xi32>
    %add3A_930 = arith.addi %iota3A, %add3A_929 : vector<16xi32>
    %gather3A_931 = tpu.vector_load_idx %arg11[%add3A_930, %and3A_927] : memref<640x16xf32, #tpu.memory_space<vmem>>[vector<16xi32>, vector<16xi32>], vector<16xf32>,
    %add3A_932 = arith.addf %add3A_908, %gather3A_931 : vector<16xf32>
    %get3A_933 = arith.constant 4 : i32
    %get3A_934 = arith.index_cast %get3A_933 : i32 to index
    %get3A_935 = arith.constant 16 : index
    %get3A_936 = tpu.vector_load %arg9[%get3A_934, %get3A_935] {strides = array<i32>} : memref<5x128xi32, #tpu.memory_space<vmem>>, vector<16xi32>,
    %and3A_937 = arith.constant 15 : i32
    %and3A_938 = vector.broadcast %and3A_937 : i32 to vector<16xi32>
    %and3A_939 = arith.andi %get3A_936, %and3A_938 : vector<16xi32>
    %add3A_940 = arith.constant 528 : i32
    %add3A_941 = vector.broadcast %add3A_940 : i32 to vector<16xi32>
    %add3A_942 = arith.addi %iota3A, %add3A_941 : vector<16xi32>
    %gather3A_943 = tpu.vector_load_idx %arg11[%add3A_942, %and3A_939] : memref<640x16xf32, #tpu.memory_space<vmem>>[vector<16xi32>, vector<16xi32>], vector<16xf32>,
    %add3A_944 = arith.addf %add3A_920, %gather3A_943 : vector<16xf32>
    %get3A_945 = arith.constant 4 : i32
    %get3A_946 = arith.index_cast %get3A_945 : i32 to index
    %get3A_947 = arith.constant 32 : index
    %get3A_948 = tpu.vector_load %arg9[%get3A_946, %get3A_947] {strides = array<i32>} : memref<5x128xi32, #tpu.memory_space<vmem>>, vector<16xi32>,
    %and3A_949 = arith.constant 15 : i32
    %and3A_950 = vector.broadcast %and3A_949 : i32 to vector<16xi32>
    %and3A_951 = arith.andi %get3A_948, %and3A_950 : vector<16xi32>
    %add3A_952 = arith.constant 544 : i32
    %add3A_953 = vector.broadcast %add3A_952 : i32 to vector<16xi32>
    %add3A_954 = arith.addi %iota3A, %add3A_953 : vector<16xi32>
    %gather3A_955 = tpu.vector_load_idx %arg11[%add3A_954, %and3A_951] : memref<640x16xf32, #tpu.memory_space<vmem>>[vector<16xi32>, vector<16xi32>], vector<16xf32>,
    %add3A_956 = arith.addf %add3A_932, %gather3A_955 : vector<16xf32>
    %get3A_957 = arith.constant 4 : i32
    %get3A_958 = arith.index_cast %get3A_957 : i32 to index
    %get3A_959 = arith.constant 48 : index
    %get3A_960 = tpu.vector_load %arg9[%get3A_958, %get3A_959] {strides = array<i32>} : memref<5x128xi32, #tpu.memory_space<vmem>>, vector<16xi32>,
    %and3A_961 = arith.constant 15 : i32
    %and3A_962 = vector.broadcast %and3A_961 : i32 to vector<16xi32>
    %and3A_963 = arith.andi %get3A_960, %and3A_962 : vector<16xi32>
    %add3A_964 = arith.constant 560 : i32
    %add3A_965 = vector.broadcast %add3A_964 : i32 to vector<16xi32>
    %add3A_966 = arith.addi %iota3A, %add3A_965 : vector<16xi32>
    %gather3A_967 = tpu.vector_load_idx %arg11[%add3A_966, %and3A_963] : memref<640x16xf32, #tpu.memory_space<vmem>>[vector<16xi32>, vector<16xi32>], vector<16xf32>,
    %add3A_968 = arith.addf %add3A_944, %gather3A_967 : vector<16xf32>
    %get3A_969 = arith.constant 4 : i32
    %get3A_970 = arith.index_cast %get3A_969 : i32 to index
    %get3A_971 = arith.constant 64 : index
    %get3A_972 = tpu.vector_load %arg9[%get3A_970, %get3A_971] {strides = array<i32>} : memref<5x128xi32, #tpu.memory_space<vmem>>, vector<16xi32>,
    %and3A_973 = arith.constant 15 : i32
    %and3A_974 = vector.broadcast %and3A_973 : i32 to vector<16xi32>
    %and3A_975 = arith.andi %get3A_972, %and3A_974 : vector<16xi32>
    %add3A_976 = arith.constant 576 : i32
    %add3A_977 = vector.broadcast %add3A_976 : i32 to vector<16xi32>
    %add3A_978 = arith.addi %iota3A, %add3A_977 : vector<16xi32>
    %gather3A_979 = tpu.vector_load_idx %arg11[%add3A_978, %and3A_975] : memref<640x16xf32, #tpu.memory_space<vmem>>[vector<16xi32>, vector<16xi32>], vector<16xf32>,
    %add3A_980 = arith.addf %add3A_956, %gather3A_979 : vector<16xf32>
    %get3A_981 = arith.constant 4 : i32
    %get3A_982 = arith.index_cast %get3A_981 : i32 to index
    %get3A_983 = arith.constant 80 : index
    %get3A_984 = tpu.vector_load %arg9[%get3A_982, %get3A_983] {strides = array<i32>} : memref<5x128xi32, #tpu.memory_space<vmem>>, vector<16xi32>,
    %and3A_985 = arith.constant 15 : i32
    %and3A_986 = vector.broadcast %and3A_985 : i32 to vector<16xi32>
    %and3A_987 = arith.andi %get3A_984, %and3A_986 : vector<16xi32>
    %add3A_988 = arith.constant 592 : i32
    %add3A_989 = vector.broadcast %add3A_988 : i32 to vector<16xi32>
    %add3A_990 = arith.addi %iota3A, %add3A_989 : vector<16xi32>
    %gather3A_991 = tpu.vector_load_idx %arg11[%add3A_990, %and3A_987] : memref<640x16xf32, #tpu.memory_space<vmem>>[vector<16xi32>, vector<16xi32>], vector<16xf32>,
    %add3A_992 = arith.addf %add3A_968, %gather3A_991 : vector<16xf32>
    %get3A_993 = arith.constant 4 : i32
    %get3A_994 = arith.index_cast %get3A_993 : i32 to index
    %get3A_995 = arith.constant 96 : index
    %get3A_996 = tpu.vector_load %arg9[%get3A_994, %get3A_995] {strides = array<i32>} : memref<5x128xi32, #tpu.memory_space<vmem>>, vector<16xi32>,
    %and3A_997 = arith.constant 15 : i32
    %and3A_998 = vector.broadcast %and3A_997 : i32 to vector<16xi32>
    %and3A_999 = arith.andi %get3A_996, %and3A_998 : vector<16xi32>
    %add3A_1000 = arith.constant 608 : i32
    %add3A_1001 = vector.broadcast %add3A_1000 : i32 to vector<16xi32>
    %add3A_1002 = arith.addi %iota3A, %add3A_1001 : vector<16xi32>
    %gather3A_1003 = tpu.vector_load_idx %arg11[%add3A_1002, %and3A_999] : memref<640x16xf32, #tpu.memory_space<vmem>>[vector<16xi32>, vector<16xi32>], vector<16xf32>,
    %add3A_1004 = arith.addf %add3A_980, %gather3A_1003 : vector<16xf32>
    %get3A_1005 = arith.constant 4 : i32
    %get3A_1006 = arith.index_cast %get3A_1005 : i32 to index
    %get3A_1007 = arith.constant 112 : index
    %get3A_1008 = tpu.vector_load %arg9[%get3A_1006, %get3A_1007] {strides = array<i32>} : memref<5x128xi32, #tpu.memory_space<vmem>>, vector<16xi32>,
    %and3A_1009 = arith.constant 15 : i32
    %and3A_1010 = vector.broadcast %and3A_1009 : i32 to vector<16xi32>
    %and3A_1011 = arith.andi %get3A_1008, %and3A_1010 : vector<16xi32>
    %add3A_1012 = arith.constant 624 : i32
    %add3A_1013 = vector.broadcast %add3A_1012 : i32 to vector<16xi32>
    %add3A_1014 = arith.addi %iota3A, %add3A_1013 : vector<16xi32>
    %gather3A_1015 = tpu.vector_load_idx %arg11[%add3A_1014, %and3A_1011] : memref<640x16xf32, #tpu.memory_space<vmem>>[vector<16xi32>, vector<16xi32>], vector<16xf32>,
    %add3A_1016 = arith.addf %add3A_992, %gather3A_1015 : vector<16xf32>
    %swap3A_1017 = arith.constant 0 : i32
    %swap3A_1018 = arith.index_cast %swap3A_1017 : i32 to index
    %swap3A_1019 = arith.constant 0 : index
    %swap3A_1020 = tpu.vector_load %arg12[%swap3A_1018, %swap3A_1019] {strides = array<i32>} : memref<1x32xf32, #tpu.memory_space<vmem>>, vector<16xf32>,
    tpu.vector_store %arg12[%swap3A_1018, %swap3A_1019], %add3A_1004 {strides = array<i32>} : memref<1x32xf32, #tpu.memory_space<vmem>>, vector<16xf32>,
    %swap3A_1021 = arith.constant 0 : i32
    %swap3A_1022 = arith.index_cast %swap3A_1021 : i32 to index
    %swap3A_1023 = arith.constant 16 : index
    %swap3A_1024 = tpu.vector_load %arg12[%swap3A_1022, %swap3A_1023] {strides = array<i32>} : memref<1x32xf32, #tpu.memory_space<vmem>>, vector<16xf32>,
    tpu.vector_store %arg12[%swap3A_1022, %swap3A_1023], %add3A_1016 {strides = array<i32>} : memref<1x32xf32, #tpu.memory_space<vmem>>, vector<16xf32>,
    "tpu.region"() ({
      %run_scoped3A = tpu.sem_alloc : memref<!tpu.dma_semaphore, #tpu.memory_space<semaphore_mem>>
      %dma_start3A_1032 = arith.constant 0 : i32
      %dma_start3A_1033 = arith.constant 0 : i32
      %dma_start3A_1034 = tpu.memref_slice %arg7[%add3A, %dma_start3A_1032, %dma_start3A_1033] : memref<32x1x32xf32, #tpu.memory_space<hbm>> -> memref<1x1x32xf32, #tpu.memory_space<hbm>>
      %dma_start3A_1035 = tpu.memref_squeeze %dma_start3A_1034 : memref<1x1x32xf32, #tpu.memory_space<hbm>> -> memref<1x32xf32, #tpu.memory_space<hbm>>
      %dma_start3A_1036 = arith.constant 0 : i32
      %dma_start3A_1037 = arith.constant 0 : i32
      %dma_start3A_1038 = tpu.memref_slice %arg7[%add3A, %dma_start3A_1036, %dma_start3A_1037] : memref<32x1x32xf32, #tpu.memory_space<hbm>> -> memref<1x1x32xf32, #tpu.memory_space<hbm>>
      %dma_start3A_1039 = tpu.memref_squeeze %dma_start3A_1038 : memref<1x1x32xf32, #tpu.memory_space<hbm>> -> memref<1x32xf32, #tpu.memory_space<hbm>>
      tpu.enqueue_dma source(%arg12 : memref<1x32xf32, #tpu.memory_space<vmem>>) target(%dma_start3A_1039 : memref<1x32xf32, #tpu.memory_space<hbm>>) target_semaphore(%run_scoped3A : memref<!tpu.dma_semaphore, #tpu.memory_space<semaphore_mem>>)
      %dma_wait3A_1040 = arith.constant 0 : i32
      %dma_wait3A_1041 = arith.constant 0 : i32
      %dma_wait3A_1042 = tpu.memref_slice %arg7[%add3A, %dma_wait3A_1040, %dma_wait3A_1041] : memref<32x1x32xf32, #tpu.memory_space<hbm>> -> memref<1x1x32xf32, #tpu.memory_space<hbm>>
      %dma_wait3A_1043 = tpu.memref_squeeze %dma_wait3A_1042 : memref<1x1x32xf32, #tpu.memory_space<hbm>> -> memref<1x32xf32, #tpu.memory_space<hbm>>
      %dma_wait3A_1044 = arith.constant 0 : i32
      %dma_wait3A_1045 = arith.constant 0 : i32
      %dma_wait3A_1046 = tpu.memref_slice %arg7[%add3A, %dma_wait3A_1044, %dma_wait3A_1045] : memref<32x1x32xf32, #tpu.memory_space<hbm>> -> memref<1x1x32xf32, #tpu.memory_space<hbm>>
      %dma_wait3A_1047 = tpu.memref_squeeze %dma_wait3A_1046 : memref<1x1x32xf32, #tpu.memory_space<hbm>> -> memref<1x32xf32, #tpu.memory_space<hbm>>
      tpu.wait_dma2 semaphore(%run_scoped3A : memref<!tpu.dma_semaphore, #tpu.memory_space<semaphore_mem>>) src(%arg12 : memref<1x32xf32, #tpu.memory_space<vmem>>) dst(%dma_wait3A_1047 : memref<1x32xf32, #tpu.memory_space<hbm>>)
      tpu.yield
    }) : () -> ()
    %eq3A = arith.constant 31 : i32
    %eq3A_1025 = arith.cmpi eq, %add3A, %eq3A : i32
    %convert_element_type3A = arith.extui %eq3A_1025 : i1 to i32
    %cond3A = arith.constant 0 : i32
    %cond3A_1026 = arith.cmpi ne, %convert_element_type3A, %cond3A : i32
    scf.if %cond3A_1026 {
      "tpu.region"() ({
        %run_scoped3A_1413 = tpu.sem_alloc : memref<!tpu.dma_semaphore, #tpu.memory_space<semaphore_mem>>
        tpu.enqueue_dma source(%arg6 : memref<2x128xi32, #tpu.memory_space<hbm>>) target(%arg13 : memref<2x128xi32, #tpu.memory_space<vmem>>) target_semaphore(%run_scoped3A_1413 : memref<!tpu.dma_semaphore, #tpu.memory_space<semaphore_mem>>)
        tpu.wait_dma2 semaphore(%run_scoped3A_1413 : memref<!tpu.dma_semaphore, #tpu.memory_space<semaphore_mem>>) src(%arg6 : memref<2x128xi32, #tpu.memory_space<hbm>>) dst(%arg13 : memref<2x128xi32, #tpu.memory_space<vmem>>)
        tpu.yield
      }) : () -> ()
      %get3A_1032 = arith.constant 0 : i32
      %get3A_1033 = arith.index_cast %get3A_1032 : i32 to index
      %get3A_1034 = arith.constant 0 : index
      %get3A_1035 = tpu.vector_load %arg13[%get3A_1033, %get3A_1034] {strides = array<i32>} : memref<2x128xi32, #tpu.memory_space<vmem>>, vector<16xi32>,
      %shift_right_logical3A_1036 = arith.constant 4 : i32
      %shift_right_logical3A_1037 = vector.broadcast %shift_right_logical3A_1036 : i32 to vector<16xi32>
      %shift_right_logical3A_1038 = arith.shrui %get3A_1035, %shift_right_logical3A_1037 : vector<16xi32>
      %swap3A_1039 = arith.constant 0 : i32
      %swap3A_1040 = arith.index_cast %swap3A_1039 : i32 to index
      %swap3A_1041 = arith.constant 0 : index
      %swap3A_1042 = tpu.vector_load %arg10[%swap3A_1040, %swap3A_1041] {strides = array<i32>} : memref<5x128xi32, #tpu.memory_space<vmem>>, vector<16xi32>,
      tpu.vector_store %arg10[%swap3A_1040, %swap3A_1041], %shift_right_logical3A_1038 {strides = array<i32>} : memref<5x128xi32, #tpu.memory_space<vmem>>, vector<16xi32>,
      %get3A_1043 = arith.constant 0 : i32
      %get3A_1044 = arith.index_cast %get3A_1043 : i32 to index
      %get3A_1045 = arith.constant 16 : index
      %get3A_1046 = tpu.vector_load %arg13[%get3A_1044, %get3A_1045] {strides = array<i32>} : memref<2x128xi32, #tpu.memory_space<vmem>>, vector<16xi32>,
      %shift_right_logical3A_1047 = arith.constant 4 : i32
      %shift_right_logical3A_1048 = vector.broadcast %shift_right_logical3A_1047 : i32 to vector<16xi32>
      %shift_right_logical3A_1049 = arith.shrui %get3A_1046, %shift_right_logical3A_1048 : vector<16xi32>
      %swap3A_1050 = arith.constant 0 : i32
      %swap3A_1051 = arith.index_cast %swap3A_1050 : i32 to index
      %swap3A_1052 = arith.constant 16 : index
      %swap3A_1053 = tpu.vector_load %arg10[%swap3A_1051, %swap3A_1052] {strides = array<i32>} : memref<5x128xi32, #tpu.memory_space<vmem>>, vector<16xi32>,
      tpu.vector_store %arg10[%swap3A_1051, %swap3A_1052], %shift_right_logical3A_1049 {strides = array<i32>} : memref<5x128xi32, #tpu.memory_space<vmem>>, vector<16xi32>,
      %get3A_1054 = arith.constant 0 : i32
      %get3A_1055 = arith.index_cast %get3A_1054 : i32 to index
      %get3A_1056 = arith.constant 32 : index
      %get3A_1057 = tpu.vector_load %arg13[%get3A_1055, %get3A_1056] {strides = array<i32>} : memref<2x128xi32, #tpu.memory_space<vmem>>, vector<16xi32>,
      %shift_right_logical3A_1058 = arith.constant 4 : i32
      %shift_right_logical3A_1059 = vector.broadcast %shift_right_logical3A_1058 : i32 to vector<16xi32>
      %shift_right_logical3A_1060 = arith.shrui %get3A_1057, %shift_right_logical3A_1059 : vector<16xi32>
      %swap3A_1061 = arith.constant 0 : i32
      %swap3A_1062 = arith.index_cast %swap3A_1061 : i32 to index
      %swap3A_1063 = arith.constant 32 : index
      %swap3A_1064 = tpu.vector_load %arg10[%swap3A_1062, %swap3A_1063] {strides = array<i32>} : memref<5x128xi32, #tpu.memory_space<vmem>>, vector<16xi32>,
      tpu.vector_store %arg10[%swap3A_1062, %swap3A_1063], %shift_right_logical3A_1060 {strides = array<i32>} : memref<5x128xi32, #tpu.memory_space<vmem>>, vector<16xi32>,
      %get3A_1065 = arith.constant 0 : i32
      %get3A_1066 = arith.index_cast %get3A_1065 : i32 to index
      %get3A_1067 = arith.constant 48 : index
      %get3A_1068 = tpu.vector_load %arg13[%get3A_1066, %get3A_1067] {strides = array<i32>} : memref<2x128xi32, #tpu.memory_space<vmem>>, vector<16xi32>,
      %shift_right_logical3A_1069 = arith.constant 4 : i32
      %shift_right_logical3A_1070 = vector.broadcast %shift_right_logical3A_1069 : i32 to vector<16xi32>
      %shift_right_logical3A_1071 = arith.shrui %get3A_1068, %shift_right_logical3A_1070 : vector<16xi32>
      %swap3A_1072 = arith.constant 0 : i32
      %swap3A_1073 = arith.index_cast %swap3A_1072 : i32 to index
      %swap3A_1074 = arith.constant 48 : index
      %swap3A_1075 = tpu.vector_load %arg10[%swap3A_1073, %swap3A_1074] {strides = array<i32>} : memref<5x128xi32, #tpu.memory_space<vmem>>, vector<16xi32>,
      tpu.vector_store %arg10[%swap3A_1073, %swap3A_1074], %shift_right_logical3A_1071 {strides = array<i32>} : memref<5x128xi32, #tpu.memory_space<vmem>>, vector<16xi32>,
      %get3A_1076 = arith.constant 0 : i32
      %get3A_1077 = arith.index_cast %get3A_1076 : i32 to index
      %get3A_1078 = arith.constant 64 : index
      %get3A_1079 = tpu.vector_load %arg13[%get3A_1077, %get3A_1078] {strides = array<i32>} : memref<2x128xi32, #tpu.memory_space<vmem>>, vector<16xi32>,
      %shift_right_logical3A_1080 = arith.constant 4 : i32
      %shift_right_logical3A_1081 = vector.broadcast %shift_right_logical3A_1080 : i32 to vector<16xi32>
      %shift_right_logical3A_1082 = arith.shrui %get3A_1079, %shift_right_logical3A_1081 : vector<16xi32>
      %swap3A_1083 = arith.constant 0 : i32
      %swap3A_1084 = arith.index_cast %swap3A_1083 : i32 to index
      %swap3A_1085 = arith.constant 64 : index
      %swap3A_1086 = tpu.vector_load %arg10[%swap3A_1084, %swap3A_1085] {strides = array<i32>} : memref<5x128xi32, #tpu.memory_space<vmem>>, vector<16xi32>,
      tpu.vector_store %arg10[%swap3A_1084, %swap3A_1085], %shift_right_logical3A_1082 {strides = array<i32>} : memref<5x128xi32, #tpu.memory_space<vmem>>, vector<16xi32>,
      %get3A_1087 = arith.constant 0 : i32
      %get3A_1088 = arith.index_cast %get3A_1087 : i32 to index
      %get3A_1089 = arith.constant 80 : index
      %get3A_1090 = tpu.vector_load %arg13[%get3A_1088, %get3A_1089] {strides = array<i32>} : memref<2x128xi32, #tpu.memory_space<vmem>>, vector<16xi32>,
      %shift_right_logical3A_1091 = arith.constant 4 : i32
      %shift_right_logical3A_1092 = vector.broadcast %shift_right_logical3A_1091 : i32 to vector<16xi32>
      %shift_right_logical3A_1093 = arith.shrui %get3A_1090, %shift_right_logical3A_1092 : vector<16xi32>
      %swap3A_1094 = arith.constant 0 : i32
      %swap3A_1095 = arith.index_cast %swap3A_1094 : i32 to index
      %swap3A_1096 = arith.constant 80 : index
      %swap3A_1097 = tpu.vector_load %arg10[%swap3A_1095, %swap3A_1096] {strides = array<i32>} : memref<5x128xi32, #tpu.memory_space<vmem>>, vector<16xi32>,
      tpu.vector_store %arg10[%swap3A_1095, %swap3A_1096], %shift_right_logical3A_1093 {strides = array<i32>} : memref<5x128xi32, #tpu.memory_space<vmem>>, vector<16xi32>,
      %get3A_1098 = arith.constant 0 : i32
      %get3A_1099 = arith.index_cast %get3A_1098 : i32 to index
      %get3A_1100 = arith.constant 96 : index
      %get3A_1101 = tpu.vector_load %arg13[%get3A_1099, %get3A_1100] {strides = array<i32>} : memref<2x128xi32, #tpu.memory_space<vmem>>, vector<16xi32>,
      %shift_right_logical3A_1102 = arith.constant 4 : i32
      %shift_right_logical3A_1103 = vector.broadcast %shift_right_logical3A_1102 : i32 to vector<16xi32>
      %shift_right_logical3A_1104 = arith.shrui %get3A_1101, %shift_right_logical3A_1103 : vector<16xi32>
      %swap3A_1105 = arith.constant 0 : i32
      %swap3A_1106 = arith.index_cast %swap3A_1105 : i32 to index
      %swap3A_1107 = arith.constant 96 : index
      %swap3A_1108 = tpu.vector_load %arg10[%swap3A_1106, %swap3A_1107] {strides = array<i32>} : memref<5x128xi32, #tpu.memory_space<vmem>>, vector<16xi32>,
      tpu.vector_store %arg10[%swap3A_1106, %swap3A_1107], %shift_right_logical3A_1104 {strides = array<i32>} : memref<5x128xi32, #tpu.memory_space<vmem>>, vector<16xi32>,
      %get3A_1109 = arith.constant 0 : i32
      %get3A_1110 = arith.index_cast %get3A_1109 : i32 to index
      %get3A_1111 = arith.constant 112 : index
      %get3A_1112 = tpu.vector_load %arg13[%get3A_1110, %get3A_1111] {strides = array<i32>} : memref<2x128xi32, #tpu.memory_space<vmem>>, vector<16xi32>,
      %shift_right_logical3A_1113 = arith.constant 4 : i32
      %shift_right_logical3A_1114 = vector.broadcast %shift_right_logical3A_1113 : i32 to vector<16xi32>
      %shift_right_logical3A_1115 = arith.shrui %get3A_1112, %shift_right_logical3A_1114 : vector<16xi32>
      %swap3A_1116 = arith.constant 0 : i32
      %swap3A_1117 = arith.index_cast %swap3A_1116 : i32 to index
      %swap3A_1118 = arith.constant 112 : index
      %swap3A_1119 = tpu.vector_load %arg10[%swap3A_1117, %swap3A_1118] {strides = array<i32>} : memref<5x128xi32, #tpu.memory_space<vmem>>, vector<16xi32>,
      tpu.vector_store %arg10[%swap3A_1117, %swap3A_1118], %shift_right_logical3A_1115 {strides = array<i32>} : memref<5x128xi32, #tpu.memory_space<vmem>>, vector<16xi32>,
      %get3A_1120 = arith.constant 1 : i32
      %get3A_1121 = arith.index_cast %get3A_1120 : i32 to index
      %get3A_1122 = arith.constant 0 : index
      %get3A_1123 = tpu.vector_load %arg13[%get3A_1121, %get3A_1122] {strides = array<i32>} : memref<2x128xi32, #tpu.memory_space<vmem>>, vector<16xi32>,
      %shift_right_logical3A_1124 = arith.constant 4 : i32
      %shift_right_logical3A_1125 = vector.broadcast %shift_right_logical3A_1124 : i32 to vector<16xi32>
      %shift_right_logical3A_1126 = arith.shrui %get3A_1123, %shift_right_logical3A_1125 : vector<16xi32>
      %swap3A_1127 = arith.constant 1 : i32
      %swap3A_1128 = arith.index_cast %swap3A_1127 : i32 to index
      %swap3A_1129 = arith.constant 0 : index
      %swap3A_1130 = tpu.vector_load %arg10[%swap3A_1128, %swap3A_1129] {strides = array<i32>} : memref<5x128xi32, #tpu.memory_space<vmem>>, vector<16xi32>,
      tpu.vector_store %arg10[%swap3A_1128, %swap3A_1129], %shift_right_logical3A_1126 {strides = array<i32>} : memref<5x128xi32, #tpu.memory_space<vmem>>, vector<16xi32>,
      %get3A_1131 = arith.constant 1 : i32
      %get3A_1132 = arith.index_cast %get3A_1131 : i32 to index
      %get3A_1133 = arith.constant 16 : index
      %get3A_1134 = tpu.vector_load %arg13[%get3A_1132, %get3A_1133] {strides = array<i32>} : memref<2x128xi32, #tpu.memory_space<vmem>>, vector<16xi32>,
      %shift_right_logical3A_1135 = arith.constant 4 : i32
      %shift_right_logical3A_1136 = vector.broadcast %shift_right_logical3A_1135 : i32 to vector<16xi32>
      %shift_right_logical3A_1137 = arith.shrui %get3A_1134, %shift_right_logical3A_1136 : vector<16xi32>
      %swap3A_1138 = arith.constant 1 : i32
      %swap3A_1139 = arith.index_cast %swap3A_1138 : i32 to index
      %swap3A_1140 = arith.constant 16 : index
      %swap3A_1141 = tpu.vector_load %arg10[%swap3A_1139, %swap3A_1140] {strides = array<i32>} : memref<5x128xi32, #tpu.memory_space<vmem>>, vector<16xi32>,
      tpu.vector_store %arg10[%swap3A_1139, %swap3A_1140], %shift_right_logical3A_1137 {strides = array<i32>} : memref<5x128xi32, #tpu.memory_space<vmem>>, vector<16xi32>,
      %get3A_1142 = arith.constant 1 : i32
      %get3A_1143 = arith.index_cast %get3A_1142 : i32 to index
      %get3A_1144 = arith.constant 32 : index
      %get3A_1145 = tpu.vector_load %arg13[%get3A_1143, %get3A_1144] {strides = array<i32>} : memref<2x128xi32, #tpu.memory_space<vmem>>, vector<16xi32>,
      %shift_right_logical3A_1146 = arith.constant 4 : i32
      %shift_right_logical3A_1147 = vector.broadcast %shift_right_logical3A_1146 : i32 to vector<16xi32>
      %shift_right_logical3A_1148 = arith.shrui %get3A_1145, %shift_right_logical3A_1147 : vector<16xi32>
      %swap3A_1149 = arith.constant 1 : i32
      %swap3A_1150 = arith.index_cast %swap3A_1149 : i32 to index
      %swap3A_1151 = arith.constant 32 : index
      %swap3A_1152 = tpu.vector_load %arg10[%swap3A_1150, %swap3A_1151] {strides = array<i32>} : memref<5x128xi32, #tpu.memory_space<vmem>>, vector<16xi32>,
      tpu.vector_store %arg10[%swap3A_1150, %swap3A_1151], %shift_right_logical3A_1148 {strides = array<i32>} : memref<5x128xi32, #tpu.memory_space<vmem>>, vector<16xi32>,
      %get3A_1153 = arith.constant 1 : i32
      %get3A_1154 = arith.index_cast %get3A_1153 : i32 to index
      %get3A_1155 = arith.constant 48 : index
      %get3A_1156 = tpu.vector_load %arg13[%get3A_1154, %get3A_1155] {strides = array<i32>} : memref<2x128xi32, #tpu.memory_space<vmem>>, vector<16xi32>,
      %shift_right_logical3A_1157 = arith.constant 4 : i32
      %shift_right_logical3A_1158 = vector.broadcast %shift_right_logical3A_1157 : i32 to vector<16xi32>
      %shift_right_logical3A_1159 = arith.shrui %get3A_1156, %shift_right_logical3A_1158 : vector<16xi32>
      %swap3A_1160 = arith.constant 1 : i32
      %swap3A_1161 = arith.index_cast %swap3A_1160 : i32 to index
      %swap3A_1162 = arith.constant 48 : index
      %swap3A_1163 = tpu.vector_load %arg10[%swap3A_1161, %swap3A_1162] {strides = array<i32>} : memref<5x128xi32, #tpu.memory_space<vmem>>, vector<16xi32>,
      tpu.vector_store %arg10[%swap3A_1161, %swap3A_1162], %shift_right_logical3A_1159 {strides = array<i32>} : memref<5x128xi32, #tpu.memory_space<vmem>>, vector<16xi32>,
      %get3A_1164 = arith.constant 1 : i32
      %get3A_1165 = arith.index_cast %get3A_1164 : i32 to index
      %get3A_1166 = arith.constant 64 : index
      %get3A_1167 = tpu.vector_load %arg13[%get3A_1165, %get3A_1166] {strides = array<i32>} : memref<2x128xi32, #tpu.memory_space<vmem>>, vector<16xi32>,
      %shift_right_logical3A_1168 = arith.constant 4 : i32
      %shift_right_logical3A_1169 = vector.broadcast %shift_right_logical3A_1168 : i32 to vector<16xi32>
      %shift_right_logical3A_1170 = arith.shrui %get3A_1167, %shift_right_logical3A_1169 : vector<16xi32>
      %swap3A_1171 = arith.constant 1 : i32
      %swap3A_1172 = arith.index_cast %swap3A_1171 : i32 to index
      %swap3A_1173 = arith.constant 64 : index
      %swap3A_1174 = tpu.vector_load %arg10[%swap3A_1172, %swap3A_1173] {strides = array<i32>} : memref<5x128xi32, #tpu.memory_space<vmem>>, vector<16xi32>,
      tpu.vector_store %arg10[%swap3A_1172, %swap3A_1173], %shift_right_logical3A_1170 {strides = array<i32>} : memref<5x128xi32, #tpu.memory_space<vmem>>, vector<16xi32>,
      %get3A_1175 = arith.constant 1 : i32
      %get3A_1176 = arith.index_cast %get3A_1175 : i32 to index
      %get3A_1177 = arith.constant 80 : index
      %get3A_1178 = tpu.vector_load %arg13[%get3A_1176, %get3A_1177] {strides = array<i32>} : memref<2x128xi32, #tpu.memory_space<vmem>>, vector<16xi32>,
      %shift_right_logical3A_1179 = arith.constant 4 : i32
      %shift_right_logical3A_1180 = vector.broadcast %shift_right_logical3A_1179 : i32 to vector<16xi32>
      %shift_right_logical3A_1181 = arith.shrui %get3A_1178, %shift_right_logical3A_1180 : vector<16xi32>
      %swap3A_1182 = arith.constant 1 : i32
      %swap3A_1183 = arith.index_cast %swap3A_1182 : i32 to index
      %swap3A_1184 = arith.constant 80 : index
      %swap3A_1185 = tpu.vector_load %arg10[%swap3A_1183, %swap3A_1184] {strides = array<i32>} : memref<5x128xi32, #tpu.memory_space<vmem>>, vector<16xi32>,
      tpu.vector_store %arg10[%swap3A_1183, %swap3A_1184], %shift_right_logical3A_1181 {strides = array<i32>} : memref<5x128xi32, #tpu.memory_space<vmem>>, vector<16xi32>,
      %get3A_1186 = arith.constant 1 : i32
      %get3A_1187 = arith.index_cast %get3A_1186 : i32 to index
      %get3A_1188 = arith.constant 96 : index
      %get3A_1189 = tpu.vector_load %arg13[%get3A_1187, %get3A_1188] {strides = array<i32>} : memref<2x128xi32, #tpu.memory_space<vmem>>, vector<16xi32>,
      %shift_right_logical3A_1190 = arith.constant 4 : i32
      %shift_right_logical3A_1191 = vector.broadcast %shift_right_logical3A_1190 : i32 to vector<16xi32>
      %shift_right_logical3A_1192 = arith.shrui %get3A_1189, %shift_right_logical3A_1191 : vector<16xi32>
      %swap3A_1193 = arith.constant 1 : i32
      %swap3A_1194 = arith.index_cast %swap3A_1193 : i32 to index
      %swap3A_1195 = arith.constant 96 : index
      %swap3A_1196 = tpu.vector_load %arg10[%swap3A_1194, %swap3A_1195] {strides = array<i32>} : memref<5x128xi32, #tpu.memory_space<vmem>>, vector<16xi32>,
      tpu.vector_store %arg10[%swap3A_1194, %swap3A_1195], %shift_right_logical3A_1192 {strides = array<i32>} : memref<5x128xi32, #tpu.memory_space<vmem>>, vector<16xi32>,
      %get3A_1197 = arith.constant 1 : i32
      %get3A_1198 = arith.index_cast %get3A_1197 : i32 to index
      %get3A_1199 = arith.constant 112 : index
      %get3A_1200 = tpu.vector_load %arg13[%get3A_1198, %get3A_1199] {strides = array<i32>} : memref<2x128xi32, #tpu.memory_space<vmem>>, vector<16xi32>,
      %shift_right_logical3A_1201 = arith.constant 4 : i32
      %shift_right_logical3A_1202 = vector.broadcast %shift_right_logical3A_1201 : i32 to vector<16xi32>
      %shift_right_logical3A_1203 = arith.shrui %get3A_1200, %shift_right_logical3A_1202 : vector<16xi32>
      %swap3A_1204 = arith.constant 1 : i32
      %swap3A_1205 = arith.index_cast %swap3A_1204 : i32 to index
      %swap3A_1206 = arith.constant 112 : index
      %swap3A_1207 = tpu.vector_load %arg10[%swap3A_1205, %swap3A_1206] {strides = array<i32>} : memref<5x128xi32, #tpu.memory_space<vmem>>, vector<16xi32>,
      tpu.vector_store %arg10[%swap3A_1205, %swap3A_1206], %shift_right_logical3A_1203 {strides = array<i32>} : memref<5x128xi32, #tpu.memory_space<vmem>>, vector<16xi32>,
      %dma_start3A_1208 = arith.constant 0 : i32
      %dma_start3A_1209 = arith.constant 0 : i32
      %dma_start3A_1210 = arith.constant 0 : i32
      %dma_start3A_1211 = tpu.memref_slice %arg14[%dma_start3A_1209, %dma_start3A_1210] : memref<256x16xf32, #tpu.memory_space<vmem>> -> memref<128x16xf32, #tpu.memory_space<vmem>>
      %dma_start3A_1212 = arith.constant 0 : i32
      %dma_start3A_1213 = tpu.memref_slice %arg10[%dma_start3A_1208, %dma_start3A_1212] : memref<5x128xi32, #tpu.memory_space<vmem>> -> memref<1x128xi32, #tpu.memory_space<vmem>>
      %dma_start3A_1214 = tpu.memref_squeeze %dma_start3A_1213 : memref<1x128xi32, #tpu.memory_space<vmem>> -> memref<128xi32, #tpu.memory_space<vmem>>
      %dma_start3A_1215 = arith.constant 0 : i32
      %dma_start3A_1216 = arith.constant 0 : i32
      %dma_start3A_1217 = tpu.memref_slice %arg3[%dma_start3A_1215, %dma_start3A_1216] : memref<62500x16xf32, #tpu.memory_space<hbm>> -> memref<62500x16xf32, #tpu.memory_space<hbm>>
      tpu.enqueue_indirect_dma source(%dma_start3A_1217 : memref<62500x16xf32, #tpu.memory_space<hbm>>) target(%dma_start3A_1211 : memref<128x16xf32, #tpu.memory_space<vmem>>) offsets(%dma_start3A_1214 : memref<128xi32, #tpu.memory_space<vmem>>) semaphore(%arg16 : memref<!tpu.dma_semaphore, #tpu.memory_space<semaphore_mem>>)
      %dma_start3A_1218 = arith.constant 1 : i32
      %dma_start3A_1219 = arith.constant 128 : i32
      %dma_start3A_1220 = arith.constant 0 : i32
      %dma_start3A_1221 = tpu.memref_slice %arg14[%dma_start3A_1219, %dma_start3A_1220] : memref<256x16xf32, #tpu.memory_space<vmem>> -> memref<128x16xf32, #tpu.memory_space<vmem>>
      %dma_start3A_1222 = arith.constant 0 : i32
      %dma_start3A_1223 = tpu.memref_slice %arg10[%dma_start3A_1218, %dma_start3A_1222] : memref<5x128xi32, #tpu.memory_space<vmem>> -> memref<1x128xi32, #tpu.memory_space<vmem>>
      %dma_start3A_1224 = tpu.memref_squeeze %dma_start3A_1223 : memref<1x128xi32, #tpu.memory_space<vmem>> -> memref<128xi32, #tpu.memory_space<vmem>>
      %dma_start3A_1225 = arith.constant 0 : i32
      %dma_start3A_1226 = arith.constant 0 : i32
      %dma_start3A_1227 = tpu.memref_slice %arg3[%dma_start3A_1225, %dma_start3A_1226] : memref<62500x16xf32, #tpu.memory_space<hbm>> -> memref<62500x16xf32, #tpu.memory_space<hbm>>
      tpu.enqueue_indirect_dma source(%dma_start3A_1227 : memref<62500x16xf32, #tpu.memory_space<hbm>>) target(%dma_start3A_1221 : memref<128x16xf32, #tpu.memory_space<vmem>>) offsets(%dma_start3A_1224 : memref<128xi32, #tpu.memory_space<vmem>>) semaphore(%arg16 : memref<!tpu.dma_semaphore, #tpu.memory_space<semaphore_mem>>)
      %dma_wait3A_1228 = arith.constant 0 : i32
      %dma_wait3A_1229 = arith.constant 0 : i32
      %dma_wait3A_1230 = arith.constant 0 : i32
      %dma_wait3A_1231 = tpu.memref_slice %arg14[%dma_wait3A_1229, %dma_wait3A_1230] : memref<256x16xf32, #tpu.memory_space<vmem>> -> memref<128x16xf32, #tpu.memory_space<vmem>>
      %dma_wait3A_1232 = arith.constant 0 : i32
      %dma_wait3A_1233 = tpu.memref_slice %arg10[%dma_wait3A_1228, %dma_wait3A_1232] : memref<5x128xi32, #tpu.memory_space<vmem>> -> memref<1x128xi32, #tpu.memory_space<vmem>>
      %dma_wait3A_1234 = tpu.memref_squeeze %dma_wait3A_1233 : memref<1x128xi32, #tpu.memory_space<vmem>> -> memref<128xi32, #tpu.memory_space<vmem>>
      %dma_wait3A_1235 = arith.constant 0 : i32
      %dma_wait3A_1236 = arith.constant 0 : i32
      %dma_wait3A_1237 = tpu.memref_slice %arg3[%dma_wait3A_1235, %dma_wait3A_1236] : memref<62500x16xf32, #tpu.memory_space<hbm>> -> memref<62500x16xf32, #tpu.memory_space<hbm>>
      tpu.wait_indirect_dma semaphore(%arg16 : memref<!tpu.dma_semaphore, #tpu.memory_space<semaphore_mem>>) src(%dma_wait3A_1237 : memref<62500x16xf32, #tpu.memory_space<hbm>>) dst(%dma_wait3A_1231 : memref<128x16xf32, #tpu.memory_space<vmem>>)
      %dma_wait3A_1238 = arith.constant 1 : i32
      %dma_wait3A_1239 = arith.constant 128 : i32
      %dma_wait3A_1240 = arith.constant 0 : i32
      %dma_wait3A_1241 = tpu.memref_slice %arg14[%dma_wait3A_1239, %dma_wait3A_1240] : memref<256x16xf32, #tpu.memory_space<vmem>> -> memref<128x16xf32, #tpu.memory_space<vmem>>
      %dma_wait3A_1242 = arith.constant 0 : i32
      %dma_wait3A_1243 = tpu.memref_slice %arg10[%dma_wait3A_1238, %dma_wait3A_1242] : memref<5x128xi32, #tpu.memory_space<vmem>> -> memref<1x128xi32, #tpu.memory_space<vmem>>
      %dma_wait3A_1244 = tpu.memref_squeeze %dma_wait3A_1243 : memref<1x128xi32, #tpu.memory_space<vmem>> -> memref<128xi32, #tpu.memory_space<vmem>>
      %dma_wait3A_1245 = arith.constant 0 : i32
      %dma_wait3A_1246 = arith.constant 0 : i32
      %dma_wait3A_1247 = tpu.memref_slice %arg3[%dma_wait3A_1245, %dma_wait3A_1246] : memref<62500x16xf32, #tpu.memory_space<hbm>> -> memref<62500x16xf32, #tpu.memory_space<hbm>>
      tpu.wait_indirect_dma semaphore(%arg16 : memref<!tpu.dma_semaphore, #tpu.memory_space<semaphore_mem>>) src(%dma_wait3A_1247 : memref<62500x16xf32, #tpu.memory_space<hbm>>) dst(%dma_wait3A_1241 : memref<128x16xf32, #tpu.memory_space<vmem>>)
      %broadcast_in_dim3A_1248 = arith.constant 0.000000e+00 : f32
      %broadcast_in_dim3A_1249 = vector.broadcast %broadcast_in_dim3A_1248 : f32 to vector<16xf32>
      %get3A_1250 = arith.constant 0 : i32
      %get3A_1251 = arith.index_cast %get3A_1250 : i32 to index
      %get3A_1252 = arith.constant 0 : index
      %get3A_1253 = tpu.vector_load %arg13[%get3A_1251, %get3A_1252] {strides = array<i32>} : memref<2x128xi32, #tpu.memory_space<vmem>>, vector<16xi32>,
      %and3A_1254 = arith.constant 15 : i32
      %and3A_1255 = vector.broadcast %and3A_1254 : i32 to vector<16xi32>
      %and3A_1256 = arith.andi %get3A_1253, %and3A_1255 : vector<16xi32>
      %add3A_1257 = arith.constant 0 : i32
      %add3A_1258 = vector.broadcast %add3A_1257 : i32 to vector<16xi32>
      %add3A_1259 = arith.addi %iota3A, %add3A_1258 : vector<16xi32>
      %gather3A_1260 = tpu.vector_load_idx %arg14[%add3A_1259, %and3A_1256] : memref<256x16xf32, #tpu.memory_space<vmem>>[vector<16xi32>, vector<16xi32>], vector<16xf32>,
      %add3A_1261 = arith.addf %broadcast_in_dim3A_1249, %gather3A_1260 : vector<16xf32>
      %get3A_1262 = arith.constant 0 : i32
      %get3A_1263 = arith.index_cast %get3A_1262 : i32 to index
      %get3A_1264 = arith.constant 16 : index
      %get3A_1265 = tpu.vector_load %arg13[%get3A_1263, %get3A_1264] {strides = array<i32>} : memref<2x128xi32, #tpu.memory_space<vmem>>, vector<16xi32>,
      %and3A_1266 = arith.constant 15 : i32
      %and3A_1267 = vector.broadcast %and3A_1266 : i32 to vector<16xi32>
      %and3A_1268 = arith.andi %get3A_1265, %and3A_1267 : vector<16xi32>
      %add3A_1269 = arith.constant 16 : i32
      %add3A_1270 = vector.broadcast %add3A_1269 : i32 to vector<16xi32>
      %add3A_1271 = arith.addi %iota3A, %add3A_1270 : vector<16xi32>
      %gather3A_1272 = tpu.vector_load_idx %arg14[%add3A_1271, %and3A_1268] : memref<256x16xf32, #tpu.memory_space<vmem>>[vector<16xi32>, vector<16xi32>], vector<16xf32>,
      %add3A_1273 = arith.addf %add3A_1261, %gather3A_1272 : vector<16xf32>
      %get3A_1274 = arith.constant 0 : i32
      %get3A_1275 = arith.index_cast %get3A_1274 : i32 to index
      %get3A_1276 = arith.constant 32 : index
      %get3A_1277 = tpu.vector_load %arg13[%get3A_1275, %get3A_1276] {strides = array<i32>} : memref<2x128xi32, #tpu.memory_space<vmem>>, vector<16xi32>,
      %and3A_1278 = arith.constant 15 : i32
      %and3A_1279 = vector.broadcast %and3A_1278 : i32 to vector<16xi32>
      %and3A_1280 = arith.andi %get3A_1277, %and3A_1279 : vector<16xi32>
      %add3A_1281 = arith.constant 32 : i32
      %add3A_1282 = vector.broadcast %add3A_1281 : i32 to vector<16xi32>
      %add3A_1283 = arith.addi %iota3A, %add3A_1282 : vector<16xi32>
      %gather3A_1284 = tpu.vector_load_idx %arg14[%add3A_1283, %and3A_1280] : memref<256x16xf32, #tpu.memory_space<vmem>>[vector<16xi32>, vector<16xi32>], vector<16xf32>,
      %add3A_1285 = arith.addf %add3A_1273, %gather3A_1284 : vector<16xf32>
      %get3A_1286 = arith.constant 0 : i32
      %get3A_1287 = arith.index_cast %get3A_1286 : i32 to index
      %get3A_1288 = arith.constant 48 : index
      %get3A_1289 = tpu.vector_load %arg13[%get3A_1287, %get3A_1288] {strides = array<i32>} : memref<2x128xi32, #tpu.memory_space<vmem>>, vector<16xi32>,
      %and3A_1290 = arith.constant 15 : i32
      %and3A_1291 = vector.broadcast %and3A_1290 : i32 to vector<16xi32>
      %and3A_1292 = arith.andi %get3A_1289, %and3A_1291 : vector<16xi32>
      %add3A_1293 = arith.constant 48 : i32
      %add3A_1294 = vector.broadcast %add3A_1293 : i32 to vector<16xi32>
      %add3A_1295 = arith.addi %iota3A, %add3A_1294 : vector<16xi32>
      %gather3A_1296 = tpu.vector_load_idx %arg14[%add3A_1295, %and3A_1292] : memref<256x16xf32, #tpu.memory_space<vmem>>[vector<16xi32>, vector<16xi32>], vector<16xf32>,
      %add3A_1297 = arith.addf %add3A_1285, %gather3A_1296 : vector<16xf32>
      %get3A_1298 = arith.constant 0 : i32
      %get3A_1299 = arith.index_cast %get3A_1298 : i32 to index
      %get3A_1300 = arith.constant 64 : index
      %get3A_1301 = tpu.vector_load %arg13[%get3A_1299, %get3A_1300] {strides = array<i32>} : memref<2x128xi32, #tpu.memory_space<vmem>>, vector<16xi32>,
      %and3A_1302 = arith.constant 15 : i32
      %and3A_1303 = vector.broadcast %and3A_1302 : i32 to vector<16xi32>
      %and3A_1304 = arith.andi %get3A_1301, %and3A_1303 : vector<16xi32>
      %add3A_1305 = arith.constant 64 : i32
      %add3A_1306 = vector.broadcast %add3A_1305 : i32 to vector<16xi32>
      %add3A_1307 = arith.addi %iota3A, %add3A_1306 : vector<16xi32>
      %gather3A_1308 = tpu.vector_load_idx %arg14[%add3A_1307, %and3A_1304] : memref<256x16xf32, #tpu.memory_space<vmem>>[vector<16xi32>, vector<16xi32>], vector<16xf32>,
      %add3A_1309 = arith.addf %add3A_1297, %gather3A_1308 : vector<16xf32>
      %get3A_1310 = arith.constant 0 : i32
      %get3A_1311 = arith.index_cast %get3A_1310 : i32 to index
      %get3A_1312 = arith.constant 80 : index
      %get3A_1313 = tpu.vector_load %arg13[%get3A_1311, %get3A_1312] {strides = array<i32>} : memref<2x128xi32, #tpu.memory_space<vmem>>, vector<16xi32>,
      %and3A_1314 = arith.constant 15 : i32
      %and3A_1315 = vector.broadcast %and3A_1314 : i32 to vector<16xi32>
      %and3A_1316 = arith.andi %get3A_1313, %and3A_1315 : vector<16xi32>
      %add3A_1317 = arith.constant 80 : i32
      %add3A_1318 = vector.broadcast %add3A_1317 : i32 to vector<16xi32>
      %add3A_1319 = arith.addi %iota3A, %add3A_1318 : vector<16xi32>
      %gather3A_1320 = tpu.vector_load_idx %arg14[%add3A_1319, %and3A_1316] : memref<256x16xf32, #tpu.memory_space<vmem>>[vector<16xi32>, vector<16xi32>], vector<16xf32>,
      %add3A_1321 = arith.addf %add3A_1309, %gather3A_1320 : vector<16xf32>
      %get3A_1322 = arith.constant 0 : i32
      %get3A_1323 = arith.index_cast %get3A_1322 : i32 to index
      %get3A_1324 = arith.constant 96 : index
      %get3A_1325 = tpu.vector_load %arg13[%get3A_1323, %get3A_1324] {strides = array<i32>} : memref<2x128xi32, #tpu.memory_space<vmem>>, vector<16xi32>,
      %and3A_1326 = arith.constant 15 : i32
      %and3A_1327 = vector.broadcast %and3A_1326 : i32 to vector<16xi32>
      %and3A_1328 = arith.andi %get3A_1325, %and3A_1327 : vector<16xi32>
      %add3A_1329 = arith.constant 96 : i32
      %add3A_1330 = vector.broadcast %add3A_1329 : i32 to vector<16xi32>
      %add3A_1331 = arith.addi %iota3A, %add3A_1330 : vector<16xi32>
      %gather3A_1332 = tpu.vector_load_idx %arg14[%add3A_1331, %and3A_1328] : memref<256x16xf32, #tpu.memory_space<vmem>>[vector<16xi32>, vector<16xi32>], vector<16xf32>,
      %add3A_1333 = arith.addf %add3A_1321, %gather3A_1332 : vector<16xf32>
      %get3A_1334 = arith.constant 0 : i32
      %get3A_1335 = arith.index_cast %get3A_1334 : i32 to index
      %get3A_1336 = arith.constant 112 : index
      %get3A_1337 = tpu.vector_load %arg13[%get3A_1335, %get3A_1336] {strides = array<i32>} : memref<2x128xi32, #tpu.memory_space<vmem>>, vector<16xi32>,
      %and3A_1338 = arith.constant 15 : i32
      %and3A_1339 = vector.broadcast %and3A_1338 : i32 to vector<16xi32>
      %and3A_1340 = arith.andi %get3A_1337, %and3A_1339 : vector<16xi32>
      %add3A_1341 = arith.constant 112 : i32
      %add3A_1342 = vector.broadcast %add3A_1341 : i32 to vector<16xi32>
      %add3A_1343 = arith.addi %iota3A, %add3A_1342 : vector<16xi32>
      %gather3A_1344 = tpu.vector_load_idx %arg14[%add3A_1343, %and3A_1340] : memref<256x16xf32, #tpu.memory_space<vmem>>[vector<16xi32>, vector<16xi32>], vector<16xf32>,
      %add3A_1345 = arith.addf %add3A_1333, %gather3A_1344 : vector<16xf32>
      %get3A_1346 = arith.constant 1 : i32
      %get3A_1347 = arith.index_cast %get3A_1346 : i32 to index
      %get3A_1348 = arith.constant 0 : index
      %get3A_1349 = tpu.vector_load %arg13[%get3A_1347, %get3A_1348] {strides = array<i32>} : memref<2x128xi32, #tpu.memory_space<vmem>>, vector<16xi32>,
      %and3A_1350 = arith.constant 15 : i32
      %and3A_1351 = vector.broadcast %and3A_1350 : i32 to vector<16xi32>
      %and3A_1352 = arith.andi %get3A_1349, %and3A_1351 : vector<16xi32>
      %add3A_1353 = arith.constant 128 : i32
      %add3A_1354 = vector.broadcast %add3A_1353 : i32 to vector<16xi32>
      %add3A_1355 = arith.addi %iota3A, %add3A_1354 : vector<16xi32>
      %gather3A_1356 = tpu.vector_load_idx %arg14[%add3A_1355, %and3A_1352] : memref<256x16xf32, #tpu.memory_space<vmem>>[vector<16xi32>, vector<16xi32>], vector<16xf32>,
      %add3A_1357 = arith.addf %add3A_1345, %gather3A_1356 : vector<16xf32>
      %get3A_1358 = arith.constant 1 : i32
      %get3A_1359 = arith.index_cast %get3A_1358 : i32 to index
      %get3A_1360 = arith.constant 16 : index
      %get3A_1361 = tpu.vector_load %arg13[%get3A_1359, %get3A_1360] {strides = array<i32>} : memref<2x128xi32, #tpu.memory_space<vmem>>, vector<16xi32>,
      %and3A_1362 = arith.constant 15 : i32
      %and3A_1363 = vector.broadcast %and3A_1362 : i32 to vector<16xi32>
      %and3A_1364 = arith.andi %get3A_1361, %and3A_1363 : vector<16xi32>
      %add3A_1365 = arith.constant 144 : i32
      %add3A_1366 = vector.broadcast %add3A_1365 : i32 to vector<16xi32>
      %add3A_1367 = arith.addi %iota3A, %add3A_1366 : vector<16xi32>
      %gather3A_1368 = tpu.vector_load_idx %arg14[%add3A_1367, %and3A_1364] : memref<256x16xf32, #tpu.memory_space<vmem>>[vector<16xi32>, vector<16xi32>], vector<16xf32>,
      %add3A_1369 = arith.addf %add3A_1357, %gather3A_1368 : vector<16xf32>
      %get3A_1370 = arith.constant 1 : i32
      %get3A_1371 = arith.index_cast %get3A_1370 : i32 to index
      %get3A_1372 = arith.constant 32 : index
      %get3A_1373 = tpu.vector_load %arg13[%get3A_1371, %get3A_1372] {strides = array<i32>} : memref<2x128xi32, #tpu.memory_space<vmem>>, vector<16xi32>,
      %and3A_1374 = arith.constant 15 : i32
      %and3A_1375 = vector.broadcast %and3A_1374 : i32 to vector<16xi32>
      %and3A_1376 = arith.andi %get3A_1373, %and3A_1375 : vector<16xi32>
      %add3A_1377 = arith.constant 160 : i32
      %add3A_1378 = vector.broadcast %add3A_1377 : i32 to vector<16xi32>
      %add3A_1379 = arith.addi %iota3A, %add3A_1378 : vector<16xi32>
      %gather3A_1380 = tpu.vector_load_idx %arg14[%add3A_1379, %and3A_1376] : memref<256x16xf32, #tpu.memory_space<vmem>>[vector<16xi32>, vector<16xi32>], vector<16xf32>,
      %add3A_1381 = arith.addf %add3A_1369, %gather3A_1380 : vector<16xf32>
      %get3A_1382 = arith.constant 1 : i32
      %get3A_1383 = arith.index_cast %get3A_1382 : i32 to index
      %get3A_1384 = arith.constant 48 : index
      %get3A_1385 = tpu.vector_load %arg13[%get3A_1383, %get3A_1384] {strides = array<i32>} : memref<2x128xi32, #tpu.memory_space<vmem>>, vector<16xi32>,
      %and3A_1386 = arith.constant 15 : i32
      %and3A_1387 = vector.broadcast %and3A_1386 : i32 to vector<16xi32>
      %and3A_1388 = arith.andi %get3A_1385, %and3A_1387 : vector<16xi32>
      %add3A_1389 = arith.constant 176 : i32
      %add3A_1390 = vector.broadcast %add3A_1389 : i32 to vector<16xi32>
      %add3A_1391 = arith.addi %iota3A, %add3A_1390 : vector<16xi32>
      %gather3A_1392 = tpu.vector_load_idx %arg14[%add3A_1391, %and3A_1388] : memref<256x16xf32, #tpu.memory_space<vmem>>[vector<16xi32>, vector<16xi32>], vector<16xf32>,
      %add3A_1393 = arith.addf %add3A_1381, %gather3A_1392 : vector<16xf32>
      %get3A_1394 = arith.constant 1 : i32
      %get3A_1395 = arith.index_cast %get3A_1394 : i32 to index
      %get3A_1396 = arith.constant 64 : index
      %get3A_1397 = tpu.vector_load %arg13[%get3A_1395, %get3A_1396] {strides = array<i32>} : memref<2x128xi32, #tpu.memory_space<vmem>>, vector<16xi32>,
      %and3A_1398 = arith.constant 15 : i32
      %and3A_1399 = vector.broadcast %and3A_1398 : i32 to vector<16xi32>
      %and3A_1400 = arith.andi %get3A_1397, %and3A_1399 : vector<16xi32>
      %add3A_1401 = arith.constant 192 : i32
      %add3A_1402 = vector.broadcast %add3A_1401 : i32 to vector<16xi32>
      %add3A_1403 = arith.addi %iota3A, %add3A_1402 : vector<16xi32>
      %gather3A_1404 = tpu.vector_load_idx %arg14[%add3A_1403, %and3A_1400] : memref<256x16xf32, #tpu.memory_space<vmem>>[vector<16xi32>, vector<16xi32>], vector<16xf32>,
      %lt3A = arith.constant 8 : i32
      %lt3A_1405 = vector.broadcast %lt3A : i32 to vector<16xi32>
      %lt3A_1406 = arith.cmpi slt, %iota3A, %lt3A_1405 : vector<16xi32>
      %jit3A = arith.constant 0.000000e+00 : f32
      %broadcast_in_dim3A_1407 = vector.broadcast %jit3A : f32 to vector<16xf32>
      %select_n3A = arith.select %lt3A_1406, %gather3A_1404, %broadcast_in_dim3A_1407 : vector<16xi1>, vector<16xf32>
      %add3A_1408 = arith.addf %add3A_1393, %select_n3A : vector<16xf32>
      %swap3A_1409 = arith.constant 0 : i32
      %swap3A_1410 = arith.index_cast %swap3A_1409 : i32 to index
      %swap3A_1411 = arith.constant 0 : index
      %swap3A_1412 = tpu.vector_load %arg15[%swap3A_1410, %swap3A_1411] {strides = array<i32>} : memref<1x16xf32, #tpu.memory_space<vmem>>, vector<16xf32>,
      tpu.vector_store %arg15[%swap3A_1410, %swap3A_1411], %add3A_1408 {strides = array<i32>} : memref<1x16xf32, #tpu.memory_space<vmem>>, vector<16xf32>,
      %run_scoped3A = arith.constant 0 : i32
      "tpu.region"() ({
        %run_scoped3A_1413 = tpu.sem_alloc : memref<!tpu.dma_semaphore, #tpu.memory_space<semaphore_mem>>
        %dma_start3A_1414 = arith.constant 0 : i32
        %dma_start3A_1415 = arith.constant 0 : i32
        %dma_start3A_1416 = tpu.memref_slice %arg8[%run_scoped3A, %dma_start3A_1414, %dma_start3A_1415] : memref<2x1x16xf32, #tpu.memory_space<hbm>> -> memref<1x1x16xf32, #tpu.memory_space<hbm>>
        %dma_start3A_1417 = tpu.memref_squeeze %dma_start3A_1416 : memref<1x1x16xf32, #tpu.memory_space<hbm>> -> memref<1x16xf32, #tpu.memory_space<hbm>>
        %dma_start3A_1418 = arith.constant 0 : i32
        %dma_start3A_1419 = arith.constant 0 : i32
        %dma_start3A_1420 = tpu.memref_slice %arg8[%run_scoped3A, %dma_start3A_1418, %dma_start3A_1419] : memref<2x1x16xf32, #tpu.memory_space<hbm>> -> memref<1x1x16xf32, #tpu.memory_space<hbm>>
        %dma_start3A_1421 = tpu.memref_squeeze %dma_start3A_1420 : memref<1x1x16xf32, #tpu.memory_space<hbm>> -> memref<1x16xf32, #tpu.memory_space<hbm>>
        tpu.enqueue_dma source(%arg15 : memref<1x16xf32, #tpu.memory_space<vmem>>) target(%dma_start3A_1421 : memref<1x16xf32, #tpu.memory_space<hbm>>) target_semaphore(%run_scoped3A_1413 : memref<!tpu.dma_semaphore, #tpu.memory_space<semaphore_mem>>)
        %dma_wait3A_1422 = arith.constant 0 : i32
        %dma_wait3A_1423 = arith.constant 0 : i32
        %dma_wait3A_1424 = tpu.memref_slice %arg8[%run_scoped3A, %dma_wait3A_1422, %dma_wait3A_1423] : memref<2x1x16xf32, #tpu.memory_space<hbm>> -> memref<1x1x16xf32, #tpu.memory_space<hbm>>
        %dma_wait3A_1425 = tpu.memref_squeeze %dma_wait3A_1424 : memref<1x1x16xf32, #tpu.memory_space<hbm>> -> memref<1x16xf32, #tpu.memory_space<hbm>>
        %dma_wait3A_1426 = arith.constant 0 : i32
        %dma_wait3A_1427 = arith.constant 0 : i32
        %dma_wait3A_1428 = tpu.memref_slice %arg8[%run_scoped3A, %dma_wait3A_1426, %dma_wait3A_1427] : memref<2x1x16xf32, #tpu.memory_space<hbm>> -> memref<1x1x16xf32, #tpu.memory_space<hbm>>
        %dma_wait3A_1429 = tpu.memref_squeeze %dma_wait3A_1428 : memref<1x1x16xf32, #tpu.memory_space<hbm>> -> memref<1x16xf32, #tpu.memory_space<hbm>>
        tpu.wait_dma2 semaphore(%run_scoped3A_1413 : memref<!tpu.dma_semaphore, #tpu.memory_space<semaphore_mem>>) src(%arg15 : memref<1x16xf32, #tpu.memory_space<vmem>>) dst(%dma_wait3A_1429 : memref<1x16xf32, #tpu.memory_space<hbm>>)
        tpu.yield
      }) : () -> ()
    } else {
    }
    %eq3A_1027 = arith.constant 30 : i32
    %eq3A_1028 = arith.cmpi eq, %add3A, %eq3A_1027 : i32
    %convert_element_type3A_1029 = arith.extui %eq3A_1028 : i1 to i32
    %cond3A_1030 = arith.constant 0 : i32
    %cond3A_1031 = arith.cmpi ne, %convert_element_type3A_1029, %cond3A_1030 : i32
    scf.if %cond3A_1031 {
      "tpu.region"() ({
        %run_scoped3A_1413 = tpu.sem_alloc : memref<!tpu.dma_semaphore, #tpu.memory_space<semaphore_mem>>
        tpu.enqueue_dma source(%arg6 : memref<2x128xi32, #tpu.memory_space<hbm>>) target(%arg13 : memref<2x128xi32, #tpu.memory_space<vmem>>) target_semaphore(%run_scoped3A_1413 : memref<!tpu.dma_semaphore, #tpu.memory_space<semaphore_mem>>)
        tpu.wait_dma2 semaphore(%run_scoped3A_1413 : memref<!tpu.dma_semaphore, #tpu.memory_space<semaphore_mem>>) src(%arg6 : memref<2x128xi32, #tpu.memory_space<hbm>>) dst(%arg13 : memref<2x128xi32, #tpu.memory_space<vmem>>)
        tpu.yield
      }) : () -> ()
      %get3A_1032 = arith.constant 0 : i32
      %get3A_1033 = arith.index_cast %get3A_1032 : i32 to index
      %get3A_1034 = arith.constant 0 : index
      %get3A_1035 = tpu.vector_load %arg13[%get3A_1033, %get3A_1034] {strides = array<i32>} : memref<2x128xi32, #tpu.memory_space<vmem>>, vector<16xi32>,
      %shift_right_logical3A_1036 = arith.constant 4 : i32
      %shift_right_logical3A_1037 = vector.broadcast %shift_right_logical3A_1036 : i32 to vector<16xi32>
      %shift_right_logical3A_1038 = arith.shrui %get3A_1035, %shift_right_logical3A_1037 : vector<16xi32>
      %swap3A_1039 = arith.constant 0 : i32
      %swap3A_1040 = arith.index_cast %swap3A_1039 : i32 to index
      %swap3A_1041 = arith.constant 0 : index
      %swap3A_1042 = tpu.vector_load %arg10[%swap3A_1040, %swap3A_1041] {strides = array<i32>} : memref<5x128xi32, #tpu.memory_space<vmem>>, vector<16xi32>,
      tpu.vector_store %arg10[%swap3A_1040, %swap3A_1041], %shift_right_logical3A_1038 {strides = array<i32>} : memref<5x128xi32, #tpu.memory_space<vmem>>, vector<16xi32>,
      %get3A_1043 = arith.constant 0 : i32
      %get3A_1044 = arith.index_cast %get3A_1043 : i32 to index
      %get3A_1045 = arith.constant 16 : index
      %get3A_1046 = tpu.vector_load %arg13[%get3A_1044, %get3A_1045] {strides = array<i32>} : memref<2x128xi32, #tpu.memory_space<vmem>>, vector<16xi32>,
      %shift_right_logical3A_1047 = arith.constant 4 : i32
      %shift_right_logical3A_1048 = vector.broadcast %shift_right_logical3A_1047 : i32 to vector<16xi32>
      %shift_right_logical3A_1049 = arith.shrui %get3A_1046, %shift_right_logical3A_1048 : vector<16xi32>
      %swap3A_1050 = arith.constant 0 : i32
      %swap3A_1051 = arith.index_cast %swap3A_1050 : i32 to index
      %swap3A_1052 = arith.constant 16 : index
      %swap3A_1053 = tpu.vector_load %arg10[%swap3A_1051, %swap3A_1052] {strides = array<i32>} : memref<5x128xi32, #tpu.memory_space<vmem>>, vector<16xi32>,
      tpu.vector_store %arg10[%swap3A_1051, %swap3A_1052], %shift_right_logical3A_1049 {strides = array<i32>} : memref<5x128xi32, #tpu.memory_space<vmem>>, vector<16xi32>,
      %get3A_1054 = arith.constant 0 : i32
      %get3A_1055 = arith.index_cast %get3A_1054 : i32 to index
      %get3A_1056 = arith.constant 32 : index
      %get3A_1057 = tpu.vector_load %arg13[%get3A_1055, %get3A_1056] {strides = array<i32>} : memref<2x128xi32, #tpu.memory_space<vmem>>, vector<16xi32>,
      %shift_right_logical3A_1058 = arith.constant 4 : i32
      %shift_right_logical3A_1059 = vector.broadcast %shift_right_logical3A_1058 : i32 to vector<16xi32>
      %shift_right_logical3A_1060 = arith.shrui %get3A_1057, %shift_right_logical3A_1059 : vector<16xi32>
      %swap3A_1061 = arith.constant 0 : i32
      %swap3A_1062 = arith.index_cast %swap3A_1061 : i32 to index
      %swap3A_1063 = arith.constant 32 : index
      %swap3A_1064 = tpu.vector_load %arg10[%swap3A_1062, %swap3A_1063] {strides = array<i32>} : memref<5x128xi32, #tpu.memory_space<vmem>>, vector<16xi32>,
      tpu.vector_store %arg10[%swap3A_1062, %swap3A_1063], %shift_right_logical3A_1060 {strides = array<i32>} : memref<5x128xi32, #tpu.memory_space<vmem>>, vector<16xi32>,
      %get3A_1065 = arith.constant 0 : i32
      %get3A_1066 = arith.index_cast %get3A_1065 : i32 to index
      %get3A_1067 = arith.constant 48 : index
      %get3A_1068 = tpu.vector_load %arg13[%get3A_1066, %get3A_1067] {strides = array<i32>} : memref<2x128xi32, #tpu.memory_space<vmem>>, vector<16xi32>,
      %shift_right_logical3A_1069 = arith.constant 4 : i32
      %shift_right_logical3A_1070 = vector.broadcast %shift_right_logical3A_1069 : i32 to vector<16xi32>
      %shift_right_logical3A_1071 = arith.shrui %get3A_1068, %shift_right_logical3A_1070 : vector<16xi32>
      %swap3A_1072 = arith.constant 0 : i32
      %swap3A_1073 = arith.index_cast %swap3A_1072 : i32 to index
      %swap3A_1074 = arith.constant 48 : index
      %swap3A_1075 = tpu.vector_load %arg10[%swap3A_1073, %swap3A_1074] {strides = array<i32>} : memref<5x128xi32, #tpu.memory_space<vmem>>, vector<16xi32>,
      tpu.vector_store %arg10[%swap3A_1073, %swap3A_1074], %shift_right_logical3A_1071 {strides = array<i32>} : memref<5x128xi32, #tpu.memory_space<vmem>>, vector<16xi32>,
      %get3A_1076 = arith.constant 0 : i32
      %get3A_1077 = arith.index_cast %get3A_1076 : i32 to index
      %get3A_1078 = arith.constant 64 : index
      %get3A_1079 = tpu.vector_load %arg13[%get3A_1077, %get3A_1078] {strides = array<i32>} : memref<2x128xi32, #tpu.memory_space<vmem>>, vector<16xi32>,
      %shift_right_logical3A_1080 = arith.constant 4 : i32
      %shift_right_logical3A_1081 = vector.broadcast %shift_right_logical3A_1080 : i32 to vector<16xi32>
      %shift_right_logical3A_1082 = arith.shrui %get3A_1079, %shift_right_logical3A_1081 : vector<16xi32>
      %swap3A_1083 = arith.constant 0 : i32
      %swap3A_1084 = arith.index_cast %swap3A_1083 : i32 to index
      %swap3A_1085 = arith.constant 64 : index
      %swap3A_1086 = tpu.vector_load %arg10[%swap3A_1084, %swap3A_1085] {strides = array<i32>} : memref<5x128xi32, #tpu.memory_space<vmem>>, vector<16xi32>,
      tpu.vector_store %arg10[%swap3A_1084, %swap3A_1085], %shift_right_logical3A_1082 {strides = array<i32>} : memref<5x128xi32, #tpu.memory_space<vmem>>, vector<16xi32>,
      %get3A_1087 = arith.constant 0 : i32
      %get3A_1088 = arith.index_cast %get3A_1087 : i32 to index
      %get3A_1089 = arith.constant 80 : index
      %get3A_1090 = tpu.vector_load %arg13[%get3A_1088, %get3A_1089] {strides = array<i32>} : memref<2x128xi32, #tpu.memory_space<vmem>>, vector<16xi32>,
      %shift_right_logical3A_1091 = arith.constant 4 : i32
      %shift_right_logical3A_1092 = vector.broadcast %shift_right_logical3A_1091 : i32 to vector<16xi32>
      %shift_right_logical3A_1093 = arith.shrui %get3A_1090, %shift_right_logical3A_1092 : vector<16xi32>
      %swap3A_1094 = arith.constant 0 : i32
      %swap3A_1095 = arith.index_cast %swap3A_1094 : i32 to index
      %swap3A_1096 = arith.constant 80 : index
      %swap3A_1097 = tpu.vector_load %arg10[%swap3A_1095, %swap3A_1096] {strides = array<i32>} : memref<5x128xi32, #tpu.memory_space<vmem>>, vector<16xi32>,
      tpu.vector_store %arg10[%swap3A_1095, %swap3A_1096], %shift_right_logical3A_1093 {strides = array<i32>} : memref<5x128xi32, #tpu.memory_space<vmem>>, vector<16xi32>,
      %get3A_1098 = arith.constant 0 : i32
      %get3A_1099 = arith.index_cast %get3A_1098 : i32 to index
      %get3A_1100 = arith.constant 96 : index
      %get3A_1101 = tpu.vector_load %arg13[%get3A_1099, %get3A_1100] {strides = array<i32>} : memref<2x128xi32, #tpu.memory_space<vmem>>, vector<16xi32>,
      %shift_right_logical3A_1102 = arith.constant 4 : i32
      %shift_right_logical3A_1103 = vector.broadcast %shift_right_logical3A_1102 : i32 to vector<16xi32>
      %shift_right_logical3A_1104 = arith.shrui %get3A_1101, %shift_right_logical3A_1103 : vector<16xi32>
      %swap3A_1105 = arith.constant 0 : i32
      %swap3A_1106 = arith.index_cast %swap3A_1105 : i32 to index
      %swap3A_1107 = arith.constant 96 : index
      %swap3A_1108 = tpu.vector_load %arg10[%swap3A_1106, %swap3A_1107] {strides = array<i32>} : memref<5x128xi32, #tpu.memory_space<vmem>>, vector<16xi32>,
      tpu.vector_store %arg10[%swap3A_1106, %swap3A_1107], %shift_right_logical3A_1104 {strides = array<i32>} : memref<5x128xi32, #tpu.memory_space<vmem>>, vector<16xi32>,
      %get3A_1109 = arith.constant 0 : i32
      %get3A_1110 = arith.index_cast %get3A_1109 : i32 to index
      %get3A_1111 = arith.constant 112 : index
      %get3A_1112 = tpu.vector_load %arg13[%get3A_1110, %get3A_1111] {strides = array<i32>} : memref<2x128xi32, #tpu.memory_space<vmem>>, vector<16xi32>,
      %shift_right_logical3A_1113 = arith.constant 4 : i32
      %shift_right_logical3A_1114 = vector.broadcast %shift_right_logical3A_1113 : i32 to vector<16xi32>
      %shift_right_logical3A_1115 = arith.shrui %get3A_1112, %shift_right_logical3A_1114 : vector<16xi32>
      %swap3A_1116 = arith.constant 0 : i32
      %swap3A_1117 = arith.index_cast %swap3A_1116 : i32 to index
      %swap3A_1118 = arith.constant 112 : index
      %swap3A_1119 = tpu.vector_load %arg10[%swap3A_1117, %swap3A_1118] {strides = array<i32>} : memref<5x128xi32, #tpu.memory_space<vmem>>, vector<16xi32>,
      tpu.vector_store %arg10[%swap3A_1117, %swap3A_1118], %shift_right_logical3A_1115 {strides = array<i32>} : memref<5x128xi32, #tpu.memory_space<vmem>>, vector<16xi32>,
      %get3A_1120 = arith.constant 1 : i32
      %get3A_1121 = arith.index_cast %get3A_1120 : i32 to index
      %get3A_1122 = arith.constant 0 : index
      %get3A_1123 = tpu.vector_load %arg13[%get3A_1121, %get3A_1122] {strides = array<i32>} : memref<2x128xi32, #tpu.memory_space<vmem>>, vector<16xi32>,
      %shift_right_logical3A_1124 = arith.constant 4 : i32
      %shift_right_logical3A_1125 = vector.broadcast %shift_right_logical3A_1124 : i32 to vector<16xi32>
      %shift_right_logical3A_1126 = arith.shrui %get3A_1123, %shift_right_logical3A_1125 : vector<16xi32>
      %swap3A_1127 = arith.constant 1 : i32
      %swap3A_1128 = arith.index_cast %swap3A_1127 : i32 to index
      %swap3A_1129 = arith.constant 0 : index
      %swap3A_1130 = tpu.vector_load %arg10[%swap3A_1128, %swap3A_1129] {strides = array<i32>} : memref<5x128xi32, #tpu.memory_space<vmem>>, vector<16xi32>,
      tpu.vector_store %arg10[%swap3A_1128, %swap3A_1129], %shift_right_logical3A_1126 {strides = array<i32>} : memref<5x128xi32, #tpu.memory_space<vmem>>, vector<16xi32>,
      %get3A_1131 = arith.constant 1 : i32
      %get3A_1132 = arith.index_cast %get3A_1131 : i32 to index
      %get3A_1133 = arith.constant 16 : index
      %get3A_1134 = tpu.vector_load %arg13[%get3A_1132, %get3A_1133] {strides = array<i32>} : memref<2x128xi32, #tpu.memory_space<vmem>>, vector<16xi32>,
      %shift_right_logical3A_1135 = arith.constant 4 : i32
      %shift_right_logical3A_1136 = vector.broadcast %shift_right_logical3A_1135 : i32 to vector<16xi32>
      %shift_right_logical3A_1137 = arith.shrui %get3A_1134, %shift_right_logical3A_1136 : vector<16xi32>
      %swap3A_1138 = arith.constant 1 : i32
      %swap3A_1139 = arith.index_cast %swap3A_1138 : i32 to index
      %swap3A_1140 = arith.constant 16 : index
      %swap3A_1141 = tpu.vector_load %arg10[%swap3A_1139, %swap3A_1140] {strides = array<i32>} : memref<5x128xi32, #tpu.memory_space<vmem>>, vector<16xi32>,
      tpu.vector_store %arg10[%swap3A_1139, %swap3A_1140], %shift_right_logical3A_1137 {strides = array<i32>} : memref<5x128xi32, #tpu.memory_space<vmem>>, vector<16xi32>,
      %get3A_1142 = arith.constant 1 : i32
      %get3A_1143 = arith.index_cast %get3A_1142 : i32 to index
      %get3A_1144 = arith.constant 32 : index
      %get3A_1145 = tpu.vector_load %arg13[%get3A_1143, %get3A_1144] {strides = array<i32>} : memref<2x128xi32, #tpu.memory_space<vmem>>, vector<16xi32>,
      %shift_right_logical3A_1146 = arith.constant 4 : i32
      %shift_right_logical3A_1147 = vector.broadcast %shift_right_logical3A_1146 : i32 to vector<16xi32>
      %shift_right_logical3A_1148 = arith.shrui %get3A_1145, %shift_right_logical3A_1147 : vector<16xi32>
      %swap3A_1149 = arith.constant 1 : i32
      %swap3A_1150 = arith.index_cast %swap3A_1149 : i32 to index
      %swap3A_1151 = arith.constant 32 : index
      %swap3A_1152 = tpu.vector_load %arg10[%swap3A_1150, %swap3A_1151] {strides = array<i32>} : memref<5x128xi32, #tpu.memory_space<vmem>>, vector<16xi32>,
      tpu.vector_store %arg10[%swap3A_1150, %swap3A_1151], %shift_right_logical3A_1148 {strides = array<i32>} : memref<5x128xi32, #tpu.memory_space<vmem>>, vector<16xi32>,
      %get3A_1153 = arith.constant 1 : i32
      %get3A_1154 = arith.index_cast %get3A_1153 : i32 to index
      %get3A_1155 = arith.constant 48 : index
      %get3A_1156 = tpu.vector_load %arg13[%get3A_1154, %get3A_1155] {strides = array<i32>} : memref<2x128xi32, #tpu.memory_space<vmem>>, vector<16xi32>,
      %shift_right_logical3A_1157 = arith.constant 4 : i32
      %shift_right_logical3A_1158 = vector.broadcast %shift_right_logical3A_1157 : i32 to vector<16xi32>
      %shift_right_logical3A_1159 = arith.shrui %get3A_1156, %shift_right_logical3A_1158 : vector<16xi32>
      %swap3A_1160 = arith.constant 1 : i32
      %swap3A_1161 = arith.index_cast %swap3A_1160 : i32 to index
      %swap3A_1162 = arith.constant 48 : index
      %swap3A_1163 = tpu.vector_load %arg10[%swap3A_1161, %swap3A_1162] {strides = array<i32>} : memref<5x128xi32, #tpu.memory_space<vmem>>, vector<16xi32>,
      tpu.vector_store %arg10[%swap3A_1161, %swap3A_1162], %shift_right_logical3A_1159 {strides = array<i32>} : memref<5x128xi32, #tpu.memory_space<vmem>>, vector<16xi32>,
      %get3A_1164 = arith.constant 1 : i32
      %get3A_1165 = arith.index_cast %get3A_1164 : i32 to index
      %get3A_1166 = arith.constant 64 : index
      %get3A_1167 = tpu.vector_load %arg13[%get3A_1165, %get3A_1166] {strides = array<i32>} : memref<2x128xi32, #tpu.memory_space<vmem>>, vector<16xi32>,
      %shift_right_logical3A_1168 = arith.constant 4 : i32
      %shift_right_logical3A_1169 = vector.broadcast %shift_right_logical3A_1168 : i32 to vector<16xi32>
      %shift_right_logical3A_1170 = arith.shrui %get3A_1167, %shift_right_logical3A_1169 : vector<16xi32>
      %swap3A_1171 = arith.constant 1 : i32
      %swap3A_1172 = arith.index_cast %swap3A_1171 : i32 to index
      %swap3A_1173 = arith.constant 64 : index
      %swap3A_1174 = tpu.vector_load %arg10[%swap3A_1172, %swap3A_1173] {strides = array<i32>} : memref<5x128xi32, #tpu.memory_space<vmem>>, vector<16xi32>,
      tpu.vector_store %arg10[%swap3A_1172, %swap3A_1173], %shift_right_logical3A_1170 {strides = array<i32>} : memref<5x128xi32, #tpu.memory_space<vmem>>, vector<16xi32>,
      %get3A_1175 = arith.constant 1 : i32
      %get3A_1176 = arith.index_cast %get3A_1175 : i32 to index
      %get3A_1177 = arith.constant 80 : index
      %get3A_1178 = tpu.vector_load %arg13[%get3A_1176, %get3A_1177] {strides = array<i32>} : memref<2x128xi32, #tpu.memory_space<vmem>>, vector<16xi32>,
      %shift_right_logical3A_1179 = arith.constant 4 : i32
      %shift_right_logical3A_1180 = vector.broadcast %shift_right_logical3A_1179 : i32 to vector<16xi32>
      %shift_right_logical3A_1181 = arith.shrui %get3A_1178, %shift_right_logical3A_1180 : vector<16xi32>
      %swap3A_1182 = arith.constant 1 : i32
      %swap3A_1183 = arith.index_cast %swap3A_1182 : i32 to index
      %swap3A_1184 = arith.constant 80 : index
      %swap3A_1185 = tpu.vector_load %arg10[%swap3A_1183, %swap3A_1184] {strides = array<i32>} : memref<5x128xi32, #tpu.memory_space<vmem>>, vector<16xi32>,
      tpu.vector_store %arg10[%swap3A_1183, %swap3A_1184], %shift_right_logical3A_1181 {strides = array<i32>} : memref<5x128xi32, #tpu.memory_space<vmem>>, vector<16xi32>,
      %get3A_1186 = arith.constant 1 : i32
      %get3A_1187 = arith.index_cast %get3A_1186 : i32 to index
      %get3A_1188 = arith.constant 96 : index
      %get3A_1189 = tpu.vector_load %arg13[%get3A_1187, %get3A_1188] {strides = array<i32>} : memref<2x128xi32, #tpu.memory_space<vmem>>, vector<16xi32>,
      %shift_right_logical3A_1190 = arith.constant 4 : i32
      %shift_right_logical3A_1191 = vector.broadcast %shift_right_logical3A_1190 : i32 to vector<16xi32>
      %shift_right_logical3A_1192 = arith.shrui %get3A_1189, %shift_right_logical3A_1191 : vector<16xi32>
      %swap3A_1193 = arith.constant 1 : i32
      %swap3A_1194 = arith.index_cast %swap3A_1193 : i32 to index
      %swap3A_1195 = arith.constant 96 : index
      %swap3A_1196 = tpu.vector_load %arg10[%swap3A_1194, %swap3A_1195] {strides = array<i32>} : memref<5x128xi32, #tpu.memory_space<vmem>>, vector<16xi32>,
      tpu.vector_store %arg10[%swap3A_1194, %swap3A_1195], %shift_right_logical3A_1192 {strides = array<i32>} : memref<5x128xi32, #tpu.memory_space<vmem>>, vector<16xi32>,
      %get3A_1197 = arith.constant 1 : i32
      %get3A_1198 = arith.index_cast %get3A_1197 : i32 to index
      %get3A_1199 = arith.constant 112 : index
      %get3A_1200 = tpu.vector_load %arg13[%get3A_1198, %get3A_1199] {strides = array<i32>} : memref<2x128xi32, #tpu.memory_space<vmem>>, vector<16xi32>,
      %shift_right_logical3A_1201 = arith.constant 4 : i32
      %shift_right_logical3A_1202 = vector.broadcast %shift_right_logical3A_1201 : i32 to vector<16xi32>
      %shift_right_logical3A_1203 = arith.shrui %get3A_1200, %shift_right_logical3A_1202 : vector<16xi32>
      %swap3A_1204 = arith.constant 1 : i32
      %swap3A_1205 = arith.index_cast %swap3A_1204 : i32 to index
      %swap3A_1206 = arith.constant 112 : index
      %swap3A_1207 = tpu.vector_load %arg10[%swap3A_1205, %swap3A_1206] {strides = array<i32>} : memref<5x128xi32, #tpu.memory_space<vmem>>, vector<16xi32>,
      tpu.vector_store %arg10[%swap3A_1205, %swap3A_1206], %shift_right_logical3A_1203 {strides = array<i32>} : memref<5x128xi32, #tpu.memory_space<vmem>>, vector<16xi32>,
      %dma_start3A_1208 = arith.constant 0 : i32
      %dma_start3A_1209 = arith.constant 0 : i32
      %dma_start3A_1210 = arith.constant 0 : i32
      %dma_start3A_1211 = tpu.memref_slice %arg14[%dma_start3A_1209, %dma_start3A_1210] : memref<256x16xf32, #tpu.memory_space<vmem>> -> memref<128x16xf32, #tpu.memory_space<vmem>>
      %dma_start3A_1212 = arith.constant 0 : i32
      %dma_start3A_1213 = tpu.memref_slice %arg10[%dma_start3A_1208, %dma_start3A_1212] : memref<5x128xi32, #tpu.memory_space<vmem>> -> memref<1x128xi32, #tpu.memory_space<vmem>>
      %dma_start3A_1214 = tpu.memref_squeeze %dma_start3A_1213 : memref<1x128xi32, #tpu.memory_space<vmem>> -> memref<128xi32, #tpu.memory_space<vmem>>
      %dma_start3A_1215 = arith.constant 0 : i32
      %dma_start3A_1216 = arith.constant 0 : i32
      %dma_start3A_1217 = tpu.memref_slice %arg4[%dma_start3A_1215, %dma_start3A_1216] : memref<62500x16xf32, #tpu.memory_space<hbm>> -> memref<62500x16xf32, #tpu.memory_space<hbm>>
      tpu.enqueue_indirect_dma source(%dma_start3A_1217 : memref<62500x16xf32, #tpu.memory_space<hbm>>) target(%dma_start3A_1211 : memref<128x16xf32, #tpu.memory_space<vmem>>) offsets(%dma_start3A_1214 : memref<128xi32, #tpu.memory_space<vmem>>) semaphore(%arg16 : memref<!tpu.dma_semaphore, #tpu.memory_space<semaphore_mem>>)
      %dma_start3A_1218 = arith.constant 1 : i32
      %dma_start3A_1219 = arith.constant 128 : i32
      %dma_start3A_1220 = arith.constant 0 : i32
      %dma_start3A_1221 = tpu.memref_slice %arg14[%dma_start3A_1219, %dma_start3A_1220] : memref<256x16xf32, #tpu.memory_space<vmem>> -> memref<128x16xf32, #tpu.memory_space<vmem>>
      %dma_start3A_1222 = arith.constant 0 : i32
      %dma_start3A_1223 = tpu.memref_slice %arg10[%dma_start3A_1218, %dma_start3A_1222] : memref<5x128xi32, #tpu.memory_space<vmem>> -> memref<1x128xi32, #tpu.memory_space<vmem>>
      %dma_start3A_1224 = tpu.memref_squeeze %dma_start3A_1223 : memref<1x128xi32, #tpu.memory_space<vmem>> -> memref<128xi32, #tpu.memory_space<vmem>>
      %dma_start3A_1225 = arith.constant 0 : i32
      %dma_start3A_1226 = arith.constant 0 : i32
      %dma_start3A_1227 = tpu.memref_slice %arg4[%dma_start3A_1225, %dma_start3A_1226] : memref<62500x16xf32, #tpu.memory_space<hbm>> -> memref<62500x16xf32, #tpu.memory_space<hbm>>
      tpu.enqueue_indirect_dma source(%dma_start3A_1227 : memref<62500x16xf32, #tpu.memory_space<hbm>>) target(%dma_start3A_1221 : memref<128x16xf32, #tpu.memory_space<vmem>>) offsets(%dma_start3A_1224 : memref<128xi32, #tpu.memory_space<vmem>>) semaphore(%arg16 : memref<!tpu.dma_semaphore, #tpu.memory_space<semaphore_mem>>)
      %dma_wait3A_1228 = arith.constant 0 : i32
      %dma_wait3A_1229 = arith.constant 0 : i32
      %dma_wait3A_1230 = arith.constant 0 : i32
      %dma_wait3A_1231 = tpu.memref_slice %arg14[%dma_wait3A_1229, %dma_wait3A_1230] : memref<256x16xf32, #tpu.memory_space<vmem>> -> memref<128x16xf32, #tpu.memory_space<vmem>>
      %dma_wait3A_1232 = arith.constant 0 : i32
      %dma_wait3A_1233 = tpu.memref_slice %arg10[%dma_wait3A_1228, %dma_wait3A_1232] : memref<5x128xi32, #tpu.memory_space<vmem>> -> memref<1x128xi32, #tpu.memory_space<vmem>>
      %dma_wait3A_1234 = tpu.memref_squeeze %dma_wait3A_1233 : memref<1x128xi32, #tpu.memory_space<vmem>> -> memref<128xi32, #tpu.memory_space<vmem>>
      %dma_wait3A_1235 = arith.constant 0 : i32
      %dma_wait3A_1236 = arith.constant 0 : i32
      %dma_wait3A_1237 = tpu.memref_slice %arg4[%dma_wait3A_1235, %dma_wait3A_1236] : memref<62500x16xf32, #tpu.memory_space<hbm>> -> memref<62500x16xf32, #tpu.memory_space<hbm>>
      tpu.wait_indirect_dma semaphore(%arg16 : memref<!tpu.dma_semaphore, #tpu.memory_space<semaphore_mem>>) src(%dma_wait3A_1237 : memref<62500x16xf32, #tpu.memory_space<hbm>>) dst(%dma_wait3A_1231 : memref<128x16xf32, #tpu.memory_space<vmem>>)
      %dma_wait3A_1238 = arith.constant 1 : i32
      %dma_wait3A_1239 = arith.constant 128 : i32
      %dma_wait3A_1240 = arith.constant 0 : i32
      %dma_wait3A_1241 = tpu.memref_slice %arg14[%dma_wait3A_1239, %dma_wait3A_1240] : memref<256x16xf32, #tpu.memory_space<vmem>> -> memref<128x16xf32, #tpu.memory_space<vmem>>
      %dma_wait3A_1242 = arith.constant 0 : i32
      %dma_wait3A_1243 = tpu.memref_slice %arg10[%dma_wait3A_1238, %dma_wait3A_1242] : memref<5x128xi32, #tpu.memory_space<vmem>> -> memref<1x128xi32, #tpu.memory_space<vmem>>
      %dma_wait3A_1244 = tpu.memref_squeeze %dma_wait3A_1243 : memref<1x128xi32, #tpu.memory_space<vmem>> -> memref<128xi32, #tpu.memory_space<vmem>>
      %dma_wait3A_1245 = arith.constant 0 : i32
      %dma_wait3A_1246 = arith.constant 0 : i32
      %dma_wait3A_1247 = tpu.memref_slice %arg4[%dma_wait3A_1245, %dma_wait3A_1246] : memref<62500x16xf32, #tpu.memory_space<hbm>> -> memref<62500x16xf32, #tpu.memory_space<hbm>>
      tpu.wait_indirect_dma semaphore(%arg16 : memref<!tpu.dma_semaphore, #tpu.memory_space<semaphore_mem>>) src(%dma_wait3A_1247 : memref<62500x16xf32, #tpu.memory_space<hbm>>) dst(%dma_wait3A_1241 : memref<128x16xf32, #tpu.memory_space<vmem>>)
      %broadcast_in_dim3A_1248 = arith.constant 0.000000e+00 : f32
      %broadcast_in_dim3A_1249 = vector.broadcast %broadcast_in_dim3A_1248 : f32 to vector<16xf32>
      %get3A_1250 = arith.constant 0 : i32
      %get3A_1251 = arith.index_cast %get3A_1250 : i32 to index
      %get3A_1252 = arith.constant 0 : index
      %get3A_1253 = tpu.vector_load %arg13[%get3A_1251, %get3A_1252] {strides = array<i32>} : memref<2x128xi32, #tpu.memory_space<vmem>>, vector<16xi32>,
      %and3A_1254 = arith.constant 15 : i32
      %and3A_1255 = vector.broadcast %and3A_1254 : i32 to vector<16xi32>
      %and3A_1256 = arith.andi %get3A_1253, %and3A_1255 : vector<16xi32>
      %add3A_1257 = arith.constant 0 : i32
      %add3A_1258 = vector.broadcast %add3A_1257 : i32 to vector<16xi32>
      %add3A_1259 = arith.addi %iota3A, %add3A_1258 : vector<16xi32>
      %gather3A_1260 = tpu.vector_load_idx %arg14[%add3A_1259, %and3A_1256] : memref<256x16xf32, #tpu.memory_space<vmem>>[vector<16xi32>, vector<16xi32>], vector<16xf32>,
      %add3A_1261 = arith.addf %broadcast_in_dim3A_1249, %gather3A_1260 : vector<16xf32>
      %get3A_1262 = arith.constant 0 : i32
      %get3A_1263 = arith.index_cast %get3A_1262 : i32 to index
      %get3A_1264 = arith.constant 16 : index
      %get3A_1265 = tpu.vector_load %arg13[%get3A_1263, %get3A_1264] {strides = array<i32>} : memref<2x128xi32, #tpu.memory_space<vmem>>, vector<16xi32>,
      %and3A_1266 = arith.constant 15 : i32
      %and3A_1267 = vector.broadcast %and3A_1266 : i32 to vector<16xi32>
      %and3A_1268 = arith.andi %get3A_1265, %and3A_1267 : vector<16xi32>
      %add3A_1269 = arith.constant 16 : i32
      %add3A_1270 = vector.broadcast %add3A_1269 : i32 to vector<16xi32>
      %add3A_1271 = arith.addi %iota3A, %add3A_1270 : vector<16xi32>
      %gather3A_1272 = tpu.vector_load_idx %arg14[%add3A_1271, %and3A_1268] : memref<256x16xf32, #tpu.memory_space<vmem>>[vector<16xi32>, vector<16xi32>], vector<16xf32>,
      %add3A_1273 = arith.addf %add3A_1261, %gather3A_1272 : vector<16xf32>
      %get3A_1274 = arith.constant 0 : i32
      %get3A_1275 = arith.index_cast %get3A_1274 : i32 to index
      %get3A_1276 = arith.constant 32 : index
      %get3A_1277 = tpu.vector_load %arg13[%get3A_1275, %get3A_1276] {strides = array<i32>} : memref<2x128xi32, #tpu.memory_space<vmem>>, vector<16xi32>,
      %and3A_1278 = arith.constant 15 : i32
      %and3A_1279 = vector.broadcast %and3A_1278 : i32 to vector<16xi32>
      %and3A_1280 = arith.andi %get3A_1277, %and3A_1279 : vector<16xi32>
      %add3A_1281 = arith.constant 32 : i32
      %add3A_1282 = vector.broadcast %add3A_1281 : i32 to vector<16xi32>
      %add3A_1283 = arith.addi %iota3A, %add3A_1282 : vector<16xi32>
      %gather3A_1284 = tpu.vector_load_idx %arg14[%add3A_1283, %and3A_1280] : memref<256x16xf32, #tpu.memory_space<vmem>>[vector<16xi32>, vector<16xi32>], vector<16xf32>,
      %add3A_1285 = arith.addf %add3A_1273, %gather3A_1284 : vector<16xf32>
      %get3A_1286 = arith.constant 0 : i32
      %get3A_1287 = arith.index_cast %get3A_1286 : i32 to index
      %get3A_1288 = arith.constant 48 : index
      %get3A_1289 = tpu.vector_load %arg13[%get3A_1287, %get3A_1288] {strides = array<i32>} : memref<2x128xi32, #tpu.memory_space<vmem>>, vector<16xi32>,
      %and3A_1290 = arith.constant 15 : i32
      %and3A_1291 = vector.broadcast %and3A_1290 : i32 to vector<16xi32>
      %and3A_1292 = arith.andi %get3A_1289, %and3A_1291 : vector<16xi32>
      %add3A_1293 = arith.constant 48 : i32
      %add3A_1294 = vector.broadcast %add3A_1293 : i32 to vector<16xi32>
      %add3A_1295 = arith.addi %iota3A, %add3A_1294 : vector<16xi32>
      %gather3A_1296 = tpu.vector_load_idx %arg14[%add3A_1295, %and3A_1292] : memref<256x16xf32, #tpu.memory_space<vmem>>[vector<16xi32>, vector<16xi32>], vector<16xf32>,
      %add3A_1297 = arith.addf %add3A_1285, %gather3A_1296 : vector<16xf32>
      %get3A_1298 = arith.constant 0 : i32
      %get3A_1299 = arith.index_cast %get3A_1298 : i32 to index
      %get3A_1300 = arith.constant 64 : index
      %get3A_1301 = tpu.vector_load %arg13[%get3A_1299, %get3A_1300] {strides = array<i32>} : memref<2x128xi32, #tpu.memory_space<vmem>>, vector<16xi32>,
      %and3A_1302 = arith.constant 15 : i32
      %and3A_1303 = vector.broadcast %and3A_1302 : i32 to vector<16xi32>
      %and3A_1304 = arith.andi %get3A_1301, %and3A_1303 : vector<16xi32>
      %add3A_1305 = arith.constant 64 : i32
      %add3A_1306 = vector.broadcast %add3A_1305 : i32 to vector<16xi32>
      %add3A_1307 = arith.addi %iota3A, %add3A_1306 : vector<16xi32>
      %gather3A_1308 = tpu.vector_load_idx %arg14[%add3A_1307, %and3A_1304] : memref<256x16xf32, #tpu.memory_space<vmem>>[vector<16xi32>, vector<16xi32>], vector<16xf32>,
      %add3A_1309 = arith.addf %add3A_1297, %gather3A_1308 : vector<16xf32>
      %get3A_1310 = arith.constant 0 : i32
      %get3A_1311 = arith.index_cast %get3A_1310 : i32 to index
      %get3A_1312 = arith.constant 80 : index
      %get3A_1313 = tpu.vector_load %arg13[%get3A_1311, %get3A_1312] {strides = array<i32>} : memref<2x128xi32, #tpu.memory_space<vmem>>, vector<16xi32>,
      %and3A_1314 = arith.constant 15 : i32
      %and3A_1315 = vector.broadcast %and3A_1314 : i32 to vector<16xi32>
      %and3A_1316 = arith.andi %get3A_1313, %and3A_1315 : vector<16xi32>
      %add3A_1317 = arith.constant 80 : i32
      %add3A_1318 = vector.broadcast %add3A_1317 : i32 to vector<16xi32>
      %add3A_1319 = arith.addi %iota3A, %add3A_1318 : vector<16xi32>
      %gather3A_1320 = tpu.vector_load_idx %arg14[%add3A_1319, %and3A_1316] : memref<256x16xf32, #tpu.memory_space<vmem>>[vector<16xi32>, vector<16xi32>], vector<16xf32>,
      %add3A_1321 = arith.addf %add3A_1309, %gather3A_1320 : vector<16xf32>
      %get3A_1322 = arith.constant 0 : i32
      %get3A_1323 = arith.index_cast %get3A_1322 : i32 to index
      %get3A_1324 = arith.constant 96 : index
      %get3A_1325 = tpu.vector_load %arg13[%get3A_1323, %get3A_1324] {strides = array<i32>} : memref<2x128xi32, #tpu.memory_space<vmem>>, vector<16xi32>,
      %and3A_1326 = arith.constant 15 : i32
      %and3A_1327 = vector.broadcast %and3A_1326 : i32 to vector<16xi32>
      %and3A_1328 = arith.andi %get3A_1325, %and3A_1327 : vector<16xi32>
      %add3A_1329 = arith.constant 96 : i32
      %add3A_1330 = vector.broadcast %add3A_1329 : i32 to vector<16xi32>
      %add3A_1331 = arith.addi %iota3A, %add3A_1330 : vector<16xi32>
      %gather3A_1332 = tpu.vector_load_idx %arg14[%add3A_1331, %and3A_1328] : memref<256x16xf32, #tpu.memory_space<vmem>>[vector<16xi32>, vector<16xi32>], vector<16xf32>,
      %add3A_1333 = arith.addf %add3A_1321, %gather3A_1332 : vector<16xf32>
      %get3A_1334 = arith.constant 0 : i32
      %get3A_1335 = arith.index_cast %get3A_1334 : i32 to index
      %get3A_1336 = arith.constant 112 : index
      %get3A_1337 = tpu.vector_load %arg13[%get3A_1335, %get3A_1336] {strides = array<i32>} : memref<2x128xi32, #tpu.memory_space<vmem>>, vector<16xi32>,
      %and3A_1338 = arith.constant 15 : i32
      %and3A_1339 = vector.broadcast %and3A_1338 : i32 to vector<16xi32>
      %and3A_1340 = arith.andi %get3A_1337, %and3A_1339 : vector<16xi32>
      %add3A_1341 = arith.constant 112 : i32
      %add3A_1342 = vector.broadcast %add3A_1341 : i32 to vector<16xi32>
      %add3A_1343 = arith.addi %iota3A, %add3A_1342 : vector<16xi32>
      %gather3A_1344 = tpu.vector_load_idx %arg14[%add3A_1343, %and3A_1340] : memref<256x16xf32, #tpu.memory_space<vmem>>[vector<16xi32>, vector<16xi32>], vector<16xf32>,
      %add3A_1345 = arith.addf %add3A_1333, %gather3A_1344 : vector<16xf32>
      %get3A_1346 = arith.constant 1 : i32
      %get3A_1347 = arith.index_cast %get3A_1346 : i32 to index
      %get3A_1348 = arith.constant 0 : index
      %get3A_1349 = tpu.vector_load %arg13[%get3A_1347, %get3A_1348] {strides = array<i32>} : memref<2x128xi32, #tpu.memory_space<vmem>>, vector<16xi32>,
      %and3A_1350 = arith.constant 15 : i32
      %and3A_1351 = vector.broadcast %and3A_1350 : i32 to vector<16xi32>
      %and3A_1352 = arith.andi %get3A_1349, %and3A_1351 : vector<16xi32>
      %add3A_1353 = arith.constant 128 : i32
      %add3A_1354 = vector.broadcast %add3A_1353 : i32 to vector<16xi32>
      %add3A_1355 = arith.addi %iota3A, %add3A_1354 : vector<16xi32>
      %gather3A_1356 = tpu.vector_load_idx %arg14[%add3A_1355, %and3A_1352] : memref<256x16xf32, #tpu.memory_space<vmem>>[vector<16xi32>, vector<16xi32>], vector<16xf32>,
      %add3A_1357 = arith.addf %add3A_1345, %gather3A_1356 : vector<16xf32>
      %get3A_1358 = arith.constant 1 : i32
      %get3A_1359 = arith.index_cast %get3A_1358 : i32 to index
      %get3A_1360 = arith.constant 16 : index
      %get3A_1361 = tpu.vector_load %arg13[%get3A_1359, %get3A_1360] {strides = array<i32>} : memref<2x128xi32, #tpu.memory_space<vmem>>, vector<16xi32>,
      %and3A_1362 = arith.constant 15 : i32
      %and3A_1363 = vector.broadcast %and3A_1362 : i32 to vector<16xi32>
      %and3A_1364 = arith.andi %get3A_1361, %and3A_1363 : vector<16xi32>
      %add3A_1365 = arith.constant 144 : i32
      %add3A_1366 = vector.broadcast %add3A_1365 : i32 to vector<16xi32>
      %add3A_1367 = arith.addi %iota3A, %add3A_1366 : vector<16xi32>
      %gather3A_1368 = tpu.vector_load_idx %arg14[%add3A_1367, %and3A_1364] : memref<256x16xf32, #tpu.memory_space<vmem>>[vector<16xi32>, vector<16xi32>], vector<16xf32>,
      %add3A_1369 = arith.addf %add3A_1357, %gather3A_1368 : vector<16xf32>
      %get3A_1370 = arith.constant 1 : i32
      %get3A_1371 = arith.index_cast %get3A_1370 : i32 to index
      %get3A_1372 = arith.constant 32 : index
      %get3A_1373 = tpu.vector_load %arg13[%get3A_1371, %get3A_1372] {strides = array<i32>} : memref<2x128xi32, #tpu.memory_space<vmem>>, vector<16xi32>,
      %and3A_1374 = arith.constant 15 : i32
      %and3A_1375 = vector.broadcast %and3A_1374 : i32 to vector<16xi32>
      %and3A_1376 = arith.andi %get3A_1373, %and3A_1375 : vector<16xi32>
      %add3A_1377 = arith.constant 160 : i32
      %add3A_1378 = vector.broadcast %add3A_1377 : i32 to vector<16xi32>
      %add3A_1379 = arith.addi %iota3A, %add3A_1378 : vector<16xi32>
      %gather3A_1380 = tpu.vector_load_idx %arg14[%add3A_1379, %and3A_1376] : memref<256x16xf32, #tpu.memory_space<vmem>>[vector<16xi32>, vector<16xi32>], vector<16xf32>,
      %add3A_1381 = arith.addf %add3A_1369, %gather3A_1380 : vector<16xf32>
      %get3A_1382 = arith.constant 1 : i32
      %get3A_1383 = arith.index_cast %get3A_1382 : i32 to index
      %get3A_1384 = arith.constant 48 : index
      %get3A_1385 = tpu.vector_load %arg13[%get3A_1383, %get3A_1384] {strides = array<i32>} : memref<2x128xi32, #tpu.memory_space<vmem>>, vector<16xi32>,
      %and3A_1386 = arith.constant 15 : i32
      %and3A_1387 = vector.broadcast %and3A_1386 : i32 to vector<16xi32>
      %and3A_1388 = arith.andi %get3A_1385, %and3A_1387 : vector<16xi32>
      %add3A_1389 = arith.constant 176 : i32
      %add3A_1390 = vector.broadcast %add3A_1389 : i32 to vector<16xi32>
      %add3A_1391 = arith.addi %iota3A, %add3A_1390 : vector<16xi32>
      %gather3A_1392 = tpu.vector_load_idx %arg14[%add3A_1391, %and3A_1388] : memref<256x16xf32, #tpu.memory_space<vmem>>[vector<16xi32>, vector<16xi32>], vector<16xf32>,
      %add3A_1393 = arith.addf %add3A_1381, %gather3A_1392 : vector<16xf32>
      %get3A_1394 = arith.constant 1 : i32
      %get3A_1395 = arith.index_cast %get3A_1394 : i32 to index
      %get3A_1396 = arith.constant 64 : index
      %get3A_1397 = tpu.vector_load %arg13[%get3A_1395, %get3A_1396] {strides = array<i32>} : memref<2x128xi32, #tpu.memory_space<vmem>>, vector<16xi32>,
      %and3A_1398 = arith.constant 15 : i32
      %and3A_1399 = vector.broadcast %and3A_1398 : i32 to vector<16xi32>
      %and3A_1400 = arith.andi %get3A_1397, %and3A_1399 : vector<16xi32>
      %add3A_1401 = arith.constant 192 : i32
      %add3A_1402 = vector.broadcast %add3A_1401 : i32 to vector<16xi32>
      %add3A_1403 = arith.addi %iota3A, %add3A_1402 : vector<16xi32>
      %gather3A_1404 = tpu.vector_load_idx %arg14[%add3A_1403, %and3A_1400] : memref<256x16xf32, #tpu.memory_space<vmem>>[vector<16xi32>, vector<16xi32>], vector<16xf32>,
      %lt3A = arith.constant 8 : i32
      %lt3A_1405 = vector.broadcast %lt3A : i32 to vector<16xi32>
      %lt3A_1406 = arith.cmpi slt, %iota3A, %lt3A_1405 : vector<16xi32>
      %jit3A = arith.constant 0.000000e+00 : f32
      %broadcast_in_dim3A_1407 = vector.broadcast %jit3A : f32 to vector<16xf32>
      %select_n3A = arith.select %lt3A_1406, %gather3A_1404, %broadcast_in_dim3A_1407 : vector<16xi1>, vector<16xf32>
      %add3A_1408 = arith.addf %add3A_1393, %select_n3A : vector<16xf32>
      %swap3A_1409 = arith.constant 0 : i32
      %swap3A_1410 = arith.index_cast %swap3A_1409 : i32 to index
      %swap3A_1411 = arith.constant 0 : index
      %swap3A_1412 = tpu.vector_load %arg15[%swap3A_1410, %swap3A_1411] {strides = array<i32>} : memref<1x16xf32, #tpu.memory_space<vmem>>, vector<16xf32>,
      tpu.vector_store %arg15[%swap3A_1410, %swap3A_1411], %add3A_1408 {strides = array<i32>} : memref<1x16xf32, #tpu.memory_space<vmem>>, vector<16xf32>,
      %run_scoped3A = arith.constant 1 : i32
      "tpu.region"() ({
        %run_scoped3A_1413 = tpu.sem_alloc : memref<!tpu.dma_semaphore, #tpu.memory_space<semaphore_mem>>
        %dma_start3A_1414 = arith.constant 0 : i32
        %dma_start3A_1415 = arith.constant 0 : i32
        %dma_start3A_1416 = tpu.memref_slice %arg8[%run_scoped3A, %dma_start3A_1414, %dma_start3A_1415] : memref<2x1x16xf32, #tpu.memory_space<hbm>> -> memref<1x1x16xf32, #tpu.memory_space<hbm>>
        %dma_start3A_1417 = tpu.memref_squeeze %dma_start3A_1416 : memref<1x1x16xf32, #tpu.memory_space<hbm>> -> memref<1x16xf32, #tpu.memory_space<hbm>>
        %dma_start3A_1418 = arith.constant 0 : i32
        %dma_start3A_1419 = arith.constant 0 : i32
        %dma_start3A_1420 = tpu.memref_slice %arg8[%run_scoped3A, %dma_start3A_1418, %dma_start3A_1419] : memref<2x1x16xf32, #tpu.memory_space<hbm>> -> memref<1x1x16xf32, #tpu.memory_space<hbm>>
        %dma_start3A_1421 = tpu.memref_squeeze %dma_start3A_1420 : memref<1x1x16xf32, #tpu.memory_space<hbm>> -> memref<1x16xf32, #tpu.memory_space<hbm>>
        tpu.enqueue_dma source(%arg15 : memref<1x16xf32, #tpu.memory_space<vmem>>) target(%dma_start3A_1421 : memref<1x16xf32, #tpu.memory_space<hbm>>) target_semaphore(%run_scoped3A_1413 : memref<!tpu.dma_semaphore, #tpu.memory_space<semaphore_mem>>)
        %dma_wait3A_1422 = arith.constant 0 : i32
        %dma_wait3A_1423 = arith.constant 0 : i32
        %dma_wait3A_1424 = tpu.memref_slice %arg8[%run_scoped3A, %dma_wait3A_1422, %dma_wait3A_1423] : memref<2x1x16xf32, #tpu.memory_space<hbm>> -> memref<1x1x16xf32, #tpu.memory_space<hbm>>
        %dma_wait3A_1425 = tpu.memref_squeeze %dma_wait3A_1424 : memref<1x1x16xf32, #tpu.memory_space<hbm>> -> memref<1x16xf32, #tpu.memory_space<hbm>>
        %dma_wait3A_1426 = arith.constant 0 : i32
        %dma_wait3A_1427 = arith.constant 0 : i32
        %dma_wait3A_1428 = tpu.memref_slice %arg8[%run_scoped3A, %dma_wait3A_1426, %dma_wait3A_1427] : memref<2x1x16xf32, #tpu.memory_space<hbm>> -> memref<1x1x16xf32, #tpu.memory_space<hbm>>
        %dma_wait3A_1429 = tpu.memref_squeeze %dma_wait3A_1428 : memref<1x1x16xf32, #tpu.memory_space<hbm>> -> memref<1x16xf32, #tpu.memory_space<hbm>>
        tpu.wait_dma2 semaphore(%run_scoped3A_1413 : memref<!tpu.dma_semaphore, #tpu.memory_space<semaphore_mem>>) src(%arg15 : memref<1x16xf32, #tpu.memory_space<vmem>>) dst(%dma_wait3A_1429 : memref<1x16xf32, #tpu.memory_space<hbm>>)
        tpu.yield
      }) : () -> ()
    } else {
    }
    return
  }
}

module attributes {stable_mosaic.version = 14 : i64} {
  func.func @_matvec_kernel(%arg0: i32, %arg1: memref<64x8192xf32, #tpu.memory_space<vmem>>, %arg2: memref<8x64xf32, #tpu.memory_space<vmem>>, %arg3: memref<8192xf32, #tpu.memory_space<vmem>>, %arg4: memref<8192xf32, #tpu.memory_space<vmem>>, %arg5: memref<8192xf32, #tpu.memory_space<vmem>>) attributes {dimension_semantics = [#tpu.dimension_semantics<arbitrary>], iteration_bounds = array<i64: 123>, scalar_prefetch = 0 : i64, scratch_operands = 0 : i64, tpu.core_type = #tpu.core_type<tc>, window_params = [{transform_indices = @transform_0, window_bounds = array<i64: 64, 8192>}, {pipeline_mode = #tpu.pipeline_mode<synchronous>, transform_indices = @transform_1, window_bounds = array<i64: 8, 64>}, {transform_indices = @transform_2, window_bounds = array<i64: 8192>}, {transform_indices = @transform_3, window_bounds = array<i64: 8192>}, {transform_indices = @transform_4, window_bounds = array<i64: 8192>}]} {
    %get3A = arith.constant 0 : index
    %get3A_0 = arith.constant 0 : index
    %get3A_1 = vector.load %arg2[%get3A, %get3A_0] : memref<8x64xf32, #tpu.memory_space<vmem>>, vector<8x64xf32>
    %get3A_2 = arith.constant 0 : index
    %get3A_3 = arith.constant 0 : index
    %get3A_4 = vector.load %arg1[%get3A_2, %get3A_3] : memref<64x8192xf32, #tpu.memory_space<vmem>>, vector<64x8192xf32>
    %dot_general3A = arith.constant dense<0.000000e+00> : vector<8x8192xf32>
    %dot_general3A_5 = tpu.matmul %get3A_1, %get3A_4, %dot_general3A {dimension_numbers = #tpu.dot_dimension_numbers<[1], [0], [0], [1], [0, 0, 1, 1], [], []>, precision = #tpu.contract_precision<fp32>, transpose_lhs_hint = false} : vector<8x64xf32>, vector<64x8192xf32>, vector<8x8192xf32> -> vector<8x8192xf32>
    %slice3A = vector.extract_strided_slice %dot_general3A_5 {offsets = [0, 0], sizes = [1, 8192], strides = [1, 1]} : vector<8x8192xf32> to vector<1x8192xf32>
    %squeeze3A = vector.shape_cast %slice3A : vector<1x8192xf32> to vector<8192xf32>
    %swap3A = arith.constant 0 : index
    %swap3A_6 = vector.load %arg3[%swap3A] : memref<8192xf32, #tpu.memory_space<vmem>>, vector<8192xf32>
    tpu.vector_store %arg3[%swap3A], %squeeze3A {strides = array<i32>} : memref<8192xf32, #tpu.memory_space<vmem>>, vector<8192xf32>,
    %slice3A_7 = vector.extract_strided_slice %dot_general3A_5 {offsets = [1, 0], sizes = [1, 8192], strides = [1, 1]} : vector<8x8192xf32> to vector<1x8192xf32>
    %squeeze3A_8 = vector.shape_cast %slice3A_7 : vector<1x8192xf32> to vector<8192xf32>
    %swap3A_9 = arith.constant 0 : index
    %swap3A_10 = vector.load %arg4[%swap3A_9] : memref<8192xf32, #tpu.memory_space<vmem>>, vector<8192xf32>
    tpu.vector_store %arg4[%swap3A_9], %squeeze3A_8 {strides = array<i32>} : memref<8192xf32, #tpu.memory_space<vmem>>, vector<8192xf32>,
    %slice3A_11 = vector.extract_strided_slice %dot_general3A_5 {offsets = [2, 0], sizes = [1, 8192], strides = [1, 1]} : vector<8x8192xf32> to vector<1x8192xf32>
    %squeeze3A_12 = vector.shape_cast %slice3A_11 : vector<1x8192xf32> to vector<8192xf32>
    %swap3A_13 = arith.constant 0 : index
    %swap3A_14 = vector.load %arg5[%swap3A_13] : memref<8192xf32, #tpu.memory_space<vmem>>, vector<8192xf32>
    tpu.vector_store %arg5[%swap3A_13], %squeeze3A_12 {strides = array<i32>} : memref<8192xf32, #tpu.memory_space<vmem>>, vector<8192xf32>,
    return
  }
  func.func @transform_0(%arg0: i32) -> (i32, i32) {
    %c0_i32 = arith.constant 0 : i32
    %c0_i32_0 = arith.constant 0 : i32
    return %c0_i32, %arg0 : i32, i32
  }
  func.func @transform_1(%arg0: i32) -> (i32, i32) {
    %c0_i32 = arith.constant 0 : i32
    %c0_i32_0 = arith.constant 0 : i32
    %c0_i32_1 = arith.constant 0 : i32
    return %c0_i32, %c0_i32_0 : i32, i32
  }
  func.func @transform_2(%arg0: i32) -> i32 {
    %c0_i32 = arith.constant 0 : i32
    return %arg0 : i32
  }
  func.func @transform_3(%arg0: i32) -> i32 {
    %c0_i32 = arith.constant 0 : i32
    return %arg0 : i32
  }
  func.func @transform_4(%arg0: i32) -> i32 {
    %c0_i32 = arith.constant 0 : i32
    return %arg0 : i32
  }
}

module attributes {stable_mosaic.version = 14 : i64} {
  func.func @_tc_epilogue(%arg0: memref<32x32xf32, #tpu.memory_space<vmem>>, %arg1: memref<2x16xf32, #tpu.memory_space<vmem>>, %arg2: memref<1x1xf32, #tpu.memory_space<vmem>>, %arg3: memref<1x1xf32, #tpu.memory_space<vmem>>, %arg4: memref<32x32xf32, #tpu.memory_space<vmem>>, %arg5: memref<32x32xf32, #tpu.memory_space<vmem>>, %arg6: memref<1x1xi32, #tpu.memory_space<vmem>>, %arg7: memref<1x1xf32, #tpu.memory_space<vmem>>) attributes {dimension_semantics = [], scalar_prefetch = 0 : i64, scratch_operands = 0 : i64, tpu.core_type = #tpu.core_type<tc>} {
    %get3A = arith.constant 0 : index
    %get3A_0 = arith.constant 0 : index
    %get3A_1 = vector.load %arg1[%get3A, %get3A_0] : memref<2x16xf32, #tpu.memory_space<vmem>>, vector<2x16xf32>
    %slice3A = vector.extract_strided_slice %get3A_1 {offsets = [0, 0], sizes = [1, 16], strides = [1, 1]} : vector<2x16xf32> to vector<1x16xf32>
    %reduce_sum3A = vector.shape_cast %slice3A : vector<1x16xf32> to vector<1x1x16xf32>
    %reduce_sum3A_2 = arith.constant dense<0.000000e+00> : vector<1xf32>
    %reduce_sum3A_3 = vector.multi_reduction <add>, %reduce_sum3A, %reduce_sum3A_2 [1, 2] : vector<1x1x16xf32> to vector<1xf32>
    %reduce_sum3A_4 = vector.shape_cast %reduce_sum3A_3 : vector<1xf32> to vector<1x1x1xf32>
    %reduce_sum3A_5 = vector.extract %reduce_sum3A_4[0, 0, 0] : f32 from vector<1x1x1xf32>
    %mul3A = arith.constant 5.000000e-03 : f32
    %mul3A_6 = arith.mulf %reduce_sum3A_5, %mul3A : f32
    %slice3A_7 = vector.extract_strided_slice %get3A_1 {offsets = [1, 0], sizes = [1, 16], strides = [1, 1]} : vector<2x16xf32> to vector<1x16xf32>
    %reduce_sum3A_8 = vector.shape_cast %slice3A_7 : vector<1x16xf32> to vector<1x1x16xf32>
    %reduce_sum3A_9 = arith.constant dense<0.000000e+00> : vector<1xf32>
    %reduce_sum3A_10 = vector.multi_reduction <add>, %reduce_sum3A_8, %reduce_sum3A_9 [1, 2] : vector<1x1x16xf32> to vector<1xf32>
    %reduce_sum3A_11 = vector.shape_cast %reduce_sum3A_10 : vector<1xf32> to vector<1x1x1xf32>
    %reduce_sum3A_12 = vector.extract %reduce_sum3A_11[0, 0, 0] : f32 from vector<1x1x1xf32>
    %broadcast_in_dim3A = vector.broadcast %reduce_sum3A_12 : f32 to vector<1x1xf32>
    %mul3A_13 = arith.constant 5.000000e-03 : f32
    %mul3A_14 = vector.broadcast %mul3A_13 : f32 to vector<1x1xf32>
    %mul3A_15 = arith.mulf %broadcast_in_dim3A, %mul3A_14 : vector<1x1xf32>
    %get3A_16 = arith.constant 0 : index
    %get3A_17 = arith.constant 0 : index
    %get3A_18 = vector.load %arg2[%get3A_16, %get3A_17] : memref<1x1xf32, #tpu.memory_space<vmem>>, vector<1x1xf32>
    %add3A = arith.addf %mul3A_15, %get3A_18 : vector<1x1xf32>
    %swap3A = arith.constant 0 : index
    %swap3A_19 = arith.constant 0 : index
    %swap3A_20 = vector.load %arg7[%swap3A, %swap3A_19] : memref<1x1xf32, #tpu.memory_space<vmem>>, vector<1x1xf32>
    tpu.vector_store %arg7[%swap3A, %swap3A_19], %add3A {strides = array<i32>} : memref<1x1xf32, #tpu.memory_space<vmem>>, vector<1x1xf32>,
    %get3A_21 = arith.constant 0 : index
    %get3A_22 = arith.constant 0 : index
    %get3A_23 = vector.load %arg0[%get3A_21, %get3A_22] : memref<32x32xf32, #tpu.memory_space<vmem>>, vector<32x32xf32>
    %mul3A_24 = arith.constant 5.000000e-02 : f32
    %mul3A_25 = vector.broadcast %mul3A_24 : f32 to vector<32x32xf32>
    %mul3A_26 = arith.mulf %get3A_23, %mul3A_25 : vector<32x32xf32>
    %add3A_27 = vector.broadcast %mul3A_6 : f32 to vector<32x32xf32>
    %add3A_28 = arith.addf %mul3A_26, %add3A_27 : vector<32x32xf32>
    %get3A_29 = arith.constant 0 : index
    %get3A_30 = arith.constant 0 : index
    %get3A_31 = vector.load %arg3[%get3A_29, %get3A_30] : memref<1x1xf32, #tpu.memory_space<vmem>>, vector<1x1xf32>
    %get3A_32 = vector.extract %get3A_31[0, 0] : f32 from vector<1x1xf32>
    %add3A_33 = vector.broadcast %get3A_32 : f32 to vector<32x32xf32>
    %add3A_34 = arith.addf %add3A_28, %add3A_33 : vector<32x32xf32>
    %swap3A_35 = arith.constant 0 : index
    %swap3A_36 = arith.constant 0 : index
    %swap3A_37 = vector.load %arg5[%swap3A_35, %swap3A_36] : memref<32x32xf32, #tpu.memory_space<vmem>>, vector<32x32xf32>
    tpu.vector_store %arg5[%swap3A_35, %swap3A_36], %add3A_34 {strides = array<i32>} : memref<32x32xf32, #tpu.memory_space<vmem>>, vector<32x32xf32>,
    %get3A_38 = arith.constant 0 : index
    %get3A_39 = arith.constant 0 : index
    %get3A_40 = vector.load %arg4[%get3A_38, %get3A_39] : memref<32x32xf32, #tpu.memory_space<vmem>>, vector<32x32xf32>
    %add3A_41 = arith.addf %add3A_34, %get3A_40 : vector<32x32xf32>
    %reduce_max3A = vector.shape_cast %add3A_41 : vector<32x32xf32> to vector<1x32x32xf32>
    %reduce_max3A_42 = arith.constant dense<0xFF800000> : vector<1xf32>
    %reduce_max3A_43 = vector.multi_reduction <maximumf>, %reduce_max3A, %reduce_max3A_42 [1, 2] : vector<1x32x32xf32> to vector<1xf32>
    %reduce_max3A_44 = vector.shape_cast %reduce_max3A_43 : vector<1xf32> to vector<1x1x1xf32>
    %reduce_max3A_45 = vector.extract %reduce_max3A_44[0, 0, 0] : f32 from vector<1x1x1xf32>
    %iota3A = tpu.iota {dimensions = array<i32: 0>} : vector<32x32xi32>
    %iota3A_46 = tpu.iota {dimensions = array<i32: 1>} : vector<32x32xi32>
    %eq3A = vector.broadcast %reduce_max3A_45 : f32 to vector<32x32xf32>
    %eq3A_47 = arith.cmpf oeq, %add3A_41, %eq3A : vector<32x32xf32>
    %mul3A_48 = arith.constant 32 : i32
    %mul3A_49 = vector.broadcast %mul3A_48 : i32 to vector<32x32xi32>
    %mul3A_50 = arith.muli %iota3A, %mul3A_49 : vector<32x32xi32>
    %add3A_51 = arith.addi %mul3A_50, %iota3A_46 : vector<32x32xi32>
    %jit3A = arith.constant 1073741824 : i32
    %broadcast_in_dim3A_52 = vector.broadcast %jit3A : i32 to vector<32x32xi32>
    %select_n3A = arith.select %eq3A_47, %add3A_51, %broadcast_in_dim3A_52 : vector<32x32xi1>, vector<32x32xi32>
    %reduce_min3A = vector.shape_cast %select_n3A : vector<32x32xi32> to vector<1x32x32xi32>
    %reduce_min3A_53 = arith.constant dense<2147483647> : vector<1xi32>
    %reduce_min3A_54 = vector.multi_reduction <minsi>, %reduce_min3A, %reduce_min3A_53 [1, 2] : vector<1x32x32xi32> to vector<1xi32>
    %reduce_min3A_55 = vector.shape_cast %reduce_min3A_54 : vector<1xi32> to vector<1x1x1xi32>
    %reduce_min3A_56 = vector.extract %reduce_min3A_55[0, 0, 0] : i32 from vector<1x1x1xi32>
    %broadcast_in_dim3A_57 = vector.broadcast %reduce_min3A_56 : i32 to vector<1x1xi32>
    %swap3A_58 = arith.constant 0 : index
    %swap3A_59 = arith.constant 0 : index
    %swap3A_60 = vector.load %arg6[%swap3A_58, %swap3A_59] : memref<1x1xi32, #tpu.memory_space<vmem>>, vector<1x1xi32>
    tpu.vector_store %arg6[%swap3A_58, %swap3A_59], %broadcast_in_dim3A_57 {strides = array<i32>} : memref<1x1xi32, #tpu.memory_space<vmem>>, vector<1x1xi32>,
    return
  }
}

</mosaic_0001>

<sc_bundles>
// kernel: kernel.5.cloned.1.call-start
scs
__scs_entry_jumppad:
0x0: {  	(pc) =	sbr.rel $0x88, $3  }
0x1: {  	(tag) =	ssettag $0x0;
	lr =	simm.s32 $0x1  }
0x2: {  	[smem:$0x3F9A] =	sst lr;
	_ =	strace $0xD0000000  }
0x3: {  	_ = 	snop  }
0x4: {  	_ = 	snop  }
0x5: {  	_ = 	snop  }
0x6: {  	_ = 	snop  }
0x7: {  	_ = 	snop  }
__scs_overlays_trampoline_lowered:
0x8: {  	[smem:$0x3FA9] =	sst s0  }
0x9: {  	[smem:$0x3FAA] =	sst s1  }
0xa: {  	[smem:$0x3FAB] =	sst s2  }
0xb: {  	[smem:$0x3FAC] =	sst s3  }
0xc: {  	[smem:$0x3FAD] =	sst s4  }
0xd: {  	[smem:$0x3FAE] =	sst s5  }
0xe: {  	[smem:$0x3FAF] =	sst s6  }
0xf: {  	[smem:$0x3FB0] =	sst s7  }
0x10: {  	[smem:$0x3FB1] =	sst s8  }
0x11: {  	[smem:$0x3FB2] =	sst s9;
	s0 =	simm.s32 @!p0 $0x0  }
0x12: {  	s1 =	sld [smem:$0x3F98];
	s0 =	simm.s32 @p0 $0x1  }
0x13: {  	[smem:$0x3FB3] =	sst s0;
	s0 =	simm.s32 @!p1 $0x0  }
0x14: {  	s2 =	sld [smem:$0x3F97];
	s0 =	simm.s32 @p1 $0x1  }
0x15: {  	[smem:$0x3FB4] =	sst s0;
	s0 =	simm.s32 @!p2 $0x0  }
0x16: {  	s3 =	sld [smem:$0x3FDB];
	s0 =	simm.s32 @p2 $0x1  }
0x17: {  	s4 =	simm.s32 $0x1BF5;
	[smem:$0x3FB6] =	sst s0  }
0x18: {  	s0 =	sld [smem:$0x3F99];
	_ =	swait.ge [sflag:s4], $0x0  }
0x19: {  	s7 =	sld [smem:$0x3F9A]  }
0x1a: {  	s8 =	sadd.s32 $0xFFFFE003, lr  }
0x1b: {  	s9 =	sadd.s32 $0xFFFFFEF7, lr;
	s5 =	simm.s32 $0xFFFFFFFF;
	p2 =	slt.u32 s8, $0xFFFFF086  }
0x1c: {  	p1 =	slt.u32 s9, $0xF7A;
	s5 =	simm.s32 @!p2 $0x0  }
0x1d: {  	s5 =	simm.s32 @p1 $0x1;
	p0 =	seq.s32 s7, s2  }
0x1e: {  	s7 =	smul.u32 @!p0 $0xF7A, s2;
	p2 =	seq.s32 @!p0 s5, $0x0  }
0x1f: {  	s9 =	smul.u32 $0xF7A, s1;
	s8 =	simm.s32 @!p0 $0x1BF5;
	p2 =	por !p2, p0  }
0x20: {  	[sflag:s8] =	ssyncset.s32 @!p0 $0xFFFFF086;
	s6 =	sadd.s32 @!p0 s3, s7;
	s7 =	simm.s32 @!p0 $0x108  }
0x21: {  	s3 =	sadd.s32 s3, s9;
	s6 =	sadd.s32 @!p0 $0x88, s6;
	s7 =	simm.s32 @p2 $0x1082  }
0x22: {  	[simem:s7], [sflag:s8] =	dma.local @!p0 [hbm:s6], $0xF7A  }
0x23: {  	s9 =	sor.u32 $0xD0000000, s2;
	s6 =	simm.s32 $0x108;
	_ =	swait.ge @!p0 [sflag:s8], $0x0  }
0x24: {  	s3 =	sadd.s32 $0x88, s3;
	s6 =	simm.s32 @!p1 $0x1082;
	[sflag:s4] =	ssyncset.s32 $0xFFFFF086  }
0x25: {  	[simem:s6], [sflag:s4] =	dma.local [hbm:s3], $0xF7A  }
0x26: {  	[smem:$0x3F9A] =	sst s1;
	(tag) =	ssettag s2;
	_ =	strace s9  }
0x27: {  	s1 =	sld [smem:$0x3FAA]  }
0x28: {  	s2 =	sld [smem:$0x3FAB]  }
0x29: {  	s4 =	sld [smem:$0x3FAD]  }
0x2a: {  	p0 =	seq.s32 s5, $0x0;
	s5 =	sld [smem:$0x3FAE]  }
0x2b: {  	s6 =	sld [smem:$0x3FAF]  }
0x2c: {  	s7 =	sld [smem:$0x3FB0]  }
0x2d: {  	s3 =	simm.s32 $0x108;
	s8 =	sld [smem:$0x3FB1]  }
0x2e: {  	s3 =	simm.s32 @!p0 $0x1082;
	s9 =	sld [smem:$0x3FB2]  }
0x2f: {  	lr =	sadd.s32 s0, s3;
	s0 =	sld [smem:$0x3FA9]  }
0x30: {  	s3 =	sld [smem:$0x3FAC]  }
0x31: {  	[smem:$0x3FB5] =	sst s10  }
0x32: {  	s10 =	sld [smem:$0x3FB3];
	_ =	sdelay $0x3  }
0x33: {  	p0 =	seq.s32 s10, $0x1;
	s10 =	sld [smem:$0x3FB5];
	_ =	sdelay $0x3  }
0x34: {  	[smem:$0x3FB5] =	sst s10  }
0x35: {  	s10 =	sld [smem:$0x3FB4];
	_ =	sdelay $0x3  }
0x36: {  	p1 =	seq.s32 s10, $0x1;
	s10 =	sld [smem:$0x3FB5];
	_ =	sdelay $0x3  }
0x37: {  	[smem:$0x3FB5] =	sst s10  }
0x38: {  	s10 =	sld [smem:$0x3FB6]  }
0x39: {  	_ = 	snop;
	(pc) =	sbr.ind lr, $3  }
0x3a: {  	_ = 	snop  }
0x3b: {  	_ = 	snop  }
0x3c: {  	p2 =	seq.s32 s10, $0x1;
	s10 =	sld [smem:$0x3FB5]  }
0x3d: {  	_ =	shalt  }
0x3e: {  	_ =	shalt  }
0x3f: {  	_ =	shalt  }
0x40: {  	_ =	shalt  }
0x41: {  	_ =	shalt  }
0x42: {  	_ =	shalt  }
0x43: {  	_ =	shalt  }
0x44: {  	_ =	shalt  }
0x45: {  	_ =	shalt  }
0x46: {  	_ =	shalt  }
0x47: {  	_ =	shalt  }
0x48: {  	_ =	shalt  }
0x49: {  	_ =	shalt  }
0x4a: {  	_ =	shalt  }
0x4b: {  	_ =	shalt  }
0x4c: {  	_ =	shalt  }
0x4d: {  	_ =	shalt  }
0x4e: {  	_ =	shalt  }
0x4f: {  	_ =	shalt  }
0x50: {  	_ =	shalt  }
0x51: {  	_ =	shalt  }
0x52: {  	_ =	shalt  }
0x53: {  	_ =	shalt  }
0x54: {  	_ =	shalt  }
0x55: {  	_ =	shalt  }
0x56: {  	_ =	shalt  }
0x57: {  	_ =	shalt  }
0x58: {  	_ =	shalt  }
0x59: {  	_ =	shalt  }
0x5a: {  	_ =	shalt  }
0x5b: {  	_ =	shalt  }
0x5c: {  	_ =	shalt  }
0x5d: {  	_ =	shalt  }
0x5e: {  	_ =	shalt  }
0x5f: {  	_ =	shalt  }
0x60: {  	_ =	shalt  }
0x61: {  	_ =	shalt  }
0x62: {  	_ =	shalt  }
0x63: {  	_ =	shalt  }
0x64: {  	_ =	shalt  }
0x65: {  	_ =	shalt  }
0x66: {  	_ =	shalt  }
0x67: {  	_ =	shalt  }
0x68: {  	_ =	shalt  }
0x69: {  	_ =	shalt  }
0x6a: {  	_ =	shalt  }
0x6b: {  	_ =	shalt  }
0x6c: {  	_ =	shalt  }
0x6d: {  	_ =	shalt  }
0x6e: {  	_ =	shalt  }
0x6f: {  	_ =	shalt  }
0x70: {  	_ =	shalt  }
0x71: {  	_ =	shalt  }
0x72: {  	_ =	shalt  }
0x73: {  	_ =	shalt  }
0x74: {  	_ =	shalt  }
0x75: {  	_ =	shalt  }
0x76: {  	_ =	shalt  }
0x77: {  	_ =	shalt  }
0x78: {  	_ =	shalt  }
0x79: {  	_ =	shalt  }
0x7a: {  	_ =	shalt  }
0x7b: {  	_ =	shalt  }
0x7c: {  	_ =	shalt  }
0x7d: {  	_ =	shalt  }
0x7e: {  	_ =	shalt  }
0x7f: {  	_ =	shalt  }
0x80: {  	_ =	shalt  }
0x81: {  	_ =	shalt  }
0x82: {  	_ =	shalt  }
0x83: {  	_ =	shalt  }
0x84: {  	_ =	shalt  }
0x85: {  	_ =	shalt  }
0x86: {  	_ =	shalt  }
0x87: {  	_ =	shalt  }
.Lfunc_end0:
.L_simem_size_0:
called_computation_lowered:
.L_overlay_start_0:
0x88: {  	s2 =	sld [smem:$0x3FD9]  }
0x89: {  	s3 =	sld [smem:$0x3FFE];
	_ =	sdelay $0x1  }
0x8a: {  	s1 =	srdreg.scid  }
0x8b: {  	s0 =	sand.u32 $0x1, s1  }
0x8c: {  	s14 =	sshll.u32 s0, $0xA;
	s2 =	sadd.s32 s3, s2  }
0x8d: {  	s2 =	sadd.s32 s2, s14  }
0x8e: {  	[smem:$0x3FC1] =	sst s2  }
0x8f: {  	_ = 	snop  }
0x90: {  	s2 =	sld [smem:$0x3FD0];
	_ =	sdelay $0x2  }
0x91: {  	s15 =	simm.s32 $0xA;
	s4 =	simm.s32 $0x10  }
0x92: {  	[smem:s4], [sflag:s15] =	dma.local [hbm:s2], $0x1  }
0x93: {  	_ =	swait.eq [sflag:s15], $0x1  }
0x94: {  	[sflag:s15] =	ssyncset.done $0x0  }
0x95: {  	s16 =	sld [smem:$0x10];
	[sflag:s15] =	ssyncadd.s32 $0xFFFFFFFF  }
0x96: {  	s17 =	sld [smem:$0x12];
	(tm) =	ssettm $0x1  }
0x97: {  	s18 =	sld [smem:$0x3FFB];
	_ =	sdelay $0x3  }
0x98: {  	_ =	strace s18  }
0x99: {  	s4 =	sld [smem:$0x3FFC];
	_ =	sdelay $0x3  }
0x9a: {  	_ =	strace s4  }
0x9b: {  	s4 =	sld [smem:$0x3FFD];
	_ =	sdelay $0x3  }
0x9c: {  	_ =	strace s4  }
0x9d: {  	_ =	strace $0x8FFFFFFF  }
0x9e: {  	s19 =	sld [smem:$0x3FDB];
	_ =	sdelay $0x1  }
0x9f: {  	s5 =	simm.s32 $_scs_section_size  }
0xa0: {  	s6 =	simm.s32 $_size__tile_overlayer_lowered;
	s7 =	simm.s32 $_tile_overlayer_lowered  }
0xa1: {  	s22 =	simm.s32 $0x1BFF;
	s21 =	sshll.u32 s7, $0x1;
	s4 =	sadd.s32 s5, s19  }
0xa2: {  	s8 =	simm.s32 $0x0;
	s20 =	sshll.u32 s6, $0x1;
	s6 =	sadd.s32 s21, s4  }
0xa3: {  	[timem:s8], [sflag:s22] =	dma.local [hbm:s6], s20  }
0xa4: {  	_ =	swait.ge [sflag:s22], s20  }
0xa5: {  	s5 =	ssub.s32 $0x0, s20;
	[sflag:s22] =	ssyncset.done $0x0  }
0xa6: {  	[sflag:s22] =	ssyncadd.s32 s5;
	_ =	sdelay $0x1  }
0xa7: {  	s23 =	simm.s32 $0x1B8B  }
0xa8: {  	_ =	swait.ge [sflag:s23], $0x1  }
0xa9: {  	[sflag:s23] =	ssyncset.done $0x0  }
0xaa: {  	s25 =	simm.s32 $0x1B8E;
	s24 =	sld [smem:$0x3FFE];
	[sflag:s23] =	ssyncadd.s32 $0xFFFFFFFF  }
0xab: {  	s26 =	simm.s32 $execute0_lowered;
	[smem:$0x3FD2] =	sst s25  }
0xac: {  	s6 =	sshll.u32 s26, $0x1;
	_ =	strace $0x80000046;
	[dreg:$0x1] =	wrdreg $0xFFFFFFFF  }
0xad: {  	s28 =	simm.s32 $_size_execute0_lowered;
	s4 =	sadd.s32 s4, s6;
	[dreg:$0x0] =	wrdreg $0x0  }
0xae: {  	s6 =	sshll.u32 s28, $0x1;
	[dreg:$0x2] =	wrdreg s4  }
0xaf: {  	[dreg:$0x3] =	wrdreg s6  }
0xb0: {  	[dreg:$0x4] =	wrdreg $0xC0  }
0xb1: {  	_ =	task [dreg:s8], $0x5FFFF  }
0xb2: {  	[dreg:$0x1] =	wrdreg $0xFFFFFFFF  }
0xb3: {  	[dreg:$0x0] =	wrdreg $0x60  }
0xb4: {  	[dreg:$0x2] =	wrdreg s24  }
0xb5: {  	[dreg:$0x3] =	wrdreg s16  }
0xb6: {  	[dreg:$0x4] =	wrdreg s17  }
0xb7: {  	[dreg:$0x5] =	wrdreg $0x9  }
0xb8: {  	_ =	task.clear_ibuf [dreg:s8], $0x6FFFF;
	_ =	strace $0x90000046  }
0xb9: {  	s29 =	simm.s32 $0x9;
	_ =	strace $0x80000048  }
0xba: {  	_ =	swait.ge [sflag:s29], $0x1  }
0xbb: {  	[sflag:s29] =	ssyncadd.s32 $0xFFFFFFFF  }
0xbc: {  	_ =	strace $0x90000048  }
0xbd: {  	_ =	sfence  }
0xbe: {  	s30 =	sld [smem:$0x0];
	_ =	sdelay $0x2  }
0xbf: {  	s31 =	sshll.u32 s1, $0xD;
	s1 =	sshrl.u32 s1, $0x2  }
0xc0: {  	s3 =	sand.u32 $0x4000, s31;
	s1 =	sadd.s32 s1, s30  }
0xc1: {  	s0 =	sor.u32 s3, s0;
	s1 =	sshll.u32 s1, $0x11  }
0xc2: {  	s0 =	sor.u32 s1, s0  }
0xc3: {  	s0 =	sadd.s32 $0x8F2B, s0  }
0xc4: {  	[sflag:s0] =	ssyncadd.remote.s32 $0x1  }
0xc5: {  	_ =	sfence.sel $0xFFFF  }
0xc6: {  	[dreg:$0x0] =	wrdreg $0xFFFFFFFF;
	(pc) =	sbr.abs _section_cstart, $3  }
0xc7: {  	[dreg:$0x1] =	wrdreg $0xFFFFFFFF  }
0xc8: {  	_ =	task.clear_ibuf [dreg:s8], $0x2FFFF;
	_ =	strace $0x9FFFFFFF  }
0xc9: {  	(tm) =	ssettm $0x7FFFFFFF  }
tec
execute0_lowered:
.L_overlay_start_1:
0x0: {  	(tag) =	ssettag $0x1  }
0x1: {  	s7 =	rddreg [dreg:$0x0]  }
0x2: {  	s9 =	rddreg [dreg:$0x1]  }
0x3: {  	s1 =	rddreg [dreg:$0x2];
	v0 =	vlaneseq.u32  }
0x4: {  	s0 =	rddreg [dreg:$0x3];
	s4 =	srdreg.scid;
	v0 =	vmul.u32 $0x10, v0  }
0x5: {  	s2 =	stileid.u32;
	s3 =	simm.s32 $0x0;
	s12 =	simm.s32 $0x2;
	vm0 =	vmmov $0xff  }
0x6: {  	s13 =	simm.s32 $0x80;
	s14 =	simm.s32 $0x280;
	s15 =	simm.s32 $0x500;
	v1 =	vor.u32 $0x100, v0;
	v2 =	vor.u32 $0x200, v0;
	v3 =	vor.u32 $0x300, v0  }
0x7: {  	s16 =	simm.s32 $0x300;
	s17 =	simm.s32 $0xD00;
	s18 =	simm.s32 $0x380;
	v4 =	vor.u32 $0x400, v0;
	v5 =	vor.u32 $0x500, v0;
	v6 =	vor.u32 $0x600, v0  }
0x8: {  	s19 =	simm.s32 $0x1500;
	s20 =	simm.s32 $0x400;
	s21 =	simm.s32 $0x1D00;
	v7 =	vor.u32 $0x700, v0;
	v8 =	vor.u32 $0x800, v0;
	v9 =	vor.u32 $0x900, v0  }
0x9: {  	s22 =	simm.s32 $0x480;
	s23 =	simm.s32 $0x2500;
	s28 =	simm.s32 $0x2E20;
	v10 =	vor.u32 $0xA00, v0;
	v11 =	vor.u32 $0xB00, v0;
	v12 =	vor.u32 $0xC00, v0  }
0xa: {  	s29 =	simm.s32 $0x3620;
	s30 =	simm.s32 $0x3E20;
	s6 =	sand.u32 $0x1, s4;
	v13 =	vor.u32 $0xD00, v0;
	v18 =	vor.u32 $0x1200, v0;
	v19 =	vor.u32 $0x1300, v0  }
0xb: {  	s26 =	sshll.u32 s2, $0x1;
	[smem:$0x7FF] =	sst s3;
	s4 =	sadd.s32 $0x2000, s7;
	v20 =	vor.u32 $0x1400, v0;
	v21 =	vor.u32 $0x1500, v0;
	v22 =	vor.u32 $0x1600, v0  }
0xc: {  	s5 =	sadd.s32 $0x20A00, s7;
	s25 =	sor.u32 s6, s26;
	_ =	strace $0x80000047;
	v23 =	vor.u32 $0x1700, v0;
	v24 =	vor.u32 $0x1800, v0;
	v25 =	vor.u32 $0x1900, v0  }
0xd: {  	s10 =	ssub.s32 $0x2, s6;
	s6 =	sadd.s32 $0x3F400, s7;
	s8 =	smul.u32 $0x50, s25;
	v26 =	vor.u32 $0x1A00, v0;
	v27 =	vor.u32 $0x1B00, v0;
	v28 =	vor.u32 $0x1C00, v0  }
.Ltmp0:
0xe: {  	s24 =	simm.s32 $0x1;
	s26 =	simm.s32 $0x2D20;
	v29 =	vor.u32 $0x1D00, v0;
	v30 =	vor.u32 $0x1E00, v0;
	[tilespmem:$0x1FFB0] =	vst v13;
	v13 =	vor.u32 $0xE00, v0;
	(pc) =	sbr.rel .LBB2_1-.Ltmp0, $4  }
0xf: {  	s11 =	sshrl.u32 s10, $0x1;
	s31 =	sshll.u32 s25, $0x2;
	v31 =	vor.u32 $0x1F00, v0;
	v32 =	vor.u32 $0x2000, v0;
	p0 =	seq.s32 s25, $0x1E;
	[tilespmem:$0x1FFC0] =	vst v13;
	v13 =	vor.u32 $0xF00, v0  }
0x10: {  	v33 =	vor.u32 $0x2100, v0;
	v34 =	vor.u32 $0x2200, v0;
	p1 =	sne.s32 s25, $0x1F;
	s25 =	simm.s32 $0x2D00;
	s11 =	ssub.s32 s10, s11;
	[tilespmem:$0x1FFD0] =	vst v13;
	v13 =	vor.u32 $0x1000, v0  }
0x11: {  	v35 =	vor.u32 $0x2300, v0;
	v36 =	vor.u32 $0x2400, v0;
	s9 =	sadd.s32 s9, s31;
	s10 =	sadd.s32 $0x2, s1;
	s8 =	sadd.s32 s8, s7;
	[tilespmem:$0x1FFE0] =	vst v13;
	v13 =	vor.u32 $0x1100, v0  }
0x12: {  	v37 =	vor.u32 $0x2500, v0;
	v38 =	vor.u32 $0x2600, v0;
	v39 =	vor.u32 $0x2700, v0;
	s7 =	sadd.s32 $0x1E00, s7;
	s11 =	smax.u32 s11, $0x1;
	s8 =	sadd.s32 $0x1400, s8;
	[tilespmem:$0x1FFF0] =	vst v13  }
.LBB2_4:
0x13: {  	[tilespmem:s26], [sflag:$0x2] =	stream.linear.gather [hbm4b:s7+s3], $0x100, $0x38;
	[tilespmem:$0x3E30] =	vst v63  }
0x14: {  	_ =	swait.ge [sflag:s12], $0x100  }
0x15: {  	[sflag:s12] =	ssyncset.done $0x0  }
0x16: {  	[sflag:s12] =	ssyncadd.s32 $0xFFFFFF00  }
0x17: {  	v13 =	vld [tilespmem:$0x2D20]  }
0x18: {  	v14 =	vld [tilespmem:$0x2D30]  }
0x19: {  	v15 =	vld [tilespmem:$0x2D40]  }
0x1a: {  	v16 =	vld [tilespmem:$0x2D50]  }
0x1b: {  	v17 =	vld [tilespmem:$0x2D60]  }
0x1c: {  	v40 =	vld [tilespmem:$0x2D70];
	v13 =	vshrl.u32 v13, $0x4  }
0x1d: {  	[tilespmem:$0x280] =	vst v13;
	v13 =	vshrl.u32 v14, $0x4;
	v14 =	vld [tilespmem:$0x2D80]  }
0x1e: {  	[tilespmem:$0x290] =	vst v13;
	v13 =	vshrl.u32 v15, $0x4;
	v15 =	vld [tilespmem:$0x2D90]  }
0x1f: {  	[tilespmem:$0x2A0] =	vst v13;
	v13 =	vshrl.u32 v16, $0x4;
	v16 =	vld [tilespmem:$0x2DA0]  }
0x20: {  	[tilespmem:$0x2B0] =	vst v13;
	v13 =	vshrl.u32 v17, $0x4;
	v17 =	vld [tilespmem:$0x2DB0]  }
0x21: {  	v57 =	vld [tilespmem:$0x2DC0];
	[tilespmem:$0x2C0] =	vst v13;
	v13 =	vshrl.u32 v40, $0x4  }
0x22: {  	[tilespmem:$0x2D0] =	vst v13;
	v13 =	vshrl.u32 v14, $0x4;
	v14 =	vld [tilespmem:$0x2DD0]  }
0x23: {  	[tilespmem:$0x2E0] =	vst v13;
	v13 =	vshrl.u32 v15, $0x4;
	v15 =	vld [tilespmem:$0x2DE0]  }
0x24: {  	[tilespmem:$0x2F0] =	vst v13;
	v13 =	vshrl.u32 v16, $0x4;
	v16 =	vld [tilespmem:$0x2DF0]  }
0x25: {  	[tilespmem:$0x300] =	vst v13;
	v13 =	vshrl.u32 v17, $0x4;
	v17 =	vld [tilespmem:$0x2E00]  }
0x26: {  	v58 =	vld [tilespmem:$0x2E10];
	[tilespmem:$0x310] =	vst v13;
	v13 =	vshrl.u32 v57, $0x4  }
0x27: {  	[tilespmem:$0x320] =	vst v13;
	v13 =	vshrl.u32 v14, $0x4  }
0x28: {  	[tilespmem:$0x330] =	vst v13;
	v13 =	vshrl.u32 v15, $0x4  }
0x29: {  	[tilespmem:$0x340] =	vst v13;
	v13 =	vshrl.u32 v16, $0x4  }
0x2a: {  	[tilespmem:$0x350] =	vst v13;
	v13 =	vshrl.u32 v17, $0x4  }
0x2b: {  	[tilespmem:$0x360] =	vst v13;
	v13 =	vshrl.u32 v58, $0x4  }
0x2c: {  	[tilespmem:$0x370] =	vst v13  }
0x2d: {  	[tilespmem:s28], [sflag:$0x1] =	stream.indirect.gather [hbm4b:s6+s13], $0x10, s14, s13, $0xb8;
	[tilespmem:$0x3E30] =	vst v63  }
0x2e: {  	_ = 	snop  }
0x2f: {  	[tilespmem:s29], [sflag:$0x1] =	stream.indirect.gather [hbm4b:s6+s13], $0x10, s16, s13, $0xb8;
	[tilespmem:$0x3E30] =	vst v63  }
0x30: {  	_ =	swait.ge [sflag:s24], $0x800  }
0x31: {  	[sflag:s24] =	ssyncset.done $0x0  }
0x32: {  	[sflag:s24] =	ssyncadd.s32 $0xFFFFF800  }
0x33: {  	_ =	swait.ge [sflag:s24], $0x800  }
0x34: {  	[sflag:s24] =	ssyncset.done $0x0  }
0x35: {  	[sflag:s24] =	ssyncadd.s32 $0xFFFFF800  }
0x36: {  	v13 =	vld [tilespmem:$0x2D20];
	_ =	sdelay $0x1  }
0x37: {  	v14 =	vld [tilespmem:$0x2D30];
	_ =	sdelay $0x1  }
0x38: {  	v15 =	vld [tilespmem:$0x2D40]  }
0x39: {  	v13 =	vand.u32 $0xF, v13  }
0x3a: {  	v16 =	vld [tilespmem:$0x2D50];
	v13 =	vor.u32 v0, v13  }
0x3b: {  	v14 =	vand.u32 $0xF, v14  }
0x3c: {  	v17 =	vld [tilespmem:$0x2D60];
	v14 =	vor.u32 v1, v14  }
0x3d: {  	v59 =	vld [tilespmem:$0x2D70];
	v15 =	vand.u32 $0xF, v15  }
0x3e: {  	v41 =	vld [tilespmem:$0x2D80];
	v15 =	vor.u32 v2, v15  }
0x3f: {  	v16 =	vand.u32 $0xF, v16;
	v13 =	vld.idx.msk [tilespmem:v13+s28+$0x0], $0xffff  }
0x40: {  	v42 =	vld [tilespmem:$0x2D90];
	v16 =	vor.u32 v3, v16  }
0x41: {  	v17 =	vand.u32 $0xF, v17;
	v14 =	vld.idx.msk [tilespmem:v14+s28+$0x0], $0xffff  }
0x42: {  	v43 =	vld [tilespmem:$0x2DA0];
	v17 =	vor.u32 v4, v17  }
0x43: {  	v40 =	vand.u32 $0xF, v59;
	v15 =	vld.idx.msk [tilespmem:v15+s28+$0x0], $0xffff  }
0x44: {  	v60 =	vld [tilespmem:$0x2DC0];
	v40 =	vor.u32 v5, v40;
	v13 =	vadd.f32 $0.0e+00, v13  }
0x45: {  	v41 =	vand.u32 $0xF, v41;
	v16 =	vld.idx.msk [tilespmem:v16+s28+$0x0], $0xffff  }
0x46: {  	v41 =	vor.u32 v6, v41;
	v13 =	vadd.f32 v14, v13;
	v14 =	vld [tilespmem:$0x2DB0]  }
0x47: {  	v42 =	vand.u32 $0xF, v42;
	v17 =	vld.idx.msk [tilespmem:v17+s28+$0x0], $0xffff  }
0x48: {  	v61 =	vld [tilespmem:$0x2DD0];
	v13 =	vadd.f32 v15, v13;
	v15 =	vor.u32 v7, v42  }
0x49: {  	v43 =	vand.u32 $0xF, v43;
	v40 =	vld.idx.msk [tilespmem:v40+s28+$0x0], $0xffff  }
0x4a: {  	v44 =	vld [tilespmem:$0x2DE0];
	v13 =	vadd.f32 v16, v13;
	v16 =	vor.u32 v8, v43  }
0x4b: {  	v41 =	vld.idx.msk [tilespmem:v41+s28+$0x0], $0xffff;
	v14 =	vand.u32 $0xF, v14  }
0x4c: {  	v13 =	vadd.f32 v17, v13;
	v14 =	vor.u32 v9, v14  }
0x4d: {  	v17 =	vand.u32 $0xF, v60;
	v15 =	vld.idx.msk [tilespmem:v15+s28+$0x0], $0xffff  }
0x4e: {  	v17 =	vor.u32 v10, v17;
	v13 =	vadd.f32 v40, v13  }
0x4f: {  	v62 =	vand.u32 $0xF, v61;
	v16 =	vld.idx.msk [tilespmem:v16+s28+$0x0], $0xffff  }
0x50: {  	v63 =	vand.u32 $0xF, v44;
	v40 =	vor.u32 v11, v62;
	v13 =	vadd.f32 v41, v13  }
0x51: {  	v41 =	vor.u32 v12, v63;
	v14 =	vld.idx.msk [tilespmem:v14+s28+$0x0], $0xffff  }
0x52: {  	v13 =	vadd.f32 v15, v13  }
0x53: {  	v15 =	vld.idx.msk [tilespmem:v17+s28+$0x0], $0xffff  }
0x54: {  	v13 =	vadd.f32 v16, v13  }
0x55: {  	v16 =	vld.idx.msk [tilespmem:v40+s28+$0x0], $0xffff  }
0x56: {  	v13 =	vadd.f32 v14, v13;
	v14 =	vld.idx.msk [tilespmem:v41+s28+$0x0], $0xffff;
	_ =	sdelay $0x1  }
0x57: {  	v13 =	vadd.f32 v15, v13;
	_ =	sdelay $0x1  }
0x58: {  	v13 =	vadd.f32 v16, v13  }
0x59: {  	v14 =	vnsel vm0, $0x0, v14  }
0x5a: {  	v13 =	vadd.f32 v14, v13;
	_ =	sdelay $0x1  }
0x5b: {  	s31 =	smov.u32 s10;
	[tilespmem:$0x3E20] =	vst v13  }
.LBB2_5:
0x5c: {  	[hbm4b:s31+s3] =	stream.linear.scatter [tilespmem:s30], [sflag:$0x2], $0x10, $0x38;
	[tilespmem:$0x3E30] =	vst v63  }
0x5d: {  	_ =	swait.ge [sflag:s12], $0x10  }
0x5e: {  	[sflag:s12] =	ssyncset.done $0x0  }
0x5f: {  	[sflag:s12] =	ssyncadd.s32 $0xFFFFFFF0  }
.LBB2_6:
0x60: {  	s11 =	sadd.s32 $0xFFFFFFFF, s11  }
0x61: {  	p2 =	sne.s32 s11, $0x0  }
.Ltmp1:
0x62: {  	_ = 	snop;
	(pc) =	sbr.rel @!p2 .LBB2_7-.Ltmp1, $1  }
0x63: {  	_ =	sdelay $0x3  }
.LBB2_1:
0x64: {  	[tilespmem:s3], [sflag:$0x2] =	stream.linear.gather [hbm4b:s8+s3], $0x280, $0x38;
	[tilespmem:$0x3E30] =	vst v63  }
0x65: {  	_ =	swait.ge [sflag:s12], $0x280  }
0x66: {  	[sflag:s12] =	ssyncset.done $0x0  }
0x67: {  	[sflag:s12] =	ssyncadd.s32 $0xFFFFFD80  }
0x68: {  	v40 =	vld [tilespmem:$0x0]  }
0x69: {  	v41 =	vld [tilespmem:$0x10]  }
0x6a: {  	v42 =	vld [tilespmem:$0x20]  }
0x6b: {  	v43 =	vld [tilespmem:$0x30]  }
0x6c: {  	v44 =	vld [tilespmem:$0x40]  }
0x6d: {  	v45 =	vld [tilespmem:$0x50];
	v40 =	vshrl.u32 v40, $0x4  }
0x6e: {  	v49 =	vld [tilespmem:$0x60];
	v48 =	vshrl.u32 v41, $0x4;
	[tilespmem:$0x280] =	vst v40  }
0x6f: {  	v51 =	vld [tilespmem:$0x70];
	v50 =	vshrl.u32 v42, $0x4;
	[tilespmem:$0x290] =	vst v48  }
0x70: {  	v53 =	vld [tilespmem:$0x80];
	v52 =	vshrl.u32 v43, $0x4;
	[tilespmem:$0x2A0] =	vst v50  }
0x71: {  	v55 =	vld [tilespmem:$0x90];
	v54 =	vshrl.u32 v44, $0x4;
	[tilespmem:$0x2B0] =	vst v52  }
0x72: {  	v57 =	vld [tilespmem:$0xA0];
	v56 =	vshrl.u32 v45, $0x4;
	[tilespmem:$0x2C0] =	vst v54  }
0x73: {  	v59 =	vld [tilespmem:$0xB0];
	v58 =	vshrl.u32 v49, $0x4;
	[tilespmem:$0x2D0] =	vst v56  }
0x74: {  	v61 =	vld [tilespmem:$0xC0];
	v60 =	vshrl.u32 v51, $0x4;
	[tilespmem:$0x2E0] =	vst v58  }
0x75: {  	v63 =	vld [tilespmem:$0xD0];
	v62 =	vshrl.u32 v53, $0x4;
	[tilespmem:$0x2F0] =	vst v60  }
0x76: {  	v49 =	vld [tilespmem:$0xE0];
	[tilespmem:$0x300] =	vst v62;
	v48 =	vshrl.u32 v55, $0x4  }
0x77: {  	v51 =	vld [tilespmem:$0xF0];
	v50 =	vshrl.u32 v57, $0x4;
	[tilespmem:$0x310] =	vst v48  }
0x78: {  	v53 =	vld [tilespmem:$0x100];
	v52 =	vshrl.u32 v59, $0x4;
	[tilespmem:$0x320] =	vst v50  }
0x79: {  	v54 =	vshrl.u32 v61, $0x4;
	v55 =	vld [tilespmem:$0x110];
	[tilespmem:$0x330] =	vst v52  }
0x7a: {  	v56 =	vshrl.u32 v63, $0x4;
	v57 =	vld [tilespmem:$0x120];
	[tilespmem:$0x340] =	vst v54  }
0x7b: {  	v59 =	vld [tilespmem:$0x130];
	[tilespmem:$0x350] =	vst v56;
	v58 =	vshrl.u32 v49, $0x4  }
0x7c: {  	v61 =	vld [tilespmem:$0x140];
	v60 =	vshrl.u32 v51, $0x4;
	[tilespmem:$0x360] =	vst v58  }
0x7d: {  	v63 =	vld [tilespmem:$0x150];
	v62 =	vshrl.u32 v53, $0x4;
	[tilespmem:$0x370] =	vst v60  }
0x7e: {  	v49 =	vld [tilespmem:$0x160];
	[tilespmem:$0x380] =	vst v62;
	v48 =	vshrl.u32 v55, $0x4  }
0x7f: {  	v51 =	vld [tilespmem:$0x170];
	v50 =	vshrl.u32 v57, $0x4;
	[tilespmem:$0x390] =	vst v48  }
0x80: {  	v53 =	vld [tilespmem:$0x180];
	v52 =	vshrl.u32 v59, $0x4;
	[tilespmem:$0x3A0] =	vst v50  }
0x81: {  	v54 =	vshrl.u32 v61, $0x4;
	v55 =	vld [tilespmem:$0x190];
	[tilespmem:$0x3B0] =	vst v52  }
0x82: {  	v56 =	vshrl.u32 v63, $0x4;
	v57 =	vld [tilespmem:$0x1A0];
	[tilespmem:$0x3C0] =	vst v54  }
0x83: {  	v59 =	vld [tilespmem:$0x1B0];
	[tilespmem:$0x3D0] =	vst v56;
	v58 =	vshrl.u32 v49, $0x4  }
0x84: {  	v61 =	vld [tilespmem:$0x1C0];
	v60 =	vshrl.u32 v51, $0x4;
	[tilespmem:$0x3E0] =	vst v58  }
0x85: {  	v63 =	vld [tilespmem:$0x1D0];
	v62 =	vshrl.u32 v53, $0x4;
	[tilespmem:$0x3F0] =	vst v60  }
0x86: {  	v49 =	vld [tilespmem:$0x1E0];
	[tilespmem:$0x400] =	vst v62;
	v48 =	vshrl.u32 v55, $0x4  }
0x87: {  	v51 =	vld [tilespmem:$0x1F0];
	v50 =	vshrl.u32 v57, $0x4;
	[tilespmem:$0x410] =	vst v48  }
0x88: {  	v53 =	vld [tilespmem:$0x200];
	v52 =	vshrl.u32 v59, $0x4;
	[tilespmem:$0x420] =	vst v50  }
0x89: {  	v54 =	vshrl.u32 v61, $0x4;
	v55 =	vld [tilespmem:$0x210];
	[tilespmem:$0x430] =	vst v52  }
0x8a: {  	v56 =	vshrl.u32 v63, $0x4;
	v57 =	vld [tilespmem:$0x220];
	[tilespmem:$0x440] =	vst v54  }
0x8b: {  	v59 =	vld [tilespmem:$0x230];
	[tilespmem:$0x450] =	vst v56;
	v58 =	vshrl.u32 v49, $0x4  }
0x8c: {  	v61 =	vld [tilespmem:$0x240];
	v60 =	vshrl.u32 v51, $0x4;
	[tilespmem:$0x460] =	vst v58  }
0x8d: {  	v63 =	vld [tilespmem:$0x250];
	v62 =	vshrl.u32 v53, $0x4;
	[tilespmem:$0x470] =	vst v60  }
0x8e: {  	v49 =	vld [tilespmem:$0x260];
	[tilespmem:$0x480] =	vst v62;
	v48 =	vshrl.u32 v55, $0x4  }
0x8f: {  	v51 =	vld [tilespmem:$0x270];
	v50 =	vshrl.u32 v57, $0x4;
	[tilespmem:$0x490] =	vst v48  }
0x90: {  	v52 =	vshrl.u32 v59, $0x4;
	[tilespmem:$0x4A0] =	vst v50  }
0x91: {  	v53 =	vshrl.u32 v61, $0x4;
	[tilespmem:$0x4B0] =	vst v52  }
0x92: {  	v54 =	vshrl.u32 v63, $0x4;
	[tilespmem:$0x4C0] =	vst v53  }
0x93: {  	[tilespmem:$0x4D0] =	vst v54;
	v55 =	vshrl.u32 v49, $0x4  }
0x94: {  	v56 =	vshrl.u32 v51, $0x4;
	[tilespmem:$0x4E0] =	vst v55  }
0x95: {  	[tilespmem:$0x4F0] =	vst v56  }
0x96: {  	[tilespmem:s15], [sflag:$0x1] =	stream.indirect.gather [hbm4b:s4+s13], $0x10, s14, s13, $0xb8;
	[tilespmem:$0x3E30] =	vst v63  }
0x97: {  	_ = 	snop  }
0x98: {  	[tilespmem:s17], [sflag:$0x1] =	stream.indirect.gather [hbm4b:s4+s13], $0x10, s16, s13, $0xb8;
	[tilespmem:$0x3E30] =	vst v63  }
0x99: {  	_ = 	snop  }
0x9a: {  	[tilespmem:s19], [sflag:$0x1] =	stream.indirect.gather [hbm4b:s4+s13], $0x10, s18, s13, $0xb8;
	[tilespmem:$0x3E30] =	vst v63  }
0x9b: {  	_ = 	snop  }
0x9c: {  	[tilespmem:s21], [sflag:$0x1] =	stream.indirect.gather [hbm4b:s4+s13], $0x10, s20, s13, $0xb8;
	[tilespmem:$0x3E30] =	vst v63  }
0x9d: {  	_ = 	snop  }
0x9e: {  	[tilespmem:s23], [sflag:$0x1] =	stream.indirect.gather [hbm4b:s4+s13], $0x10, s22, s13, $0xb8;
	[tilespmem:$0x3E30] =	vst v63  }
0x9f: {  	_ =	swait.ge [sflag:s24], $0x800  }
0xa0: {  	[sflag:s24] =	ssyncset.done $0x0  }
0xa1: {  	[sflag:s24] =	ssyncadd.s32 $0xFFFFF800  }
0xa2: {  	_ =	swait.ge [sflag:s24], $0x800  }
0xa3: {  	[sflag:s24] =	ssyncset.done $0x0  }
0xa4: {  	[sflag:s24] =	ssyncadd.s32 $0xFFFFF800  }
0xa5: {  	_ =	swait.ge [sflag:s24], $0x800  }
0xa6: {  	[sflag:s24] =	ssyncset.done $0x0  }
0xa7: {  	[sflag:s24] =	ssyncadd.s32 $0xFFFFF800  }
0xa8: {  	_ =	swait.ge [sflag:s24], $0x800  }
0xa9: {  	[sflag:s24] =	ssyncset.done $0x0  }
0xaa: {  	[sflag:s24] =	ssyncadd.s32 $0xFFFFF800  }
0xab: {  	_ =	swait.ge [sflag:s24], $0x800  }
0xac: {  	[sflag:s24] =	ssyncset.done $0x0  }
0xad: {  	v13 =	vld [tilespmem:$0x1FFB0];
	[sflag:s24] =	ssyncadd.s32 $0xFFFFF800  }
0xae: {  	v57 =	vld [tilespmem:$0x0]  }
0xaf: {  	v58 =	vld [tilespmem:$0x10]  }
0xb0: {  	v59 =	vld [tilespmem:$0x20]  }
0xb1: {  	v60 =	vld [tilespmem:$0x30]  }
0xb2: {  	v61 =	vld [tilespmem:$0x40]  }
0xb3: {  	v62 =	vld [tilespmem:$0x50]  }
0xb4: {  	v46 =	vld [tilespmem:$0x60]  }
0xb5: {  	v47 =	vld [tilespmem:$0x70]  }
0xb6: {  	v48 =	vld [tilespmem:$0x80]  }
0xb7: {  	v49 =	vld [tilespmem:$0x90]  }
0xb8: {  	v50 =	vld [tilespmem:$0xA0]  }
0xb9: {  	v51 =	vld [tilespmem:$0xB0]  }
0xba: {  	v52 =	vld [tilespmem:$0xC0]  }
0xbb: {  	v53 =	vld [tilespmem:$0xD0]  }
0xbc: {  	v54 =	vld [tilespmem:$0xE0]  }
0xbd: {  	v55 =	vld [tilespmem:$0xF0]  }
0xbe: {  	v56 =	vld [tilespmem:$0x100]  }
0xbf: {  	v63 =	vld [tilespmem:$0x170]  }
0xc0: {  	v14 =	vld [tilespmem:$0x190]  }
0xc1: {  	v15 =	vld [tilespmem:$0x1A0]  }
0xc2: {  	v16 =	vld [tilespmem:$0x1B0]  }
0xc3: {  	v17 =	vld [tilespmem:$0x1C0]  }
0xc4: {  	v40 =	vand.u32 $0xF, v57;
	v57 =	vld [tilespmem:$0x110]  }
0xc5: {  	v41 =	vand.u32 $0xF, v58;
	v58 =	vld [tilespmem:$0x120]  }
0xc6: {  	v42 =	vand.u32 $0xF, v59;
	v59 =	vld [tilespmem:$0x130];
	v40 =	vor.u32 v0, v40  }
0xc7: {  	v43 =	vand.u32 $0xF, v60;
	v60 =	vld [tilespmem:$0x140];
	v41 =	vor.u32 v1, v41  }
0xc8: {  	v44 =	vand.u32 $0xF, v61;
	v61 =	vld [tilespmem:$0x150];
	v42 =	vor.u32 v2, v42  }
0xc9: {  	v45 =	vand.u32 $0xF, v62;
	v53 =	vand.u32 $0xF, v53;
	v62 =	vld [tilespmem:$0x160];
	v43 =	vor.u32 v3, v43  }
0xca: {  	v44 =	vor.u32 v4, v44;
	v53 =	vor.u32 v13, v53;
	v13 =	vld [tilespmem:$0x1FFC0]  }
0xcb: {  	v46 =	vand.u32 $0xF, v46;
	v45 =	vor.u32 v5, v45;
	v40 =	vld.idx.msk [tilespmem:v40+s15+$0x0], $0xffff  }
0xcc: {  	v47 =	vand.u32 $0xF, v47;
	v46 =	vor.u32 v6, v46;
	v41 =	vld.idx.msk [tilespmem:v41+s15+$0x0], $0xffff  }
0xcd: {  	v48 =	vand.u32 $0xF, v48;
	v47 =	vor.u32 v7, v47;
	v42 =	vld.idx.msk [tilespmem:v42+s15+$0x0], $0xffff  }
0xce: {  	v49 =	vand.u32 $0xF, v49;
	v48 =	vor.u32 v8, v48;
	v43 =	vld.idx.msk [tilespmem:v43+s15+$0x0], $0xffff  }
0xcf: {  	v50 =	vand.u32 $0xF, v50;
	v49 =	vor.u32 v9, v49;
	v44 =	vld.idx.msk [tilespmem:v44+s15+$0x0], $0xffff  }
0xd0: {  	v50 =	vor.u32 v10, v50;
	v45 =	vld.idx.msk [tilespmem:v45+s15+$0x0], $0xffff  }
0xd1: {  	v51 =	vand.u32 $0xF, v51;
	v46 =	vld.idx.msk [tilespmem:v46+s15+$0x0], $0xffff  }
0xd2: {  	v52 =	vand.u32 $0xF, v52;
	v51 =	vor.u32 v11, v51;
	v47 =	vld.idx.msk [tilespmem:v47+s15+$0x0], $0xffff  }
0xd3: {  	v52 =	vor.u32 v12, v52;
	v48 =	vld.idx.msk [tilespmem:v48+s15+$0x0], $0xffff  }
0xd4: {  	v14 =	vand.u32 $0xF, v14;
	v49 =	vld.idx.msk [tilespmem:v49+s15+$0x0], $0xffff  }
0xd5: {  	v54 =	vand.u32 $0xF, v54;
	v15 =	vand.u32 $0xF, v15;
	v14 =	vor.u32 v25, v14;
	v50 =	vld.idx.msk [tilespmem:v50+s15+$0x0], $0xffff  }
0xd6: {  	v15 =	vor.u32 v26, v15;
	v54 =	vor.u32 v13, v54;
	v13 =	vld [tilespmem:$0x1FFD0]  }
0xd7: {  	v16 =	vand.u32 $0xF, v16;
	v51 =	vld.idx.msk [tilespmem:v51+s15+$0x0], $0xffff  }
0xd8: {  	v17 =	vand.u32 $0xF, v17;
	v16 =	vor.u32 v27, v16;
	v52 =	vld.idx.msk [tilespmem:v52+s15+$0x0], $0xffff  }
0xd9: {  	v17 =	vor.u32 v28, v17;
	v53 =	vld.idx.msk [tilespmem:v53+s15+$0x0], $0xffff  }
0xda: {  	v58 =	vand.u32 $0xF, v58;
	v14 =	vld.idx.msk [tilespmem:v14+s15+$0x0], $0xffff  }
0xdb: {  	v55 =	vand.u32 $0xF, v55;
	v58 =	vor.u32 v18, v58;
	v15 =	vld.idx.msk [tilespmem:v15+s15+$0x0], $0xffff  }
0xdc: {  	v59 =	vand.u32 $0xF, v59;
	v55 =	vor.u32 v13, v55;
	v13 =	vld [tilespmem:$0x1FFE0]  }
0xdd: {  	v59 =	vor.u32 v19, v59;
	v16 =	vld.idx.msk [tilespmem:v16+s15+$0x0], $0xffff  }
0xde: {  	v17 =	vld.idx.msk [tilespmem:v17+s15+$0x0], $0xffff;
	v40 =	vadd.f32 $0.0e+00, v40  }
0xdf: {  	v56 =	vand.u32 $0xF, v56;
	v54 =	vld.idx.msk [tilespmem:v54+s15+$0x0], $0xffff  }
0xe0: {  	v62 =	vand.u32 $0xF, v62;
	v41 =	vadd.f32 $0.0e+00, v41;
	v40 =	vadd.f32 v42, v40;
	v42 =	vld.idx.msk [tilespmem:v58+s15+$0x0], $0xffff  }
0xe1: {  	v62 =	vor.u32 v22, v62;
	v56 =	vor.u32 v13, v56;
	v13 =	vld [tilespmem:$0x1FFF0]  }
0xe2: {  	v63 =	vand.u32 $0xF, v63;
	v41 =	vadd.f32 v43, v41;
	v43 =	vld.idx.msk [tilespmem:v59+s15+$0x0], $0xffff  }
0xe3: {  	v63 =	vor.u32 v23, v63;
	v58 =	vld [tilespmem:$0x200];
	v40 =	vadd.f32 v44, v40  }
0xe4: {  	v59 =	vld [tilespmem:$0x210];
	v41 =	vadd.f32 v45, v41  }
0xe5: {  	v57 =	vand.u32 $0xF, v57;
	v55 =	vld.idx.msk [tilespmem:v55+s15+$0x0], $0xffff;
	v40 =	vadd.f32 v46, v40  }
0xe6: {  	v46 =	vld.idx.msk [tilespmem:v62+s15+$0x0], $0xffff;
	v41 =	vadd.f32 v47, v41;
	v57 =	vor.u32 v13, v57  }
0xe7: {  	v60 =	vand.u32 $0xF, v60;
	v40 =	vadd.f32 v48, v40;
	v13 =	vld [tilespmem:$0x180]  }
0xe8: {  	v60 =	vor.u32 v20, v60;
	v47 =	vld.idx.msk [tilespmem:v63+s15+$0x0], $0xffff;
	v41 =	vadd.f32 v49, v41  }
0xe9: {  	v61 =	vand.u32 $0xF, v61;
	v62 =	vld [tilespmem:$0x1D0];
	v40 =	vadd.f32 v50, v40  }
0xea: {  	v61 =	vor.u32 v21, v61;
	v56 =	vld.idx.msk [tilespmem:v56+s15+$0x0], $0xffff;
	v41 =	vadd.f32 v51, v41  }
0xeb: {  	v40 =	vadd.f32 v52, v40;
	v57 =	vld.idx.msk [tilespmem:v57+s15+$0x0], $0xffff  }
0xec: {  	v63 =	vld [tilespmem:$0x1E0];
	v41 =	vadd.f32 v53, v41;
	v13 =	vand.u32 $0xF, v13  }
0xed: {  	v44 =	vld.idx.msk [tilespmem:v60+s15+$0x0], $0xffff;
	v40 =	vadd.f32 v54, v40;
	v13 =	vor.u32 v24, v13  }
0xee: {  	v50 =	vld [tilespmem:$0x1F0];
	v41 =	vadd.f32 v55, v41  }
0xef: {  	v45 =	vld.idx.msk [tilespmem:v61+s15+$0x0], $0xffff;
	v40 =	vadd.f32 v56, v40  }
0xf0: {  	v61 =	vld [tilespmem:$0x220];
	v41 =	vadd.f32 v57, v41  }
0xf1: {  	v60 =	vand.u32 $0xF, v62;
	v62 =	vand.u32 $0xF, v63;
	v63 =	vld [tilespmem:$0x230];
	v40 =	vadd.f32 v42, v40  }
0xf2: {  	v42 =	vor.u32 v29, v60;
	v13 =	vld.idx.msk [tilespmem:v13+s15+$0x0], $0xffff;
	v41 =	vadd.f32 v43, v41  }
0xf3: {  	v54 =	vand.u32 $0xF, v50;
	v50 =	vld [tilespmem:$0x240];
	v40 =	vadd.f32 v44, v40;
	v43 =	vor.u32 v30, v62  }
0xf4: {  	v51 =	vld [tilespmem:$0x250];
	v55 =	vand.u32 $0xF, v58;
	v44 =	vor.u32 v31, v54;
	v41 =	vadd.f32 v45, v41  }
0xf5: {  	v56 =	vand.u32 $0xF, v59;
	v57 =	vld [tilespmem:$0x260];
	v40 =	vadd.f32 v46, v40;
	v45 =	vor.u32 v32, v55  }
0xf6: {  	v58 =	vand.u32 $0xF, v61;
	v59 =	vld [tilespmem:$0x270];
	v46 =	vor.u32 v33, v56;
	v41 =	vadd.f32 v47, v41  }
0xf7: {  	v61 =	vor.u32 v34, v58;
	v62 =	vand.u32 $0xF, v63;
	v60 =	vld.idx.msk [tilespmem:v42+s15+$0x0], $0xffff;
	v13 =	vadd.f32 v13, v40  }
0xf8: {  	v53 =	vand.u32 $0xF, v50;
	v49 =	vor.u32 v35, v62;
	v63 =	vld.idx.msk [tilespmem:v43+s15+$0x0], $0xffff;
	v14 =	vadd.f32 v14, v41  }
0xf9: {  	v54 =	vor.u32 v36, v53;
	v55 =	vand.u32 $0xF, v51;
	v13 =	vadd.f32 v15, v13;
	v15 =	vld.idx.msk [tilespmem:v44+s15+$0x0], $0xffff  }
0xfa: {  	v56 =	vor.u32 v37, v55;
	v57 =	vand.u32 $0xF, v57;
	v14 =	vadd.f32 v16, v14;
	v16 =	vld.idx.msk [tilespmem:v45+s15+$0x0], $0xffff  }
0xfb: {  	v59 =	vand.u32 $0xF, v59;
	v58 =	vor.u32 v38, v57;
	v13 =	vadd.f32 v17, v13;
	v17 =	vld.idx.msk [tilespmem:v46+s15+$0x0], $0xffff  }
0xfc: {  	v14 =	vadd.f32 v60, v14;
	v60 =	vld.idx.msk [tilespmem:v61+s15+$0x0], $0xffff;
	v61 =	vor.u32 v39, v59  }
0xfd: {  	v62 =	vld.idx.msk [tilespmem:v49+s15+$0x0], $0xffff;
	v13 =	vadd.f32 v63, v13  }
0xfe: {  	v14 =	vadd.f32 v15, v14;
	v15 =	vld.idx.msk [tilespmem:v54+s15+$0x0], $0xffff  }
0xff: {  	v13 =	vadd.f32 v16, v13;
	v16 =	vld.idx.msk [tilespmem:v56+s15+$0x0], $0xffff  }
0x100: {  	v14 =	vadd.f32 v17, v14;
	v17 =	vld.idx.msk [tilespmem:v58+s15+$0x0], $0xffff  }
0x101: {  	v13 =	vadd.f32 v60, v13;
	v63 =	vld.idx.msk [tilespmem:v61+s15+$0x0], $0xffff  }
0x102: {  	v14 =	vadd.f32 v62, v14  }
0x103: {  	v13 =	vadd.f32 v15, v13  }
0x104: {  	v14 =	vadd.f32 v16, v14  }
0x105: {  	v13 =	vadd.f32 v17, v13  }
0x106: {  	v14 =	vadd.f32 v63, v14  }
0x107: {  	[tilespmem:$0x2D00] =	vst v13  }
.Ltmp2:
0x108: {  	[tilespmem:$0x2D10] =	vst v14;
	(pc) =	sbr.rel @p0 .LBB2_4-.Ltmp2, $4  }
0x109: {  	[hbm4b:s9+s3] =	stream.linear.scatter [tilespmem:s25], [sflag:$0x2], $0x20, $0x38;
	[tilespmem:$0x3E30] =	vst v63  }
0x10a: {  	_ =	swait.ge [sflag:s12], $0x20  }
0x10b: {  	[sflag:s12] =	ssyncset.done $0x0  }
0x10c: {  	[sflag:s12] =	ssyncadd.s32 $0xFFFFFFE0  }
.Ltmp3:
0x10d: {  	(pc) =	sbr.rel @p1 .LBB2_6-.Ltmp3, $1  }
0x10e: {  	_ =	sdelay $0x3  }
0x10f: {  	[tilespmem:s26], [sflag:$0x2] =	stream.linear.gather [hbm4b:s7+s3], $0x100, $0x38;
	[tilespmem:$0x3E30] =	vst v63  }
0x110: {  	_ =	swait.ge [sflag:s12], $0x100  }
0x111: {  	[sflag:s12] =	ssyncset.done $0x0  }
0x112: {  	[sflag:s12] =	ssyncadd.s32 $0xFFFFFF00  }
0x113: {  	v13 =	vld [tilespmem:$0x2D20]  }
0x114: {  	v14 =	vld [tilespmem:$0x2D30]  }
0x115: {  	v15 =	vld [tilespmem:$0x2D40]  }
0x116: {  	v16 =	vld [tilespmem:$0x2D50]  }
0x117: {  	v17 =	vld [tilespmem:$0x2D60]  }
0x118: {  	v40 =	vld [tilespmem:$0x2D70];
	v13 =	vshrl.u32 v13, $0x4  }
0x119: {  	[tilespmem:$0x280] =	vst v13;
	v13 =	vshrl.u32 v14, $0x4;
	v14 =	vld [tilespmem:$0x2D80]  }
0x11a: {  	[tilespmem:$0x290] =	vst v13;
	v13 =	vshrl.u32 v15, $0x4;
	v15 =	vld [tilespmem:$0x2D90]  }
0x11b: {  	[tilespmem:$0x2A0] =	vst v13;
	v13 =	vshrl.u32 v16, $0x4;
	v16 =	vld [tilespmem:$0x2DA0]  }
0x11c: {  	[tilespmem:$0x2B0] =	vst v13;
	v13 =	vshrl.u32 v17, $0x4;
	v17 =	vld [tilespmem:$0x2DB0]  }
0x11d: {  	v57 =	vld [tilespmem:$0x2DC0];
	[tilespmem:$0x2C0] =	vst v13;
	v13 =	vshrl.u32 v40, $0x4  }
0x11e: {  	[tilespmem:$0x2D0] =	vst v13;
	v13 =	vshrl.u32 v14, $0x4;
	v14 =	vld [tilespmem:$0x2DD0]  }
0x11f: {  	[tilespmem:$0x2E0] =	vst v13;
	v13 =	vshrl.u32 v15, $0x4;
	v15 =	vld [tilespmem:$0x2DE0]  }
0x120: {  	[tilespmem:$0x2F0] =	vst v13;
	v13 =	vshrl.u32 v16, $0x4;
	v16 =	vld [tilespmem:$0x2DF0]  }
0x121: {  	[tilespmem:$0x300] =	vst v13;
	v13 =	vshrl.u32 v17, $0x4;
	v17 =	vld [tilespmem:$0x2E00]  }
0x122: {  	v58 =	vld [tilespmem:$0x2E10];
	[tilespmem:$0x310] =	vst v13;
	v13 =	vshrl.u32 v57, $0x4  }
0x123: {  	[tilespmem:$0x320] =	vst v13;
	v13 =	vshrl.u32 v14, $0x4  }
0x124: {  	[tilespmem:$0x330] =	vst v13;
	v13 =	vshrl.u32 v15, $0x4  }
0x125: {  	[tilespmem:$0x340] =	vst v13;
	v13 =	vshrl.u32 v16, $0x4  }
0x126: {  	[tilespmem:$0x350] =	vst v13;
	v13 =	vshrl.u32 v17, $0x4  }
0x127: {  	[tilespmem:$0x360] =	vst v13;
	v13 =	vshrl.u32 v58, $0x4  }
0x128: {  	[tilespmem:$0x370] =	vst v13  }
0x129: {  	[tilespmem:s28], [sflag:$0x1] =	stream.indirect.gather [hbm4b:s5+s13], $0x10, s14, s13, $0xb8;
	[tilespmem:$0x3E30] =	vst v63  }
0x12a: {  	_ = 	snop  }
0x12b: {  	[tilespmem:s29], [sflag:$0x1] =	stream.indirect.gather [hbm4b:s5+s13], $0x10, s16, s13, $0xb8;
	[tilespmem:$0x3E30] =	vst v63  }
0x12c: {  	_ =	swait.ge [sflag:s24], $0x800  }
0x12d: {  	[sflag:s24] =	ssyncset.done $0x0  }
0x12e: {  	[sflag:s24] =	ssyncadd.s32 $0xFFFFF800  }
0x12f: {  	_ =	swait.ge [sflag:s24], $0x800  }
0x130: {  	[sflag:s24] =	ssyncset.done $0x0  }
0x131: {  	[sflag:s24] =	ssyncadd.s32 $0xFFFFF800  }
0x132: {  	v13 =	vld [tilespmem:$0x2D20];
	_ =	sdelay $0x1  }
0x133: {  	v14 =	vld [tilespmem:$0x2D30];
	_ =	sdelay $0x1  }
0x134: {  	v15 =	vld [tilespmem:$0x2D40]  }
0x135: {  	v13 =	vand.u32 $0xF, v13  }
0x136: {  	v16 =	vld [tilespmem:$0x2D50];
	v13 =	vor.u32 v0, v13  }
0x137: {  	v14 =	vand.u32 $0xF, v14  }
0x138: {  	v17 =	vld [tilespmem:$0x2D60];
	v14 =	vor.u32 v1, v14  }
0x139: {  	v59 =	vld [tilespmem:$0x2D70];
	v15 =	vand.u32 $0xF, v15  }
0x13a: {  	v41 =	vld [tilespmem:$0x2D80];
	v15 =	vor.u32 v2, v15  }
0x13b: {  	v16 =	vand.u32 $0xF, v16;
	v13 =	vld.idx.msk [tilespmem:v13+s28+$0x0], $0xffff  }
0x13c: {  	v42 =	vld [tilespmem:$0x2D90];
	v16 =	vor.u32 v3, v16  }
0x13d: {  	v17 =	vand.u32 $0xF, v17;
	v14 =	vld.idx.msk [tilespmem:v14+s28+$0x0], $0xffff  }
0x13e: {  	v43 =	vld [tilespmem:$0x2DA0];
	v17 =	vor.u32 v4, v17  }
0x13f: {  	v40 =	vand.u32 $0xF, v59;
	v15 =	vld.idx.msk [tilespmem:v15+s28+$0x0], $0xffff  }
0x140: {  	v60 =	vld [tilespmem:$0x2DC0];
	v40 =	vor.u32 v5, v40;
	v13 =	vadd.f32 $0.0e+00, v13  }
0x141: {  	v41 =	vand.u32 $0xF, v41;
	v16 =	vld.idx.msk [tilespmem:v16+s28+$0x0], $0xffff  }
0x142: {  	v41 =	vor.u32 v6, v41;
	v13 =	vadd.f32 v14, v13;
	v14 =	vld [tilespmem:$0x2DB0]  }
0x143: {  	v42 =	vand.u32 $0xF, v42;
	v17 =	vld.idx.msk [tilespmem:v17+s28+$0x0], $0xffff  }
0x144: {  	v61 =	vld [tilespmem:$0x2DD0];
	v13 =	vadd.f32 v15, v13;
	v15 =	vor.u32 v7, v42  }
0x145: {  	v43 =	vand.u32 $0xF, v43;
	v40 =	vld.idx.msk [tilespmem:v40+s28+$0x0], $0xffff  }
0x146: {  	v44 =	vld [tilespmem:$0x2DE0];
	v13 =	vadd.f32 v16, v13;
	v16 =	vor.u32 v8, v43  }
0x147: {  	v41 =	vld.idx.msk [tilespmem:v41+s28+$0x0], $0xffff;
	v14 =	vand.u32 $0xF, v14  }
0x148: {  	v13 =	vadd.f32 v17, v13;
	v14 =	vor.u32 v9, v14  }
0x149: {  	v17 =	vand.u32 $0xF, v60;
	v15 =	vld.idx.msk [tilespmem:v15+s28+$0x0], $0xffff  }
0x14a: {  	v17 =	vor.u32 v10, v17;
	v13 =	vadd.f32 v40, v13  }
0x14b: {  	v62 =	vand.u32 $0xF, v61;
	v16 =	vld.idx.msk [tilespmem:v16+s28+$0x0], $0xffff  }
0x14c: {  	v63 =	vand.u32 $0xF, v44;
	v40 =	vor.u32 v11, v62;
	v13 =	vadd.f32 v41, v13  }
0x14d: {  	v41 =	vor.u32 v12, v63;
	v14 =	vld.idx.msk [tilespmem:v14+s28+$0x0], $0xffff  }
0x14e: {  	v13 =	vadd.f32 v15, v13  }
0x14f: {  	v15 =	vld.idx.msk [tilespmem:v17+s28+$0x0], $0xffff  }
0x150: {  	v13 =	vadd.f32 v16, v13  }
0x151: {  	v16 =	vld.idx.msk [tilespmem:v40+s28+$0x0], $0xffff  }
0x152: {  	v13 =	vadd.f32 v14, v13;
	v14 =	vld.idx.msk [tilespmem:v41+s28+$0x0], $0xffff;
	_ =	sdelay $0x1  }
0x153: {  	v13 =	vadd.f32 v15, v13;
	_ =	sdelay $0x1  }
.Ltmp4:
0x154: {  	v13 =	vadd.f32 v16, v13;
	(pc) =	sbr.rel .LBB2_5-.Ltmp4, $3  }
0x155: {  	v14 =	vnsel vm0, $0x0, v14  }
0x156: {  	v13 =	vadd.f32 v14, v13;
	_ =	sdelay $0x1  }
0x157: {  	s31 =	smov.u32 s1;
	[tilespmem:$0x3E20] =	vst v13  }
.LBB2_7:
0x158: {  	_ =	sfence.sel $0x180000  }
0x159: {  	[bflag:$0x0] =	sbarrier.arrive $0xFFFF  }
0x15a: {  	p0 =	sne.s32 s2, $0x0;
	_ =	strace $0x90000047  }
0x15b: {  	s0 =	sadd.s32 @!p0 $0x100000, s0;
	[bflag:$0x2] =	sbarrier.arrive $0xFFFF  }
0x15c: {  	[sflag:s0] =	ssyncadd.tile.s32 @!p0 $0x1;
	_ =	shalt  }
.Lfunc_end2:
_tile_overlayer_lowered:
.L_overlay_start_2:
0x15d: {  	(tag) =	ssettag $0x2  }
0x15e: {  	s0 =	rddreg [dreg:$0x0];
	s2 =	stileid.u32  }
0x15f: {  	s1 =	rddreg [dreg:$0x1];
	p0 =	sne.s32 s2, $0x0  }
0x160: {  	s3 =	rddreg [dreg:$0x2];
	[bflag:$0x3] =	sbarrier.arrive $0xFFFF;
	s2 =	simm.s32 @!p0 $0x1C02  }
0x161: {  	[timem:s3], [sflag:s2] =	dma.local @!p0 [hbm:s0], s1  }
0x162: {  	s0 =	simm.s32 @!p0 $0x2  }
0x163: {  	_ =	swait.ge @!p0 [sflag:s0], s1  }
0x164: {  	s1 =	ssub.s32 @!p0 $0x0, s1;
	[sflag:s0] =	ssyncset.done @!p0 $0x0  }
0x165: {  	[sflag:s0] =	ssyncadd.s32 @!p0 s1  }
0x166: {  	[bflag:$0x3] =	sbarrier.arrive $0xFFFF  }
0x167: {  	_ =	shalt  }

</sc_bundles>
